<compile_context>
chip_gen: v7x
topology: tpu7x:2x2x1
jax: 0.10.2.dev20260603
libtpu: 0.0.44.dev20260713+nightly
codegen_flags: <defaults>
</compile_context>

<pallas_src>
import functools

import jax
import jax.numpy as jnp
from jax import lax
from jax.experimental import pallas as pl
from jax.experimental.pallas import tpu as pltpu
from jax.experimental.pallas import tpu_sc as plsc

N = 10000
NPAD = 10240
E = 320000
G = 128
GPAD = 144
D_IN = 128
H1 = 64
H2 = 32
NCLS = 10

NC, NS = 2, 16
NW = NC * NS
CHUNK = 128
NCH = E // CHUNK
CHB = NCH // NW
CHW = CHB + 1
RPT = NPAD // NS
BPT = NPAD // NW

_mesh = plsc.VectorSubcoreMesh(
    core_axis_name="c", subcore_axis_name="s", num_cores=NC, num_subcores=NS)

_sc_params = pltpu.CompilerParams(needs_layout_passes=False,
                                  use_tc_tiling_on_sc=False)


def _tile_chunks(wid):
    base = CHB * wid + jnp.maximum(wid - (NW - 4), 0)
    ch = CHB + jnp.where(wid >= NW - 4, 1, 0)
    return base, ch


def _deg_body(ei_hbm, bat_hbm, deg_out, cnt_out, dstv, batv, degacc, cntacc, sem):
    c = lax.axis_index("c")
    s = lax.axis_index("s")
    wid = s * NC + c
    base, ch = _tile_chunks(wid)
    cp1 = pltpu.async_copy(ei_hbm.at[1, pl.ds(base, CHW)], dstv, sem)
    cp2 = pltpu.async_copy(bat_hbm.at[pl.ds(wid * BPT, BPT)], batv, sem)
    zeros = jnp.zeros((16,), jnp.float32)

    def z1(i, carry):
        degacc[pl.ds(i * 16, 16)] = zeros
        return carry
    lax.fori_loop(0, NPAD // 16, z1, 0)

    def z2(i, carry):
        cntacc[pl.ds(i * 16, 16)] = zeros
        return carry
    lax.fori_loop(0, GPAD // 16, z2, 0)

    cp1.wait()
    cp2.wait()
    ones = jnp.ones((16,), jnp.float32)

    def st1(i, carry):
        q = i // (CHUNK // 16)
        r = i - q * (CHUNK // 16)
        plsc.addupdate_scatter(degacc, [dstv[q, pl.ds(r * 16, 16)]], ones)
        return carry
    lax.fori_loop(0, ch * (CHUNK // 16), st1, 0)

    def st2(i, carry):
        plsc.addupdate_scatter(cntacc, [batv[pl.ds(i * 16, 16)]], ones)
        return carry
    lax.fori_loop(0, BPT // 16, st2, 0)

    pltpu.sync_copy(degacc, deg_out.at[pl.ds(wid * NPAD, NPAD)])
    pltpu.sync_copy(cntacc, cnt_out.at[pl.ds(wid * GPAD, GPAD)])


_deg_call = pl.kernel(
    _deg_body,
    out_type=(jax.ShapeDtypeStruct((NW * NPAD,), jnp.float32),
              jax.ShapeDtypeStruct((NW * GPAD,), jnp.float32)),
    mesh=_mesh,
    scratch_types=(pltpu.VMEM((CHW, CHUNK), jnp.int32),
                   pltpu.VMEM((BPT,), jnp.int32),
                   pltpu.VMEM((NPAD,), jnp.float32),
                   pltpu.VMEM((GPAD,), jnp.float32),
                   pltpu.SemaphoreType.DMA),
    compiler_params=_sc_params,
)


_D = 6
_MAIN = (CHB // _D) * _D
_TAIL = CHW - _MAIN


def _agg_body(g_hbm, z_hbm, ei_hbm, acc_out, srcv, dstv, rows,
              acc_sh, sem, g0, g1, g2, g3, g4, g5, s0, s1, s2, s3, s4, s5):
    gsem = (g0, g1, g2, g3, g4, g5)
    ssem = (s0, s1, s2, s3, s4, s5)
    c = lax.axis_index("c")
    s = lax.axis_index("s")
    wid = s * NC + c
    base, ch = _tile_chunks(wid)
    cp1 = pltpu.async_copy(ei_hbm.at[0, pl.ds(base, CHW)], srcv, sem)
    cp2 = pltpu.async_copy(ei_hbm.at[1, pl.ds(base, CHW)], dstv, sem)

    r0 = s * RPT
    with jax.named_scope("agg_seed"):
        pltpu.sync_copy(z_hbm.at[pl.ds(r0, RPT)], acc_sh.at[pl.ds(r0, RPT)])
        plsc.subcore_barrier()
        cp1.wait()
        cp2.wait()

    with jax.named_scope("agg_loop"):
        for t in range(_D):
            pltpu.async_copy(g_hbm.at[srcv.at[t]], rows.at[t], gsem[t])

        def outer(k, carry):
            j0 = k * _D
            for t in range(_D):
                j = j0 + t
                pltpu.make_async_copy(g_hbm.at[srcv.at[j]], rows.at[t],
                                      gsem[t]).wait()
                pltpu.async_copy(rows.at[t], acc_sh.at[dstv.at[j]], ssem[t],
                                 add=True)
                pltpu.make_async_copy(rows.at[t], acc_sh.at[dstv.at[j]],
                                      ssem[t]).wait()

                @pl.when(j + _D < ch)
                def _():
                    pltpu.async_copy(g_hbm.at[srcv.at[j + _D]], rows.at[t],
                                     gsem[t])
            return carry
        lax.fori_loop(0, _MAIN // _D, outer, 0)
        for i in range(_TAIL):
            j = _MAIN + i

            @pl.when(j < ch)
            def _():
                pltpu.make_async_copy(g_hbm.at[srcv.at[j]], rows.at[i],
                                      gsem[i]).wait()
                pltpu.async_copy(rows.at[i], acc_sh.at[dstv.at[j]], ssem[i],
                                 add=True)
                pltpu.make_async_copy(rows.at[i], acc_sh.at[dstv.at[j]],
                                      ssem[i]).wait()

    with jax.named_scope("agg_out"):
        plsc.subcore_barrier()
        pltpu.sync_copy(acc_sh.at[pl.ds(r0, RPT)],
                        acc_out.at[pl.ds(c * NPAD + r0, RPT)])


def _make_agg(F):
    return pl.kernel(
        _agg_body,
        out_type=jax.ShapeDtypeStruct((NC * NPAD, F), jnp.float32),
        mesh=_mesh,
        scratch_types=(pltpu.VMEM((CHW, CHUNK), jnp.int32),
                       pltpu.VMEM((CHW, CHUNK), jnp.int32),
                       pltpu.VMEM((_D, CHUNK, F), jnp.float32),
                       pltpu.VMEM_SHARED((NPAD, F), jnp.float32),
                       *([pltpu.SemaphoreType.DMA] * 13)),
        compiler_params=_sc_params,
        name=f"gcn_agg_{F}",
    )


_agg64 = _make_agg(H1)
_agg32 = _make_agg(H2)


def _dinv_col(degp):
    deg = lax.dot_general(degp, jnp.ones((NW, 1), jnp.float32),
                          (((0,), (0,)), ((), ()))) + 1.0
    rid = lax.broadcasted_iota(jnp.int32, (NPAD, 1), 0)
    return jnp.where(rid < N, lax.rsqrt(deg), 0.0)


def _tc1a_body(x_ref, w1_ref, h1_ref):
    h1_ref[...] = jnp.dot(x_ref[...], w1_ref[...],
                          preferred_element_type=jnp.float32)


_tc1a_call = pl.pallas_call(
    _tc1a_body,
    out_shape=jax.ShapeDtypeStruct((N, H1), jnp.float32),
)


def _tc1b_body(h1_ref, degp_ref, g1_ref):
    dinv = _dinv_col(degp_ref[...])
    g1_ref[0:N, :] = h1_ref[...] * dinv[0:N, :]
    g1_ref[N:NPAD, :] = jnp.zeros((NPAD - N, H1), jnp.float32)


_tc1b_call = pl.pallas_call(
    _tc1b_body,
    out_shape=jax.ShapeDtypeStruct((NPAD, H1), jnp.float32),
)


def _post_conv(acc_ref, g_ref, degp_ref, b_ref, ga_ref, be_ref):
    dinv = _dinv_col(degp_ref[...])
    a = acc_ref[0:NPAD, :] + acc_ref[NPAD:2 * NPAD, :] + g_ref[...]
    out = a * dinv + b_ref[...]
    rid = lax.broadcasted_iota(jnp.int32, (NPAD, 1), 0)
    vm = jnp.where(rid < N, 1.0, 0.0)
    mean = jnp.sum(out * vm, axis=0, keepdims=True) * (1.0 / N)
    dev = (out - mean) * vm
    var = jnp.sum(dev * dev, axis=0, keepdims=True) * (1.0 / N)
    bn = (out - mean) * lax.rsqrt(var + 1e-5) * ga_ref[...] + be_ref[...]
    return jnp.maximum(bn, 0.0), dinv, vm


def _tc2_body(acc_ref, g1_ref, degp_ref, b1_ref, ga1_ref, be1_ref,
              w2_ref, g2_ref):
    h, dinv, _ = _post_conv(acc_ref, g1_ref, degp_ref, b1_ref,
                            ga1_ref, be1_ref)
    g2_ref[...] = jnp.dot(h, w2_ref[...], preferred_element_type=jnp.float32) * dinv


_tc2_call = pl.pallas_call(
    _tc2_body,
    out_shape=jax.ShapeDtypeStruct((NPAD, H2), jnp.float32),
)


def _tc3a_body(acc_ref, g2_ref, degp_ref, b2_ref, ga2_ref, be2_ref,
               h3_ref):
    h, _, vm = _post_conv(acc_ref, g2_ref, degp_ref, b2_ref,
                          ga2_ref, be2_ref)
    h3_ref[...] = h * vm


_tc3a_call = pl.pallas_call(
    _tc3a_body,
    out_shape=jax.ShapeDtypeStruct((NPAD, H2), jnp.float32),
)

_NBLK = 10
_BLK = NPAD // _NBLK


def _tc3b_body(h_ref, bat_ref, cntp_ref, wl_ref, bl_ref, out_ref, pacc):
    i = pl.program_id(0)

    @pl.when(i == 0)
    def _():
        pacc[...] = jnp.zeros_like(pacc)

    gid = lax.broadcasted_iota(jnp.int32, (G, _BLK), 0)
    m = jnp.where(bat_ref[0] == gid, 1.0, 0.0)
    pacc[...] += jnp.dot(m, h_ref[...], preferred_element_type=jnp.float32)

    @pl.when(i == _NBLK - 1)
    def _():
        cnts = lax.dot_general(cntp_ref[...], jnp.ones((NW, 1), jnp.float32),
                               (((0,), (0,)), ((), ())))[0:G, :]
        pooled = pacc[...] / jnp.maximum(cnts, 1.0)
        logits = jnp.dot(pooled, wl_ref[...],
                         preferred_element_type=jnp.float32) + bl_ref[...]
        mx = jnp.max(logits, axis=1, keepdims=True)
        lse = jnp.log(jnp.sum(jnp.exp(logits - mx), axis=1, keepdims=True)) + mx
        out_ref[...] = logits - lse


_tc3b_call = pl.pallas_call(
    _tc3b_body,
    grid=(_NBLK,),
    in_specs=[
        pl.BlockSpec((_BLK, H2), lambda i: (i, 0)),
        pl.BlockSpec((1, 1, _BLK), lambda i: (i, 0, 0)),
        pl.BlockSpec((NW, GPAD), lambda i: (0, 0)),
        pl.BlockSpec((H2, NCLS), lambda i: (0, 0)),
        pl.BlockSpec((1, NCLS), lambda i: (0, 0)),
    ],
    out_specs=pl.BlockSpec((G, NCLS), lambda i: (0, 0)),
    out_shape=jax.ShapeDtypeStruct((G, NCLS), jnp.float32),
    scratch_shapes=[pltpu.VMEM((G, H2), jnp.float32)],
)


@functools.partial(jax.jit, static_argnums=())
def kernel(x, edge_index, batch, W1, b1, gamma1, beta1, W2, b2, gamma2, beta2,
           Wlin, blin):
    ei = edge_index.astype(jnp.int32).reshape(2, NCH, CHUNK)
    bat_p = jnp.concatenate(
        [batch.astype(jnp.int32), jnp.full((NPAD - N,), G, jnp.int32)])

    deg_f, cnt_f = _deg_call(ei, bat_p)
    degp = deg_f.reshape(NW, NPAD)
    cntp = cnt_f.reshape(NW, GPAD)
    h1 = _tc1a_call(x, W1)
    g1 = _tc1b_call(h1, degp)
    acc1 = _agg64(g1, jnp.zeros((NPAD, H1), jnp.float32), ei)
    g2 = _tc2_call(acc1, g1, degp, b1.reshape(1, H1),
                   gamma1.reshape(1, H1), beta1.reshape(1, H1), W2)
    acc2 = _agg32(g2, jnp.zeros((NPAD, H2), jnp.float32), ei)
    h3 = _tc3a_call(acc2, g2, degp, b2.reshape(1, H2),
                    gamma2.reshape(1, H2), beta2.reshape(1, H2))
    return _tc3b_call(h3, bat_p.reshape(_NBLK, 1, _BLK), cntp, Wlin,
                      blin.reshape(1, NCLS))

# --- scband reference (transcript-rebuilt; emitter-appended) ---
"""Pipeline reference for scband-gcn-51702816309749 (READ-ONLY COPY).

The authoritative reference and input builder live on the scoring server;
editing this copy changes nothing except your own understanding.
"""

import jax, jax.numpy as jnp
import numpy as np

N_NODES = 10000
N_EDGES = 320000
D_IN = 128
H1 = 64
H2 = 32
N_CLASSES = 10
N_GRAPHS = 128


def setup_inputs(seed: int = 0) -> dict:
    key = jax.random.key(seed)
    ks = jax.random.split(key, 16)
    x = jax.random.normal(ks[0], (N_NODES, D_IN), dtype=jnp.float32)
    edge_index = jax.random.randint(ks[1], (2, N_EDGES), 0, N_NODES, dtype=jnp.int64)
    batch = jnp.sort(jax.random.randint(ks[2], (N_NODES,), 0, N_GRAPHS, dtype=jnp.int64))
    W1 = jax.random.normal(ks[3], (D_IN, H1), dtype=jnp.float32) * (1.0 / np.sqrt(D_IN))
    b1 = jnp.zeros((H1,), dtype=jnp.float32)
    gamma1 = jnp.ones((H1,), dtype=jnp.float32)
    beta1 = jnp.zeros((H1,), dtype=jnp.float32)
    W2 = jax.random.normal(ks[4], (H1, H2), dtype=jnp.float32) * (1.0 / np.sqrt(H1))
    b2 = jnp.zeros((H2,), dtype=jnp.float32)
    gamma2 = jnp.ones((H2,), dtype=jnp.float32)
    beta2 = jnp.zeros((H2,), dtype=jnp.float32)
    Wlin = jax.random.normal(ks[5], (H2, N_CLASSES), dtype=jnp.float32) * (1.0 / np.sqrt(H2))
    blin = jnp.zeros((N_CLASSES,), dtype=jnp.float32)
    return {"x": x, "edge_index": edge_index, "batch": batch,
            "W1": W1, "b1": b1, "gamma1": gamma1, "beta1": beta1,
            "W2": W2, "b2": b2, "gamma2": gamma2, "beta2": beta2,
            "Wlin": Wlin, "blin": blin}


def _gcn_conv(x, src, dst, W, b, n_nodes):
    # symmetric normalization with self-loops: D^{-1/2} (A+I) D^{-1/2} X W + b
    loop = jnp.arange(n_nodes, dtype=src.dtype)
    s = jnp.concatenate([src, loop])
    d = jnp.concatenate([dst, loop])
    deg = jnp.zeros((n_nodes,), dtype=jnp.float32).at[d].add(1.0)
    dinv = jnp.where(deg > 0, 1.0 / jnp.sqrt(deg), 0.0)
    norm = dinv[s] * dinv[d]
    h = x @ W
    msg = jnp.take(h, s, axis=0) * norm[:, None]
    out = jnp.zeros((n_nodes, W.shape[1]), dtype=x.dtype).at[d].add(msg)
    return out + b


def _batchnorm(x, gamma, beta, eps=1e-5):
    mean = jnp.mean(x, axis=0, keepdims=True)
    var = jnp.var(x, axis=0, keepdims=True)
    return (x - mean) / jnp.sqrt(var + eps) * gamma + beta


def reference(x, edge_index, batch, W1, b1, gamma1, beta1, W2, b2, gamma2, beta2, Wlin, blin):
    src, dst = edge_index[0], edge_index[1]
    h = _gcn_conv(x, src, dst, W1, b1, N_NODES)
    h = jax.nn.relu(_batchnorm(h, gamma1, beta1))
    # dropout is identity in eval mode
    h = _gcn_conv(h, src, dst, W2, b2, N_NODES)
    h = jax.nn.relu(_batchnorm(h, gamma2, beta2))
    # global mean pool over graphs
    sums = jax.ops.segment_sum(h, batch, num_segments=N_GRAPHS)
    cnts = jax.ops.segment_sum(jnp.ones((N_NODES,), dtype=h.dtype), batch, num_segments=N_GRAPHS)
    pooled = sums / jnp.clip(cnts, 1.0)[:, None]
    logits = pooled @ Wlin + blin
    return jax.nn.log_softmax(logits, axis=1)

if __name__ == "__main__":
    import jax
    _d = setup_inputs()
    print(jax.jit(kernel)(*tuple(_d.values())))

</pallas_src>

<mosaic_0001>
#map = affine_map<(d0, d1) -> (0, 0)>
#map1 = affine_map<(d0, d1) -> (0, 0, 0)>
module attributes {stable_mosaic.version = 14 : i64} {
  func.func @gcn_agg_64(%arg0: i32, %arg1: i32, %arg2: memref<10240x64xf32, #tpu.memory_space<hbm>>, %arg3: memref<10240x64xf32, #tpu.memory_space<hbm>>, %arg4: memref<2x2500x128xi32, #tpu.memory_space<hbm>>, %arg5: memref<20480x64xf32, #tpu.memory_space<hbm>>, %arg6: memref<79x128xi32, #tpu.memory_space<vmem>>, %arg7: memref<79x128xi32, #tpu.memory_space<vmem>>, %arg8: memref<6x128x64xf32, #tpu.memory_space<vmem>>, %arg9: memref<10240x64xf32, #tpu.memory_space<vmem_shared>>, %arg10: memref<!tpu.dma_semaphore, #tpu.memory_space<semaphore_mem>>, %arg11: memref<!tpu.dma_semaphore, #tpu.memory_space<semaphore_mem>>, %arg12: memref<!tpu.dma_semaphore, #tpu.memory_space<semaphore_mem>>, %arg13: memref<!tpu.dma_semaphore, #tpu.memory_space<semaphore_mem>>, %arg14: memref<!tpu.dma_semaphore, #tpu.memory_space<semaphore_mem>>, %arg15: memref<!tpu.dma_semaphore, #tpu.memory_space<semaphore_mem>>, %arg16: memref<!tpu.dma_semaphore, #tpu.memory_space<semaphore_mem>>, %arg17: memref<!tpu.dma_semaphore, #tpu.memory_space<semaphore_mem>>, %arg18: memref<!tpu.dma_semaphore, #tpu.memory_space<semaphore_mem>>, %arg19: memref<!tpu.dma_semaphore, #tpu.memory_space<semaphore_mem>>, %arg20: memref<!tpu.dma_semaphore, #tpu.memory_space<semaphore_mem>>, %arg21: memref<!tpu.dma_semaphore, #tpu.memory_space<semaphore_mem>>, %arg22: memref<!tpu.dma_semaphore, #tpu.memory_space<semaphore_mem>>) attributes {dimension_semantics = [#tpu.dimension_semantics<core_parallel>, #tpu.dimension_semantics<subcore_parallel>], iteration_bounds = array<i64: 2, 16>, scalar_prefetch = 0 : i64, scratch_operands = 17 : i64, tpu.core_type = #tpu.core_type<sc_vector_subcore>, window_params = [{transform_indices = #map}, {transform_indices = #map}, {transform_indices = #map1}, {transform_indices = #map}]} {
    %mul3A = arith.constant 2 : i32
    %mul3A_0 = arith.muli %arg1, %mul3A : i32
    %add3A = arith.addi %mul3A_0, %arg0 : i32
    %mul3A_1 = arith.constant 78 : i32
    %mul3A_2 = arith.muli %mul3A_1, %add3A : i32
    %sub3A = arith.constant 28 : i32
    %sub3A_3 = arith.subi %add3A, %sub3A : i32
    %max3A = arith.constant 0 : i32
    %max3A_4 = arith.maxsi %sub3A_3, %max3A : i32
    %add3A_5 = arith.addi %mul3A_2, %max3A_4 : i32
    %ge3A = arith.constant 28 : i32
    %ge3A_6 = arith.cmpi sge, %add3A, %ge3A : i32
    %jit3A = arith.constant 1 : i32
    %jit3A_7 = arith.constant 0 : i32
    %select_n3A = arith.select %ge3A_6, %jit3A, %jit3A_7 : i32
    %add3A_8 = arith.constant 78 : i32
    %add3A_9 = arith.addi %add3A_8, %select_n3A : i32
    %dma_start3A = arith.constant 0 : i32
    %dma_start3A_10 = arith.constant 0 : i32
    %dma_start3A_11 = tpu.memref_slice %arg4[%dma_start3A, %add3A_5, %dma_start3A_10] : memref<2x2500x128xi32, #tpu.memory_space<hbm>> -> memref<1x79x128xi32, #tpu.memory_space<hbm>>
    %dma_start3A_12 = tpu.memref_squeeze %dma_start3A_11 : memref<1x79x128xi32, #tpu.memory_space<hbm>> -> memref<79x128xi32, #tpu.memory_space<hbm>>
    %dma_start3A_13 = arith.constant 0 : i32
    %dma_start3A_14 = tpu.memref_slice %arg4[%dma_start3A, %add3A_5, %dma_start3A_13] : memref<2x2500x128xi32, #tpu.memory_space<hbm>> -> memref<1x79x128xi32, #tpu.memory_space<hbm>>
    %dma_start3A_15 = tpu.memref_squeeze %dma_start3A_14 : memref<1x79x128xi32, #tpu.memory_space<hbm>> -> memref<79x128xi32, #tpu.memory_space<hbm>>
    tpu.enqueue_dma source(%dma_start3A_15 : memref<79x128xi32, #tpu.memory_space<hbm>>) target(%arg6 : memref<79x128xi32, #tpu.memory_space<vmem>>) target_semaphore(%arg10 : memref<!tpu.dma_semaphore, #tpu.memory_space<semaphore_mem>>)
    %dma_start3A_16 = arith.constant 1 : i32
    %dma_start3A_17 = arith.constant 0 : i32
    %dma_start3A_18 = tpu.memref_slice %arg4[%dma_start3A_16, %add3A_5, %dma_start3A_17] : memref<2x2500x128xi32, #tpu.memory_space<hbm>> -> memref<1x79x128xi32, #tpu.memory_space<hbm>>
    %dma_start3A_19 = tpu.memref_squeeze %dma_start3A_18 : memref<1x79x128xi32, #tpu.memory_space<hbm>> -> memref<79x128xi32, #tpu.memory_space<hbm>>
    %dma_start3A_20 = arith.constant 0 : i32
    %dma_start3A_21 = tpu.memref_slice %arg4[%dma_start3A_16, %add3A_5, %dma_start3A_20] : memref<2x2500x128xi32, #tpu.memory_space<hbm>> -> memref<1x79x128xi32, #tpu.memory_space<hbm>>
    %dma_start3A_22 = tpu.memref_squeeze %dma_start3A_21 : memref<1x79x128xi32, #tpu.memory_space<hbm>> -> memref<79x128xi32, #tpu.memory_space<hbm>>
    tpu.enqueue_dma source(%dma_start3A_22 : memref<79x128xi32, #tpu.memory_space<hbm>>) target(%arg7 : memref<79x128xi32, #tpu.memory_space<vmem>>) target_semaphore(%arg10 : memref<!tpu.dma_semaphore, #tpu.memory_space<semaphore_mem>>)
    %mul3A_23 = arith.constant 640 : i32
    %mul3A_24 = arith.muli %arg1, %mul3A_23 : i32
    "tpu.trace_start"() <{level = 10 : i32, message = "agg_seed"}> : () -> ()
    "tpu.region"() ({
      %run_scoped3A = tpu.sem_alloc : memref<!tpu.dma_semaphore, #tpu.memory_space<semaphore_mem>>
      %dma_start3A_121 = arith.constant 0 : i32
      %dma_start3A_122 = tpu.memref_slice %arg9[%mul3A_24, %dma_start3A_121] : memref<10240x64xf32, #tpu.memory_space<vmem_shared>> -> memref<640x64xf32, #tpu.memory_space<vmem_shared>>
      %dma_start3A_123 = arith.constant 0 : i32
      %dma_start3A_124 = tpu.memref_slice %arg3[%mul3A_24, %dma_start3A_123] : memref<10240x64xf32, #tpu.memory_space<hbm>> -> memref<640x64xf32, #tpu.memory_space<hbm>>
      tpu.enqueue_dma source(%dma_start3A_124 : memref<640x64xf32, #tpu.memory_space<hbm>>) target(%dma_start3A_122 : memref<640x64xf32, #tpu.memory_space<vmem_shared>>) target_semaphore(%run_scoped3A : memref<!tpu.dma_semaphore, #tpu.memory_space<semaphore_mem>>)
      %dma_wait3A_125 = arith.constant 0 : i32
      %dma_wait3A_126 = tpu.memref_slice %arg9[%mul3A_24, %dma_wait3A_125] : memref<10240x64xf32, #tpu.memory_space<vmem_shared>> -> memref<640x64xf32, #tpu.memory_space<vmem_shared>>
      %dma_wait3A_127 = arith.constant 0 : i32
      %dma_wait3A_128 = tpu.memref_slice %arg3[%mul3A_24, %dma_wait3A_127] : memref<10240x64xf32, #tpu.memory_space<hbm>> -> memref<640x64xf32, #tpu.memory_space<hbm>>
      tpu.wait_dma2 semaphore(%run_scoped3A : memref<!tpu.dma_semaphore, #tpu.memory_space<semaphore_mem>>) src(%dma_wait3A_128 : memref<640x64xf32, #tpu.memory_space<hbm>>) dst(%dma_wait3A_126 : memref<640x64xf32, #tpu.memory_space<vmem_shared>>)
      tpu.yield
    }) : () -> ()
    %barrier3A = arith.constant 0 : index
    tpu.barrier barrier_id(%barrier3A)
    %dma_wait3A = arith.constant 0 : i32
    %dma_wait3A_25 = arith.constant 0 : i32
    %dma_wait3A_26 = tpu.memref_slice %arg4[%dma_wait3A, %add3A_5, %dma_wait3A_25] : memref<2x2500x128xi32, #tpu.memory_space<hbm>> -> memref<1x79x128xi32, #tpu.memory_space<hbm>>
    %dma_wait3A_27 = tpu.memref_squeeze %dma_wait3A_26 : memref<1x79x128xi32, #tpu.memory_space<hbm>> -> memref<79x128xi32, #tpu.memory_space<hbm>>
    %dma_wait3A_28 = arith.constant 0 : i32
    %dma_wait3A_29 = tpu.memref_slice %arg4[%dma_wait3A, %add3A_5, %dma_wait3A_28] : memref<2x2500x128xi32, #tpu.memory_space<hbm>> -> memref<1x79x128xi32, #tpu.memory_space<hbm>>
    %dma_wait3A_30 = tpu.memref_squeeze %dma_wait3A_29 : memref<1x79x128xi32, #tpu.memory_space<hbm>> -> memref<79x128xi32, #tpu.memory_space<hbm>>
    tpu.wait_dma2 semaphore(%arg10 : memref<!tpu.dma_semaphore, #tpu.memory_space<semaphore_mem>>) src(%dma_wait3A_30 : memref<79x128xi32, #tpu.memory_space<hbm>>) dst(%arg6 : memref<79x128xi32, #tpu.memory_space<vmem>>)
    %dma_wait3A_31 = arith.constant 1 : i32
    %dma_wait3A_32 = arith.constant 0 : i32
    %dma_wait3A_33 = tpu.memref_slice %arg4[%dma_wait3A_31, %add3A_5, %dma_wait3A_32] : memref<2x2500x128xi32, #tpu.memory_space<hbm>> -> memref<1x79x128xi32, #tpu.memory_space<hbm>>
    %dma_wait3A_34 = tpu.memref_squeeze %dma_wait3A_33 : memref<1x79x128xi32, #tpu.memory_space<hbm>> -> memref<79x128xi32, #tpu.memory_space<hbm>>
    %dma_wait3A_35 = arith.constant 0 : i32
    %dma_wait3A_36 = tpu.memref_slice %arg4[%dma_wait3A_31, %add3A_5, %dma_wait3A_35] : memref<2x2500x128xi32, #tpu.memory_space<hbm>> -> memref<1x79x128xi32, #tpu.memory_space<hbm>>
    %dma_wait3A_37 = tpu.memref_squeeze %dma_wait3A_36 : memref<1x79x128xi32, #tpu.memory_space<hbm>> -> memref<79x128xi32, #tpu.memory_space<hbm>>
    tpu.wait_dma2 semaphore(%arg10 : memref<!tpu.dma_semaphore, #tpu.memory_space<semaphore_mem>>) src(%dma_wait3A_37 : memref<79x128xi32, #tpu.memory_space<hbm>>) dst(%arg7 : memref<79x128xi32, #tpu.memory_space<vmem>>)
    %dma_start3A_38 = arith.constant 0 : i32
    %dma_start3A_39 = arith.constant 0 : i32
    "tpu.trace_stop"() : () -> ()
    "tpu.trace_start"() <{level = 10 : i32, message = "agg_loop"}> : () -> ()
    %dma_start3A_40 = arith.constant 0 : i32
    %dma_start3A_41 = arith.constant 0 : i32
    %dma_start3A_42 = tpu.memref_slice %arg8[%dma_start3A_39, %dma_start3A_40, %dma_start3A_41] : memref<6x128x64xf32, #tpu.memory_space<vmem>> -> memref<1x128x64xf32, #tpu.memory_space<vmem>>
    %dma_start3A_43 = tpu.memref_squeeze %dma_start3A_42 : memref<1x128x64xf32, #tpu.memory_space<vmem>> -> memref<128x64xf32, #tpu.memory_space<vmem>>
    %dma_start3A_44 = arith.constant 0 : i32
    %dma_start3A_45 = tpu.memref_slice %arg6[%dma_start3A_38, %dma_start3A_44] : memref<79x128xi32, #tpu.memory_space<vmem>> -> memref<1x128xi32, #tpu.memory_space<vmem>>
    %dma_start3A_46 = tpu.memref_squeeze %dma_start3A_45 : memref<1x128xi32, #tpu.memory_space<vmem>> -> memref<128xi32, #tpu.memory_space<vmem>>
    %dma_start3A_47 = arith.constant 0 : i32
    %dma_start3A_48 = arith.constant 0 : i32
    %dma_start3A_49 = tpu.memref_slice %arg2[%dma_start3A_47, %dma_start3A_48] : memref<10240x64xf32, #tpu.memory_space<hbm>> -> memref<10240x64xf32, #tpu.memory_space<hbm>>
    tpu.enqueue_indirect_dma source(%dma_start3A_49 : memref<10240x64xf32, #tpu.memory_space<hbm>>) target(%dma_start3A_43 : memref<128x64xf32, #tpu.memory_space<vmem>>) offsets(%dma_start3A_46 : memref<128xi32, #tpu.memory_space<vmem>>) semaphore(%arg11 : memref<!tpu.dma_semaphore, #tpu.memory_space<semaphore_mem>>)
    %dma_start3A_50 = arith.constant 1 : i32
    %dma_start3A_51 = arith.constant 1 : i32
    %dma_start3A_52 = arith.constant 0 : i32
    %dma_start3A_53 = arith.constant 0 : i32
    %dma_start3A_54 = tpu.memref_slice %arg8[%dma_start3A_51, %dma_start3A_52, %dma_start3A_53] : memref<6x128x64xf32, #tpu.memory_space<vmem>> -> memref<1x128x64xf32, #tpu.memory_space<vmem>>
    %dma_start3A_55 = tpu.memref_squeeze %dma_start3A_54 : memref<1x128x64xf32, #tpu.memory_space<vmem>> -> memref<128x64xf32, #tpu.memory_space<vmem>>
    %dma_start3A_56 = arith.constant 0 : i32
    %dma_start3A_57 = tpu.memref_slice %arg6[%dma_start3A_50, %dma_start3A_56] : memref<79x128xi32, #tpu.memory_space<vmem>> -> memref<1x128xi32, #tpu.memory_space<vmem>>
    %dma_start3A_58 = tpu.memref_squeeze %dma_start3A_57 : memref<1x128xi32, #tpu.memory_space<vmem>> -> memref<128xi32, #tpu.memory_space<vmem>>
    %dma_start3A_59 = arith.constant 0 : i32
    %dma_start3A_60 = arith.constant 0 : i32
    %dma_start3A_61 = tpu.memref_slice %arg2[%dma_start3A_59, %dma_start3A_60] : memref<10240x64xf32, #tpu.memory_space<hbm>> -> memref<10240x64xf32, #tpu.memory_space<hbm>>
    tpu.enqueue_indirect_dma source(%dma_start3A_61 : memref<10240x64xf32, #tpu.memory_space<hbm>>) target(%dma_start3A_55 : memref<128x64xf32, #tpu.memory_space<vmem>>) offsets(%dma_start3A_58 : memref<128xi32, #tpu.memory_space<vmem>>) semaphore(%arg12 : memref<!tpu.dma_semaphore, #tpu.memory_space<semaphore_mem>>)
    %dma_start3A_62 = arith.constant 2 : i32
    %dma_start3A_63 = arith.constant 2 : i32
    %dma_start3A_64 = arith.constant 0 : i32
    %dma_start3A_65 = arith.constant 0 : i32
    %dma_start3A_66 = tpu.memref_slice %arg8[%dma_start3A_63, %dma_start3A_64, %dma_start3A_65] : memref<6x128x64xf32, #tpu.memory_space<vmem>> -> memref<1x128x64xf32, #tpu.memory_space<vmem>>
    %dma_start3A_67 = tpu.memref_squeeze %dma_start3A_66 : memref<1x128x64xf32, #tpu.memory_space<vmem>> -> memref<128x64xf32, #tpu.memory_space<vmem>>
    %dma_start3A_68 = arith.constant 0 : i32
    %dma_start3A_69 = tpu.memref_slice %arg6[%dma_start3A_62, %dma_start3A_68] : memref<79x128xi32, #tpu.memory_space<vmem>> -> memref<1x128xi32, #tpu.memory_space<vmem>>
    %dma_start3A_70 = tpu.memref_squeeze %dma_start3A_69 : memref<1x128xi32, #tpu.memory_space<vmem>> -> memref<128xi32, #tpu.memory_space<vmem>>
    %dma_start3A_71 = arith.constant 0 : i32
    %dma_start3A_72 = arith.constant 0 : i32
    %dma_start3A_73 = tpu.memref_slice %arg2[%dma_start3A_71, %dma_start3A_72] : memref<10240x64xf32, #tpu.memory_space<hbm>> -> memref<10240x64xf32, #tpu.memory_space<hbm>>
    tpu.enqueue_indirect_dma source(%dma_start3A_73 : memref<10240x64xf32, #tpu.memory_space<hbm>>) target(%dma_start3A_67 : memref<128x64xf32, #tpu.memory_space<vmem>>) offsets(%dma_start3A_70 : memref<128xi32, #tpu.memory_space<vmem>>) semaphore(%arg13 : memref<!tpu.dma_semaphore, #tpu.memory_space<semaphore_mem>>)
    %dma_start3A_74 = arith.constant 3 : i32
    %dma_start3A_75 = arith.constant 3 : i32
    %dma_start3A_76 = arith.constant 0 : i32
    %dma_start3A_77 = arith.constant 0 : i32
    %dma_start3A_78 = tpu.memref_slice %arg8[%dma_start3A_75, %dma_start3A_76, %dma_start3A_77] : memref<6x128x64xf32, #tpu.memory_space<vmem>> -> memref<1x128x64xf32, #tpu.memory_space<vmem>>
    %dma_start3A_79 = tpu.memref_squeeze %dma_start3A_78 : memref<1x128x64xf32, #tpu.memory_space<vmem>> -> memref<128x64xf32, #tpu.memory_space<vmem>>
    %dma_start3A_80 = arith.constant 0 : i32
    %dma_start3A_81 = tpu.memref_slice %arg6[%dma_start3A_74, %dma_start3A_80] : memref<79x128xi32, #tpu.memory_space<vmem>> -> memref<1x128xi32, #tpu.memory_space<vmem>>
    %dma_start3A_82 = tpu.memref_squeeze %dma_start3A_81 : memref<1x128xi32, #tpu.memory_space<vmem>> -> memref<128xi32, #tpu.memory_space<vmem>>
    %dma_start3A_83 = arith.constant 0 : i32
    %dma_start3A_84 = arith.constant 0 : i32
    %dma_start3A_85 = tpu.memref_slice %arg2[%dma_start3A_83, %dma_start3A_84] : memref<10240x64xf32, #tpu.memory_space<hbm>> -> memref<10240x64xf32, #tpu.memory_space<hbm>>
    tpu.enqueue_indirect_dma source(%dma_start3A_85 : memref<10240x64xf32, #tpu.memory_space<hbm>>) target(%dma_start3A_79 : memref<128x64xf32, #tpu.memory_space<vmem>>) offsets(%dma_start3A_82 : memref<128xi32, #tpu.memory_space<vmem>>) semaphore(%arg14 : memref<!tpu.dma_semaphore, #tpu.memory_space<semaphore_mem>>)
    %dma_start3A_86 = arith.constant 4 : i32
    %dma_start3A_87 = arith.constant 4 : i32
    %dma_start3A_88 = arith.constant 0 : i32
    %dma_start3A_89 = arith.constant 0 : i32
    %dma_start3A_90 = tpu.memref_slice %arg8[%dma_start3A_87, %dma_start3A_88, %dma_start3A_89] : memref<6x128x64xf32, #tpu.memory_space<vmem>> -> memref<1x128x64xf32, #tpu.memory_space<vmem>>
    %dma_start3A_91 = tpu.memref_squeeze %dma_start3A_90 : memref<1x128x64xf32, #tpu.memory_space<vmem>> -> memref<128x64xf32, #tpu.memory_space<vmem>>
    %dma_start3A_92 = arith.constant 0 : i32
    %dma_start3A_93 = tpu.memref_slice %arg6[%dma_start3A_86, %dma_start3A_92] : memref<79x128xi32, #tpu.memory_space<vmem>> -> memref<1x128xi32, #tpu.memory_space<vmem>>
    %dma_start3A_94 = tpu.memref_squeeze %dma_start3A_93 : memref<1x128xi32, #tpu.memory_space<vmem>> -> memref<128xi32, #tpu.memory_space<vmem>>
    %dma_start3A_95 = arith.constant 0 : i32
    %dma_start3A_96 = arith.constant 0 : i32
    %dma_start3A_97 = tpu.memref_slice %arg2[%dma_start3A_95, %dma_start3A_96] : memref<10240x64xf32, #tpu.memory_space<hbm>> -> memref<10240x64xf32, #tpu.memory_space<hbm>>
    tpu.enqueue_indirect_dma source(%dma_start3A_97 : memref<10240x64xf32, #tpu.memory_space<hbm>>) target(%dma_start3A_91 : memref<128x64xf32, #tpu.memory_space<vmem>>) offsets(%dma_start3A_94 : memref<128xi32, #tpu.memory_space<vmem>>) semaphore(%arg15 : memref<!tpu.dma_semaphore, #tpu.memory_space<semaphore_mem>>)
    %dma_start3A_98 = arith.constant 5 : i32
    %dma_start3A_99 = arith.constant 5 : i32
    %dma_start3A_100 = arith.constant 0 : i32
    %dma_start3A_101 = arith.constant 0 : i32
    %dma_start3A_102 = tpu.memref_slice %arg8[%dma_start3A_99, %dma_start3A_100, %dma_start3A_101] : memref<6x128x64xf32, #tpu.memory_space<vmem>> -> memref<1x128x64xf32, #tpu.memory_space<vmem>>
    %dma_start3A_103 = tpu.memref_squeeze %dma_start3A_102 : memref<1x128x64xf32, #tpu.memory_space<vmem>> -> memref<128x64xf32, #tpu.memory_space<vmem>>
    %dma_start3A_104 = arith.constant 0 : i32
    %dma_start3A_105 = tpu.memref_slice %arg6[%dma_start3A_98, %dma_start3A_104] : memref<79x128xi32, #tpu.memory_space<vmem>> -> memref<1x128xi32, #tpu.memory_space<vmem>>
    %dma_start3A_106 = tpu.memref_squeeze %dma_start3A_105 : memref<1x128xi32, #tpu.memory_space<vmem>> -> memref<128xi32, #tpu.memory_space<vmem>>
    %dma_start3A_107 = arith.constant 0 : i32
    %dma_start3A_108 = arith.constant 0 : i32
    %dma_start3A_109 = tpu.memref_slice %arg2[%dma_start3A_107, %dma_start3A_108] : memref<10240x64xf32, #tpu.memory_space<hbm>> -> memref<10240x64xf32, #tpu.memory_space<hbm>>
    tpu.enqueue_indirect_dma source(%dma_start3A_109 : memref<10240x64xf32, #tpu.memory_space<hbm>>) target(%dma_start3A_103 : memref<128x64xf32, #tpu.memory_space<vmem>>) offsets(%dma_start3A_106 : memref<128xi32, #tpu.memory_space<vmem>>) semaphore(%arg16 : memref<!tpu.dma_semaphore, #tpu.memory_space<semaphore_mem>>)
    %scan3A = arith.constant 0 : i32
    %scan3A_110 = arith.constant 0 : i32
    %scan3A_111 = arith.constant 13 : i32
    %scan3A_112 = arith.addi %scan3A_110, %scan3A_111 : i32
    %scan3A_113 = arith.constant 1 : i32
    scf.for %scan3A_121 = %scan3A_110 to %scan3A_112 step %scan3A_113  : i32 {
      %mul3A_122 = arith.constant 6 : i32
      %mul3A_123 = arith.muli %scan3A_121, %mul3A_122 : i32
      %add3A_124 = arith.constant 0 : i32
      %add3A_125 = arith.addi %mul3A_123, %add3A_124 : i32
      %dma_wait3A_126 = arith.constant 0 : i32
      %dma_wait3A_127 = arith.constant 0 : i32
      %dma_wait3A_128 = arith.constant 0 : i32
      %dma_wait3A_129 = tpu.memref_slice %arg8[%dma_wait3A_126, %dma_wait3A_127, %dma_wait3A_128] : memref<6x128x64xf32, #tpu.memory_space<vmem>> -> memref<1x128x64xf32, #tpu.memory_space<vmem>>
      %dma_wait3A_130 = tpu.memref_squeeze %dma_wait3A_129 : memref<1x128x64xf32, #tpu.memory_space<vmem>> -> memref<128x64xf32, #tpu.memory_space<vmem>>
      %dma_wait3A_131 = arith.constant 0 : i32
      %dma_wait3A_132 = tpu.memref_slice %arg6[%add3A_125, %dma_wait3A_131] : memref<79x128xi32, #tpu.memory_space<vmem>> -> memref<1x128xi32, #tpu.memory_space<vmem>>
      %dma_wait3A_133 = tpu.memref_squeeze %dma_wait3A_132 : memref<1x128xi32, #tpu.memory_space<vmem>> -> memref<128xi32, #tpu.memory_space<vmem>>
      %dma_wait3A_134 = arith.constant 0 : i32
      %dma_wait3A_135 = arith.constant 0 : i32
      %dma_wait3A_136 = tpu.memref_slice %arg2[%dma_wait3A_134, %dma_wait3A_135] : memref<10240x64xf32, #tpu.memory_space<hbm>> -> memref<10240x64xf32, #tpu.memory_space<hbm>>
      tpu.wait_indirect_dma semaphore(%arg11 : memref<!tpu.dma_semaphore, #tpu.memory_space<semaphore_mem>>) src(%dma_wait3A_136 : memref<10240x64xf32, #tpu.memory_space<hbm>>) dst(%dma_wait3A_130 : memref<128x64xf32, #tpu.memory_space<vmem>>)
      %dma_start3A_137 = arith.constant 0 : i32
      %dma_start3A_138 = arith.constant 0 : i32
      %dma_start3A_139 = arith.constant 0 : i32
      %dma_start3A_140 = tpu.memref_slice %arg8[%dma_start3A_137, %dma_start3A_138, %dma_start3A_139] : memref<6x128x64xf32, #tpu.memory_space<vmem>> -> memref<1x128x64xf32, #tpu.memory_space<vmem>>
      %dma_start3A_141 = tpu.memref_squeeze %dma_start3A_140 : memref<1x128x64xf32, #tpu.memory_space<vmem>> -> memref<128x64xf32, #tpu.memory_space<vmem>>
      %dma_start3A_142 = arith.constant 0 : i32
      %dma_start3A_143 = tpu.memref_slice %arg7[%add3A_125, %dma_start3A_142] : memref<79x128xi32, #tpu.memory_space<vmem>> -> memref<1x128xi32, #tpu.memory_space<vmem>>
      %dma_start3A_144 = tpu.memref_squeeze %dma_start3A_143 : memref<1x128xi32, #tpu.memory_space<vmem>> -> memref<128xi32, #tpu.memory_space<vmem>>
      %dma_start3A_145 = arith.constant 0 : i32
      %dma_start3A_146 = arith.constant 0 : i32
      %dma_start3A_147 = tpu.memref_slice %arg9[%dma_start3A_145, %dma_start3A_146] : memref<10240x64xf32, #tpu.memory_space<vmem_shared>> -> memref<10240x64xf32, #tpu.memory_space<vmem_shared>>
      tpu.enqueue_indirect_dma source(%dma_start3A_141 : memref<128x64xf32, #tpu.memory_space<vmem>>) target(%dma_start3A_147 : memref<10240x64xf32, #tpu.memory_space<vmem_shared>>) offsets(%dma_start3A_144 : memref<128xi32, #tpu.memory_space<vmem>>) semaphore(%arg17 : memref<!tpu.dma_semaphore, #tpu.memory_space<semaphore_mem>>) {add = true}
      %dma_wait3A_148 = arith.constant 0 : i32
      %dma_wait3A_149 = arith.constant 0 : i32
      %dma_wait3A_150 = arith.constant 0 : i32
      %dma_wait3A_151 = tpu.memref_slice %arg8[%dma_wait3A_148, %dma_wait3A_149, %dma_wait3A_150] : memref<6x128x64xf32, #tpu.memory_space<vmem>> -> memref<1x128x64xf32, #tpu.memory_space<vmem>>
      %dma_wait3A_152 = tpu.memref_squeeze %dma_wait3A_151 : memref<1x128x64xf32, #tpu.memory_space<vmem>> -> memref<128x64xf32, #tpu.memory_space<vmem>>
      %dma_wait3A_153 = arith.constant 0 : i32
      %dma_wait3A_154 = tpu.memref_slice %arg7[%add3A_125, %dma_wait3A_153] : memref<79x128xi32, #tpu.memory_space<vmem>> -> memref<1x128xi32, #tpu.memory_space<vmem>>
      %dma_wait3A_155 = tpu.memref_squeeze %dma_wait3A_154 : memref<1x128xi32, #tpu.memory_space<vmem>> -> memref<128xi32, #tpu.memory_space<vmem>>
      %dma_wait3A_156 = arith.constant 0 : i32
      %dma_wait3A_157 = arith.constant 0 : i32
      %dma_wait3A_158 = tpu.memref_slice %arg9[%dma_wait3A_156, %dma_wait3A_157] : memref<10240x64xf32, #tpu.memory_space<vmem_shared>> -> memref<10240x64xf32, #tpu.memory_space<vmem_shared>>
      tpu.wait_indirect_dma semaphore(%arg17 : memref<!tpu.dma_semaphore, #tpu.memory_space<semaphore_mem>>) src(%dma_wait3A_152 : memref<128x64xf32, #tpu.memory_space<vmem>>) dst(%dma_wait3A_158 : memref<10240x64xf32, #tpu.memory_space<vmem_shared>>)
      %add3A_159 = arith.constant 6 : i32
      %add3A_160 = arith.addi %add3A_125, %add3A_159 : i32
      %lt3A = arith.cmpi slt, %add3A_160, %add3A_9 : i32
      %convert_element_type3A_161 = arith.extui %lt3A : i1 to i32
      %cond3A_162 = arith.constant 0 : i32
      %cond3A_163 = arith.cmpi ne, %convert_element_type3A_161, %cond3A_162 : i32
      scf.if %cond3A_163 {
        %add3A_369 = arith.constant 6 : i32
        %add3A_370 = arith.addi %add3A_125, %add3A_369 : i32
        %dma_start3A_371 = arith.constant 0 : i32
        %dma_start3A_372 = arith.constant 0 : i32
        %dma_start3A_373 = arith.constant 0 : i32
        %dma_start3A_374 = tpu.memref_slice %arg8[%dma_start3A_371, %dma_start3A_372, %dma_start3A_373] : memref<6x128x64xf32, #tpu.memory_space<vmem>> -> memref<1x128x64xf32, #tpu.memory_space<vmem>>
        %dma_start3A_375 = tpu.memref_squeeze %dma_start3A_374 : memref<1x128x64xf32, #tpu.memory_space<vmem>> -> memref<128x64xf32, #tpu.memory_space<vmem>>
        %dma_start3A_376 = arith.constant 0 : i32
        %dma_start3A_377 = tpu.memref_slice %arg6[%add3A_370, %dma_start3A_376] : memref<79x128xi32, #tpu.memory_space<vmem>> -> memref<1x128xi32, #tpu.memory_space<vmem>>
        %dma_start3A_378 = tpu.memref_squeeze %dma_start3A_377 : memref<1x128xi32, #tpu.memory_space<vmem>> -> memref<128xi32, #tpu.memory_space<vmem>>
        %dma_start3A_379 = arith.constant 0 : i32
        %dma_start3A_380 = arith.constant 0 : i32
        %dma_start3A_381 = tpu.memref_slice %arg2[%dma_start3A_379, %dma_start3A_380] : memref<10240x64xf32, #tpu.memory_space<hbm>> -> memref<10240x64xf32, #tpu.memory_space<hbm>>
        tpu.enqueue_indirect_dma source(%dma_start3A_381 : memref<10240x64xf32, #tpu.memory_space<hbm>>) target(%dma_start3A_375 : memref<128x64xf32, #tpu.memory_space<vmem>>) offsets(%dma_start3A_378 : memref<128xi32, #tpu.memory_space<vmem>>) semaphore(%arg11 : memref<!tpu.dma_semaphore, #tpu.memory_space<semaphore_mem>>)
      } else {
      }
      %add3A_164 = arith.constant 1 : i32
      %add3A_165 = arith.addi %mul3A_123, %add3A_164 : i32
      %dma_wait3A_166 = arith.constant 1 : i32
      %dma_wait3A_167 = arith.constant 0 : i32
      %dma_wait3A_168 = arith.constant 0 : i32
      %dma_wait3A_169 = tpu.memref_slice %arg8[%dma_wait3A_166, %dma_wait3A_167, %dma_wait3A_168] : memref<6x128x64xf32, #tpu.memory_space<vmem>> -> memref<1x128x64xf32, #tpu.memory_space<vmem>>
      %dma_wait3A_170 = tpu.memref_squeeze %dma_wait3A_169 : memref<1x128x64xf32, #tpu.memory_space<vmem>> -> memref<128x64xf32, #tpu.memory_space<vmem>>
      %dma_wait3A_171 = arith.constant 0 : i32
      %dma_wait3A_172 = tpu.memref_slice %arg6[%add3A_165, %dma_wait3A_171] : memref<79x128xi32, #tpu.memory_space<vmem>> -> memref<1x128xi32, #tpu.memory_space<vmem>>
      %dma_wait3A_173 = tpu.memref_squeeze %dma_wait3A_172 : memref<1x128xi32, #tpu.memory_space<vmem>> -> memref<128xi32, #tpu.memory_space<vmem>>
      %dma_wait3A_174 = arith.constant 0 : i32
      %dma_wait3A_175 = arith.constant 0 : i32
      %dma_wait3A_176 = tpu.memref_slice %arg2[%dma_wait3A_174, %dma_wait3A_175] : memref<10240x64xf32, #tpu.memory_space<hbm>> -> memref<10240x64xf32, #tpu.memory_space<hbm>>
      tpu.wait_indirect_dma semaphore(%arg12 : memref<!tpu.dma_semaphore, #tpu.memory_space<semaphore_mem>>) src(%dma_wait3A_176 : memref<10240x64xf32, #tpu.memory_space<hbm>>) dst(%dma_wait3A_170 : memref<128x64xf32, #tpu.memory_space<vmem>>)
      %dma_start3A_177 = arith.constant 1 : i32
      %dma_start3A_178 = arith.constant 0 : i32
      %dma_start3A_179 = arith.constant 0 : i32
      %dma_start3A_180 = tpu.memref_slice %arg8[%dma_start3A_177, %dma_start3A_178, %dma_start3A_179] : memref<6x128x64xf32, #tpu.memory_space<vmem>> -> memref<1x128x64xf32, #tpu.memory_space<vmem>>
      %dma_start3A_181 = tpu.memref_squeeze %dma_start3A_180 : memref<1x128x64xf32, #tpu.memory_space<vmem>> -> memref<128x64xf32, #tpu.memory_space<vmem>>
      %dma_start3A_182 = arith.constant 0 : i32
      %dma_start3A_183 = tpu.memref_slice %arg7[%add3A_165, %dma_start3A_182] : memref<79x128xi32, #tpu.memory_space<vmem>> -> memref<1x128xi32, #tpu.memory_space<vmem>>
      %dma_start3A_184 = tpu.memref_squeeze %dma_start3A_183 : memref<1x128xi32, #tpu.memory_space<vmem>> -> memref<128xi32, #tpu.memory_space<vmem>>
      %dma_start3A_185 = arith.constant 0 : i32
      %dma_start3A_186 = arith.constant 0 : i32
      %dma_start3A_187 = tpu.memref_slice %arg9[%dma_start3A_185, %dma_start3A_186] : memref<10240x64xf32, #tpu.memory_space<vmem_shared>> -> memref<10240x64xf32, #tpu.memory_space<vmem_shared>>
      tpu.enqueue_indirect_dma source(%dma_start3A_181 : memref<128x64xf32, #tpu.memory_space<vmem>>) target(%dma_start3A_187 : memref<10240x64xf32, #tpu.memory_space<vmem_shared>>) offsets(%dma_start3A_184 : memref<128xi32, #tpu.memory_space<vmem>>) semaphore(%arg18 : memref<!tpu.dma_semaphore, #tpu.memory_space<semaphore_mem>>) {add = true}
      %dma_wait3A_188 = arith.constant 1 : i32
      %dma_wait3A_189 = arith.constant 0 : i32
      %dma_wait3A_190 = arith.constant 0 : i32
      %dma_wait3A_191 = tpu.memref_slice %arg8[%dma_wait3A_188, %dma_wait3A_189, %dma_wait3A_190] : memref<6x128x64xf32, #tpu.memory_space<vmem>> -> memref<1x128x64xf32, #tpu.memory_space<vmem>>
      %dma_wait3A_192 = tpu.memref_squeeze %dma_wait3A_191 : memref<1x128x64xf32, #tpu.memory_space<vmem>> -> memref<128x64xf32, #tpu.memory_space<vmem>>
      %dma_wait3A_193 = arith.constant 0 : i32
      %dma_wait3A_194 = tpu.memref_slice %arg7[%add3A_165, %dma_wait3A_193] : memref<79x128xi32, #tpu.memory_space<vmem>> -> memref<1x128xi32, #tpu.memory_space<vmem>>
      %dma_wait3A_195 = tpu.memref_squeeze %dma_wait3A_194 : memref<1x128xi32, #tpu.memory_space<vmem>> -> memref<128xi32, #tpu.memory_space<vmem>>
      %dma_wait3A_196 = arith.constant 0 : i32
      %dma_wait3A_197 = arith.constant 0 : i32
      %dma_wait3A_198 = tpu.memref_slice %arg9[%dma_wait3A_196, %dma_wait3A_197] : memref<10240x64xf32, #tpu.memory_space<vmem_shared>> -> memref<10240x64xf32, #tpu.memory_space<vmem_shared>>
      tpu.wait_indirect_dma semaphore(%arg18 : memref<!tpu.dma_semaphore, #tpu.memory_space<semaphore_mem>>) src(%dma_wait3A_192 : memref<128x64xf32, #tpu.memory_space<vmem>>) dst(%dma_wait3A_198 : memref<10240x64xf32, #tpu.memory_space<vmem_shared>>)
      %add3A_199 = arith.constant 6 : i32
      %add3A_200 = arith.addi %add3A_165, %add3A_199 : i32
      %lt3A_201 = arith.cmpi slt, %add3A_200, %add3A_9 : i32
      %convert_element_type3A_202 = arith.extui %lt3A_201 : i1 to i32
      %cond3A_203 = arith.constant 0 : i32
      %cond3A_204 = arith.cmpi ne, %convert_element_type3A_202, %cond3A_203 : i32
      scf.if %cond3A_204 {
        %add3A_369 = arith.constant 6 : i32
        %add3A_370 = arith.addi %add3A_165, %add3A_369 : i32
        %dma_start3A_371 = arith.constant 1 : i32
        %dma_start3A_372 = arith.constant 0 : i32
        %dma_start3A_373 = arith.constant 0 : i32
        %dma_start3A_374 = tpu.memref_slice %arg8[%dma_start3A_371, %dma_start3A_372, %dma_start3A_373] : memref<6x128x64xf32, #tpu.memory_space<vmem>> -> memref<1x128x64xf32, #tpu.memory_space<vmem>>
        %dma_start3A_375 = tpu.memref_squeeze %dma_start3A_374 : memref<1x128x64xf32, #tpu.memory_space<vmem>> -> memref<128x64xf32, #tpu.memory_space<vmem>>
        %dma_start3A_376 = arith.constant 0 : i32
        %dma_start3A_377 = tpu.memref_slice %arg6[%add3A_370, %dma_start3A_376] : memref<79x128xi32, #tpu.memory_space<vmem>> -> memref<1x128xi32, #tpu.memory_space<vmem>>
        %dma_start3A_378 = tpu.memref_squeeze %dma_start3A_377 : memref<1x128xi32, #tpu.memory_space<vmem>> -> memref<128xi32, #tpu.memory_space<vmem>>
        %dma_start3A_379 = arith.constant 0 : i32
        %dma_start3A_380 = arith.constant 0 : i32
        %dma_start3A_381 = tpu.memref_slice %arg2[%dma_start3A_379, %dma_start3A_380] : memref<10240x64xf32, #tpu.memory_space<hbm>> -> memref<10240x64xf32, #tpu.memory_space<hbm>>
        tpu.enqueue_indirect_dma source(%dma_start3A_381 : memref<10240x64xf32, #tpu.memory_space<hbm>>) target(%dma_start3A_375 : memref<128x64xf32, #tpu.memory_space<vmem>>) offsets(%dma_start3A_378 : memref<128xi32, #tpu.memory_space<vmem>>) semaphore(%arg12 : memref<!tpu.dma_semaphore, #tpu.memory_space<semaphore_mem>>)
      } else {
      }
      %add3A_205 = arith.constant 2 : i32
      %add3A_206 = arith.addi %mul3A_123, %add3A_205 : i32
      %dma_wait3A_207 = arith.constant 2 : i32
      %dma_wait3A_208 = arith.constant 0 : i32
      %dma_wait3A_209 = arith.constant 0 : i32
      %dma_wait3A_210 = tpu.memref_slice %arg8[%dma_wait3A_207, %dma_wait3A_208, %dma_wait3A_209] : memref<6x128x64xf32, #tpu.memory_space<vmem>> -> memref<1x128x64xf32, #tpu.memory_space<vmem>>
      %dma_wait3A_211 = tpu.memref_squeeze %dma_wait3A_210 : memref<1x128x64xf32, #tpu.memory_space<vmem>> -> memref<128x64xf32, #tpu.memory_space<vmem>>
      %dma_wait3A_212 = arith.constant 0 : i32
      %dma_wait3A_213 = tpu.memref_slice %arg6[%add3A_206, %dma_wait3A_212] : memref<79x128xi32, #tpu.memory_space<vmem>> -> memref<1x128xi32, #tpu.memory_space<vmem>>
      %dma_wait3A_214 = tpu.memref_squeeze %dma_wait3A_213 : memref<1x128xi32, #tpu.memory_space<vmem>> -> memref<128xi32, #tpu.memory_space<vmem>>
      %dma_wait3A_215 = arith.constant 0 : i32
      %dma_wait3A_216 = arith.constant 0 : i32
      %dma_wait3A_217 = tpu.memref_slice %arg2[%dma_wait3A_215, %dma_wait3A_216] : memref<10240x64xf32, #tpu.memory_space<hbm>> -> memref<10240x64xf32, #tpu.memory_space<hbm>>
      tpu.wait_indirect_dma semaphore(%arg13 : memref<!tpu.dma_semaphore, #tpu.memory_space<semaphore_mem>>) src(%dma_wait3A_217 : memref<10240x64xf32, #tpu.memory_space<hbm>>) dst(%dma_wait3A_211 : memref<128x64xf32, #tpu.memory_space<vmem>>)
      %dma_start3A_218 = arith.constant 2 : i32
      %dma_start3A_219 = arith.constant 0 : i32
      %dma_start3A_220 = arith.constant 0 : i32
      %dma_start3A_221 = tpu.memref_slice %arg8[%dma_start3A_218, %dma_start3A_219, %dma_start3A_220] : memref<6x128x64xf32, #tpu.memory_space<vmem>> -> memref<1x128x64xf32, #tpu.memory_space<vmem>>
      %dma_start3A_222 = tpu.memref_squeeze %dma_start3A_221 : memref<1x128x64xf32, #tpu.memory_space<vmem>> -> memref<128x64xf32, #tpu.memory_space<vmem>>
      %dma_start3A_223 = arith.constant 0 : i32
      %dma_start3A_224 = tpu.memref_slice %arg7[%add3A_206, %dma_start3A_223] : memref<79x128xi32, #tpu.memory_space<vmem>> -> memref<1x128xi32, #tpu.memory_space<vmem>>
      %dma_start3A_225 = tpu.memref_squeeze %dma_start3A_224 : memref<1x128xi32, #tpu.memory_space<vmem>> -> memref<128xi32, #tpu.memory_space<vmem>>
      %dma_start3A_226 = arith.constant 0 : i32
      %dma_start3A_227 = arith.constant 0 : i32
      %dma_start3A_228 = tpu.memref_slice %arg9[%dma_start3A_226, %dma_start3A_227] : memref<10240x64xf32, #tpu.memory_space<vmem_shared>> -> memref<10240x64xf32, #tpu.memory_space<vmem_shared>>
      tpu.enqueue_indirect_dma source(%dma_start3A_222 : memref<128x64xf32, #tpu.memory_space<vmem>>) target(%dma_start3A_228 : memref<10240x64xf32, #tpu.memory_space<vmem_shared>>) offsets(%dma_start3A_225 : memref<128xi32, #tpu.memory_space<vmem>>) semaphore(%arg19 : memref<!tpu.dma_semaphore, #tpu.memory_space<semaphore_mem>>) {add = true}
      %dma_wait3A_229 = arith.constant 2 : i32
      %dma_wait3A_230 = arith.constant 0 : i32
      %dma_wait3A_231 = arith.constant 0 : i32
      %dma_wait3A_232 = tpu.memref_slice %arg8[%dma_wait3A_229, %dma_wait3A_230, %dma_wait3A_231] : memref<6x128x64xf32, #tpu.memory_space<vmem>> -> memref<1x128x64xf32, #tpu.memory_space<vmem>>
      %dma_wait3A_233 = tpu.memref_squeeze %dma_wait3A_232 : memref<1x128x64xf32, #tpu.memory_space<vmem>> -> memref<128x64xf32, #tpu.memory_space<vmem>>
      %dma_wait3A_234 = arith.constant 0 : i32
      %dma_wait3A_235 = tpu.memref_slice %arg7[%add3A_206, %dma_wait3A_234] : memref<79x128xi32, #tpu.memory_space<vmem>> -> memref<1x128xi32, #tpu.memory_space<vmem>>
      %dma_wait3A_236 = tpu.memref_squeeze %dma_wait3A_235 : memref<1x128xi32, #tpu.memory_space<vmem>> -> memref<128xi32, #tpu.memory_space<vmem>>
      %dma_wait3A_237 = arith.constant 0 : i32
      %dma_wait3A_238 = arith.constant 0 : i32
      %dma_wait3A_239 = tpu.memref_slice %arg9[%dma_wait3A_237, %dma_wait3A_238] : memref<10240x64xf32, #tpu.memory_space<vmem_shared>> -> memref<10240x64xf32, #tpu.memory_space<vmem_shared>>
      tpu.wait_indirect_dma semaphore(%arg19 : memref<!tpu.dma_semaphore, #tpu.memory_space<semaphore_mem>>) src(%dma_wait3A_233 : memref<128x64xf32, #tpu.memory_space<vmem>>) dst(%dma_wait3A_239 : memref<10240x64xf32, #tpu.memory_space<vmem_shared>>)
      %add3A_240 = arith.constant 6 : i32
      %add3A_241 = arith.addi %add3A_206, %add3A_240 : i32
      %lt3A_242 = arith.cmpi slt, %add3A_241, %add3A_9 : i32
      %convert_element_type3A_243 = arith.extui %lt3A_242 : i1 to i32
      %cond3A_244 = arith.constant 0 : i32
      %cond3A_245 = arith.cmpi ne, %convert_element_type3A_243, %cond3A_244 : i32
      scf.if %cond3A_245 {
        %add3A_369 = arith.constant 6 : i32
        %add3A_370 = arith.addi %add3A_206, %add3A_369 : i32
        %dma_start3A_371 = arith.constant 2 : i32
        %dma_start3A_372 = arith.constant 0 : i32
        %dma_start3A_373 = arith.constant 0 : i32
        %dma_start3A_374 = tpu.memref_slice %arg8[%dma_start3A_371, %dma_start3A_372, %dma_start3A_373] : memref<6x128x64xf32, #tpu.memory_space<vmem>> -> memref<1x128x64xf32, #tpu.memory_space<vmem>>
        %dma_start3A_375 = tpu.memref_squeeze %dma_start3A_374 : memref<1x128x64xf32, #tpu.memory_space<vmem>> -> memref<128x64xf32, #tpu.memory_space<vmem>>
        %dma_start3A_376 = arith.constant 0 : i32
        %dma_start3A_377 = tpu.memref_slice %arg6[%add3A_370, %dma_start3A_376] : memref<79x128xi32, #tpu.memory_space<vmem>> -> memref<1x128xi32, #tpu.memory_space<vmem>>
        %dma_start3A_378 = tpu.memref_squeeze %dma_start3A_377 : memref<1x128xi32, #tpu.memory_space<vmem>> -> memref<128xi32, #tpu.memory_space<vmem>>
        %dma_start3A_379 = arith.constant 0 : i32
        %dma_start3A_380 = arith.constant 0 : i32
        %dma_start3A_381 = tpu.memref_slice %arg2[%dma_start3A_379, %dma_start3A_380] : memref<10240x64xf32, #tpu.memory_space<hbm>> -> memref<10240x64xf32, #tpu.memory_space<hbm>>
        tpu.enqueue_indirect_dma source(%dma_start3A_381 : memref<10240x64xf32, #tpu.memory_space<hbm>>) target(%dma_start3A_375 : memref<128x64xf32, #tpu.memory_space<vmem>>) offsets(%dma_start3A_378 : memref<128xi32, #tpu.memory_space<vmem>>) semaphore(%arg13 : memref<!tpu.dma_semaphore, #tpu.memory_space<semaphore_mem>>)
      } else {
      }
      %add3A_246 = arith.constant 3 : i32
      %add3A_247 = arith.addi %mul3A_123, %add3A_246 : i32
      %dma_wait3A_248 = arith.constant 3 : i32
      %dma_wait3A_249 = arith.constant 0 : i32
      %dma_wait3A_250 = arith.constant 0 : i32
      %dma_wait3A_251 = tpu.memref_slice %arg8[%dma_wait3A_248, %dma_wait3A_249, %dma_wait3A_250] : memref<6x128x64xf32, #tpu.memory_space<vmem>> -> memref<1x128x64xf32, #tpu.memory_space<vmem>>
      %dma_wait3A_252 = tpu.memref_squeeze %dma_wait3A_251 : memref<1x128x64xf32, #tpu.memory_space<vmem>> -> memref<128x64xf32, #tpu.memory_space<vmem>>
      %dma_wait3A_253 = arith.constant 0 : i32
      %dma_wait3A_254 = tpu.memref_slice %arg6[%add3A_247, %dma_wait3A_253] : memref<79x128xi32, #tpu.memory_space<vmem>> -> memref<1x128xi32, #tpu.memory_space<vmem>>
      %dma_wait3A_255 = tpu.memref_squeeze %dma_wait3A_254 : memref<1x128xi32, #tpu.memory_space<vmem>> -> memref<128xi32, #tpu.memory_space<vmem>>
      %dma_wait3A_256 = arith.constant 0 : i32
      %dma_wait3A_257 = arith.constant 0 : i32
      %dma_wait3A_258 = tpu.memref_slice %arg2[%dma_wait3A_256, %dma_wait3A_257] : memref<10240x64xf32, #tpu.memory_space<hbm>> -> memref<10240x64xf32, #tpu.memory_space<hbm>>
      tpu.wait_indirect_dma semaphore(%arg14 : memref<!tpu.dma_semaphore, #tpu.memory_space<semaphore_mem>>) src(%dma_wait3A_258 : memref<10240x64xf32, #tpu.memory_space<hbm>>) dst(%dma_wait3A_252 : memref<128x64xf32, #tpu.memory_space<vmem>>)
      %dma_start3A_259 = arith.constant 3 : i32
      %dma_start3A_260 = arith.constant 0 : i32
      %dma_start3A_261 = arith.constant 0 : i32
      %dma_start3A_262 = tpu.memref_slice %arg8[%dma_start3A_259, %dma_start3A_260, %dma_start3A_261] : memref<6x128x64xf32, #tpu.memory_space<vmem>> -> memref<1x128x64xf32, #tpu.memory_space<vmem>>
      %dma_start3A_263 = tpu.memref_squeeze %dma_start3A_262 : memref<1x128x64xf32, #tpu.memory_space<vmem>> -> memref<128x64xf32, #tpu.memory_space<vmem>>
      %dma_start3A_264 = arith.constant 0 : i32
      %dma_start3A_265 = tpu.memref_slice %arg7[%add3A_247, %dma_start3A_264] : memref<79x128xi32, #tpu.memory_space<vmem>> -> memref<1x128xi32, #tpu.memory_space<vmem>>
      %dma_start3A_266 = tpu.memref_squeeze %dma_start3A_265 : memref<1x128xi32, #tpu.memory_space<vmem>> -> memref<128xi32, #tpu.memory_space<vmem>>
      %dma_start3A_267 = arith.constant 0 : i32
      %dma_start3A_268 = arith.constant 0 : i32
      %dma_start3A_269 = tpu.memref_slice %arg9[%dma_start3A_267, %dma_start3A_268] : memref<10240x64xf32, #tpu.memory_space<vmem_shared>> -> memref<10240x64xf32, #tpu.memory_space<vmem_shared>>
      tpu.enqueue_indirect_dma source(%dma_start3A_263 : memref<128x64xf32, #tpu.memory_space<vmem>>) target(%dma_start3A_269 : memref<10240x64xf32, #tpu.memory_space<vmem_shared>>) offsets(%dma_start3A_266 : memref<128xi32, #tpu.memory_space<vmem>>) semaphore(%arg20 : memref<!tpu.dma_semaphore, #tpu.memory_space<semaphore_mem>>) {add = true}
      %dma_wait3A_270 = arith.constant 3 : i32
      %dma_wait3A_271 = arith.constant 0 : i32
      %dma_wait3A_272 = arith.constant 0 : i32
      %dma_wait3A_273 = tpu.memref_slice %arg8[%dma_wait3A_270, %dma_wait3A_271, %dma_wait3A_272] : memref<6x128x64xf32, #tpu.memory_space<vmem>> -> memref<1x128x64xf32, #tpu.memory_space<vmem>>
      %dma_wait3A_274 = tpu.memref_squeeze %dma_wait3A_273 : memref<1x128x64xf32, #tpu.memory_space<vmem>> -> memref<128x64xf32, #tpu.memory_space<vmem>>
      %dma_wait3A_275 = arith.constant 0 : i32
      %dma_wait3A_276 = tpu.memref_slice %arg7[%add3A_247, %dma_wait3A_275] : memref<79x128xi32, #tpu.memory_space<vmem>> -> memref<1x128xi32, #tpu.memory_space<vmem>>
      %dma_wait3A_277 = tpu.memref_squeeze %dma_wait3A_276 : memref<1x128xi32, #tpu.memory_space<vmem>> -> memref<128xi32, #tpu.memory_space<vmem>>
      %dma_wait3A_278 = arith.constant 0 : i32
      %dma_wait3A_279 = arith.constant 0 : i32
      %dma_wait3A_280 = tpu.memref_slice %arg9[%dma_wait3A_278, %dma_wait3A_279] : memref<10240x64xf32, #tpu.memory_space<vmem_shared>> -> memref<10240x64xf32, #tpu.memory_space<vmem_shared>>
      tpu.wait_indirect_dma semaphore(%arg20 : memref<!tpu.dma_semaphore, #tpu.memory_space<semaphore_mem>>) src(%dma_wait3A_274 : memref<128x64xf32, #tpu.memory_space<vmem>>) dst(%dma_wait3A_280 : memref<10240x64xf32, #tpu.memory_space<vmem_shared>>)
      %add3A_281 = arith.constant 6 : i32
      %add3A_282 = arith.addi %add3A_247, %add3A_281 : i32
      %lt3A_283 = arith.cmpi slt, %add3A_282, %add3A_9 : i32
      %convert_element_type3A_284 = arith.extui %lt3A_283 : i1 to i32
      %cond3A_285 = arith.constant 0 : i32
      %cond3A_286 = arith.cmpi ne, %convert_element_type3A_284, %cond3A_285 : i32
      scf.if %cond3A_286 {
        %add3A_369 = arith.constant 6 : i32
        %add3A_370 = arith.addi %add3A_247, %add3A_369 : i32
        %dma_start3A_371 = arith.constant 3 : i32
        %dma_start3A_372 = arith.constant 0 : i32
        %dma_start3A_373 = arith.constant 0 : i32
        %dma_start3A_374 = tpu.memref_slice %arg8[%dma_start3A_371, %dma_start3A_372, %dma_start3A_373] : memref<6x128x64xf32, #tpu.memory_space<vmem>> -> memref<1x128x64xf32, #tpu.memory_space<vmem>>
        %dma_start3A_375 = tpu.memref_squeeze %dma_start3A_374 : memref<1x128x64xf32, #tpu.memory_space<vmem>> -> memref<128x64xf32, #tpu.memory_space<vmem>>
        %dma_start3A_376 = arith.constant 0 : i32
        %dma_start3A_377 = tpu.memref_slice %arg6[%add3A_370, %dma_start3A_376] : memref<79x128xi32, #tpu.memory_space<vmem>> -> memref<1x128xi32, #tpu.memory_space<vmem>>
        %dma_start3A_378 = tpu.memref_squeeze %dma_start3A_377 : memref<1x128xi32, #tpu.memory_space<vmem>> -> memref<128xi32, #tpu.memory_space<vmem>>
        %dma_start3A_379 = arith.constant 0 : i32
        %dma_start3A_380 = arith.constant 0 : i32
        %dma_start3A_381 = tpu.memref_slice %arg2[%dma_start3A_379, %dma_start3A_380] : memref<10240x64xf32, #tpu.memory_space<hbm>> -> memref<10240x64xf32, #tpu.memory_space<hbm>>
        tpu.enqueue_indirect_dma source(%dma_start3A_381 : memref<10240x64xf32, #tpu.memory_space<hbm>>) target(%dma_start3A_375 : memref<128x64xf32, #tpu.memory_space<vmem>>) offsets(%dma_start3A_378 : memref<128xi32, #tpu.memory_space<vmem>>) semaphore(%arg14 : memref<!tpu.dma_semaphore, #tpu.memory_space<semaphore_mem>>)
      } else {
      }
      %add3A_287 = arith.constant 4 : i32
      %add3A_288 = arith.addi %mul3A_123, %add3A_287 : i32
      %dma_wait3A_289 = arith.constant 4 : i32
      %dma_wait3A_290 = arith.constant 0 : i32
      %dma_wait3A_291 = arith.constant 0 : i32
      %dma_wait3A_292 = tpu.memref_slice %arg8[%dma_wait3A_289, %dma_wait3A_290, %dma_wait3A_291] : memref<6x128x64xf32, #tpu.memory_space<vmem>> -> memref<1x128x64xf32, #tpu.memory_space<vmem>>
      %dma_wait3A_293 = tpu.memref_squeeze %dma_wait3A_292 : memref<1x128x64xf32, #tpu.memory_space<vmem>> -> memref<128x64xf32, #tpu.memory_space<vmem>>
      %dma_wait3A_294 = arith.constant 0 : i32
      %dma_wait3A_295 = tpu.memref_slice %arg6[%add3A_288, %dma_wait3A_294] : memref<79x128xi32, #tpu.memory_space<vmem>> -> memref<1x128xi32, #tpu.memory_space<vmem>>
      %dma_wait3A_296 = tpu.memref_squeeze %dma_wait3A_295 : memref<1x128xi32, #tpu.memory_space<vmem>> -> memref<128xi32, #tpu.memory_space<vmem>>
      %dma_wait3A_297 = arith.constant 0 : i32
      %dma_wait3A_298 = arith.constant 0 : i32
      %dma_wait3A_299 = tpu.memref_slice %arg2[%dma_wait3A_297, %dma_wait3A_298] : memref<10240x64xf32, #tpu.memory_space<hbm>> -> memref<10240x64xf32, #tpu.memory_space<hbm>>
      tpu.wait_indirect_dma semaphore(%arg15 : memref<!tpu.dma_semaphore, #tpu.memory_space<semaphore_mem>>) src(%dma_wait3A_299 : memref<10240x64xf32, #tpu.memory_space<hbm>>) dst(%dma_wait3A_293 : memref<128x64xf32, #tpu.memory_space<vmem>>)
      %dma_start3A_300 = arith.constant 4 : i32
      %dma_start3A_301 = arith.constant 0 : i32
      %dma_start3A_302 = arith.constant 0 : i32
      %dma_start3A_303 = tpu.memref_slice %arg8[%dma_start3A_300, %dma_start3A_301, %dma_start3A_302] : memref<6x128x64xf32, #tpu.memory_space<vmem>> -> memref<1x128x64xf32, #tpu.memory_space<vmem>>
      %dma_start3A_304 = tpu.memref_squeeze %dma_start3A_303 : memref<1x128x64xf32, #tpu.memory_space<vmem>> -> memref<128x64xf32, #tpu.memory_space<vmem>>
      %dma_start3A_305 = arith.constant 0 : i32
      %dma_start3A_306 = tpu.memref_slice %arg7[%add3A_288, %dma_start3A_305] : memref<79x128xi32, #tpu.memory_space<vmem>> -> memref<1x128xi32, #tpu.memory_space<vmem>>
      %dma_start3A_307 = tpu.memref_squeeze %dma_start3A_306 : memref<1x128xi32, #tpu.memory_space<vmem>> -> memref<128xi32, #tpu.memory_space<vmem>>
      %dma_start3A_308 = arith.constant 0 : i32
      %dma_start3A_309 = arith.constant 0 : i32
      %dma_start3A_310 = tpu.memref_slice %arg9[%dma_start3A_308, %dma_start3A_309] : memref<10240x64xf32, #tpu.memory_space<vmem_shared>> -> memref<10240x64xf32, #tpu.memory_space<vmem_shared>>
      tpu.enqueue_indirect_dma source(%dma_start3A_304 : memref<128x64xf32, #tpu.memory_space<vmem>>) target(%dma_start3A_310 : memref<10240x64xf32, #tpu.memory_space<vmem_shared>>) offsets(%dma_start3A_307 : memref<128xi32, #tpu.memory_space<vmem>>) semaphore(%arg21 : memref<!tpu.dma_semaphore, #tpu.memory_space<semaphore_mem>>) {add = true}
      %dma_wait3A_311 = arith.constant 4 : i32
      %dma_wait3A_312 = arith.constant 0 : i32
      %dma_wait3A_313 = arith.constant 0 : i32
      %dma_wait3A_314 = tpu.memref_slice %arg8[%dma_wait3A_311, %dma_wait3A_312, %dma_wait3A_313] : memref<6x128x64xf32, #tpu.memory_space<vmem>> -> memref<1x128x64xf32, #tpu.memory_space<vmem>>
      %dma_wait3A_315 = tpu.memref_squeeze %dma_wait3A_314 : memref<1x128x64xf32, #tpu.memory_space<vmem>> -> memref<128x64xf32, #tpu.memory_space<vmem>>
      %dma_wait3A_316 = arith.constant 0 : i32
      %dma_wait3A_317 = tpu.memref_slice %arg7[%add3A_288, %dma_wait3A_316] : memref<79x128xi32, #tpu.memory_space<vmem>> -> memref<1x128xi32, #tpu.memory_space<vmem>>
      %dma_wait3A_318 = tpu.memref_squeeze %dma_wait3A_317 : memref<1x128xi32, #tpu.memory_space<vmem>> -> memref<128xi32, #tpu.memory_space<vmem>>
      %dma_wait3A_319 = arith.constant 0 : i32
      %dma_wait3A_320 = arith.constant 0 : i32
      %dma_wait3A_321 = tpu.memref_slice %arg9[%dma_wait3A_319, %dma_wait3A_320] : memref<10240x64xf32, #tpu.memory_space<vmem_shared>> -> memref<10240x64xf32, #tpu.memory_space<vmem_shared>>
      tpu.wait_indirect_dma semaphore(%arg21 : memref<!tpu.dma_semaphore, #tpu.memory_space<semaphore_mem>>) src(%dma_wait3A_315 : memref<128x64xf32, #tpu.memory_space<vmem>>) dst(%dma_wait3A_321 : memref<10240x64xf32, #tpu.memory_space<vmem_shared>>)
      %add3A_322 = arith.constant 6 : i32
      %add3A_323 = arith.addi %add3A_288, %add3A_322 : i32
      %lt3A_324 = arith.cmpi slt, %add3A_323, %add3A_9 : i32
      %convert_element_type3A_325 = arith.extui %lt3A_324 : i1 to i32
      %cond3A_326 = arith.constant 0 : i32
      %cond3A_327 = arith.cmpi ne, %convert_element_type3A_325, %cond3A_326 : i32
      scf.if %cond3A_327 {
        %add3A_369 = arith.constant 6 : i32
        %add3A_370 = arith.addi %add3A_288, %add3A_369 : i32
        %dma_start3A_371 = arith.constant 4 : i32
        %dma_start3A_372 = arith.constant 0 : i32
        %dma_start3A_373 = arith.constant 0 : i32
        %dma_start3A_374 = tpu.memref_slice %arg8[%dma_start3A_371, %dma_start3A_372, %dma_start3A_373] : memref<6x128x64xf32, #tpu.memory_space<vmem>> -> memref<1x128x64xf32, #tpu.memory_space<vmem>>
        %dma_start3A_375 = tpu.memref_squeeze %dma_start3A_374 : memref<1x128x64xf32, #tpu.memory_space<vmem>> -> memref<128x64xf32, #tpu.memory_space<vmem>>
        %dma_start3A_376 = arith.constant 0 : i32
        %dma_start3A_377 = tpu.memref_slice %arg6[%add3A_370, %dma_start3A_376] : memref<79x128xi32, #tpu.memory_space<vmem>> -> memref<1x128xi32, #tpu.memory_space<vmem>>
        %dma_start3A_378 = tpu.memref_squeeze %dma_start3A_377 : memref<1x128xi32, #tpu.memory_space<vmem>> -> memref<128xi32, #tpu.memory_space<vmem>>
        %dma_start3A_379 = arith.constant 0 : i32
        %dma_start3A_380 = arith.constant 0 : i32
        %dma_start3A_381 = tpu.memref_slice %arg2[%dma_start3A_379, %dma_start3A_380] : memref<10240x64xf32, #tpu.memory_space<hbm>> -> memref<10240x64xf32, #tpu.memory_space<hbm>>
        tpu.enqueue_indirect_dma source(%dma_start3A_381 : memref<10240x64xf32, #tpu.memory_space<hbm>>) target(%dma_start3A_375 : memref<128x64xf32, #tpu.memory_space<vmem>>) offsets(%dma_start3A_378 : memref<128xi32, #tpu.memory_space<vmem>>) semaphore(%arg15 : memref<!tpu.dma_semaphore, #tpu.memory_space<semaphore_mem>>)
      } else {
      }
      %add3A_328 = arith.constant 5 : i32
      %add3A_329 = arith.addi %mul3A_123, %add3A_328 : i32
      %dma_wait3A_330 = arith.constant 5 : i32
      %dma_wait3A_331 = arith.constant 0 : i32
      %dma_wait3A_332 = arith.constant 0 : i32
      %dma_wait3A_333 = tpu.memref_slice %arg8[%dma_wait3A_330, %dma_wait3A_331, %dma_wait3A_332] : memref<6x128x64xf32, #tpu.memory_space<vmem>> -> memref<1x128x64xf32, #tpu.memory_space<vmem>>
      %dma_wait3A_334 = tpu.memref_squeeze %dma_wait3A_333 : memref<1x128x64xf32, #tpu.memory_space<vmem>> -> memref<128x64xf32, #tpu.memory_space<vmem>>
      %dma_wait3A_335 = arith.constant 0 : i32
      %dma_wait3A_336 = tpu.memref_slice %arg6[%add3A_329, %dma_wait3A_335] : memref<79x128xi32, #tpu.memory_space<vmem>> -> memref<1x128xi32, #tpu.memory_space<vmem>>
      %dma_wait3A_337 = tpu.memref_squeeze %dma_wait3A_336 : memref<1x128xi32, #tpu.memory_space<vmem>> -> memref<128xi32, #tpu.memory_space<vmem>>
      %dma_wait3A_338 = arith.constant 0 : i32
      %dma_wait3A_339 = arith.constant 0 : i32
      %dma_wait3A_340 = tpu.memref_slice %arg2[%dma_wait3A_338, %dma_wait3A_339] : memref<10240x64xf32, #tpu.memory_space<hbm>> -> memref<10240x64xf32, #tpu.memory_space<hbm>>
      tpu.wait_indirect_dma semaphore(%arg16 : memref<!tpu.dma_semaphore, #tpu.memory_space<semaphore_mem>>) src(%dma_wait3A_340 : memref<10240x64xf32, #tpu.memory_space<hbm>>) dst(%dma_wait3A_334 : memref<128x64xf32, #tpu.memory_space<vmem>>)
      %dma_start3A_341 = arith.constant 5 : i32
      %dma_start3A_342 = arith.constant 0 : i32
      %dma_start3A_343 = arith.constant 0 : i32
      %dma_start3A_344 = tpu.memref_slice %arg8[%dma_start3A_341, %dma_start3A_342, %dma_start3A_343] : memref<6x128x64xf32, #tpu.memory_space<vmem>> -> memref<1x128x64xf32, #tpu.memory_space<vmem>>
      %dma_start3A_345 = tpu.memref_squeeze %dma_start3A_344 : memref<1x128x64xf32, #tpu.memory_space<vmem>> -> memref<128x64xf32, #tpu.memory_space<vmem>>
      %dma_start3A_346 = arith.constant 0 : i32
      %dma_start3A_347 = tpu.memref_slice %arg7[%add3A_329, %dma_start3A_346] : memref<79x128xi32, #tpu.memory_space<vmem>> -> memref<1x128xi32, #tpu.memory_space<vmem>>
      %dma_start3A_348 = tpu.memref_squeeze %dma_start3A_347 : memref<1x128xi32, #tpu.memory_space<vmem>> -> memref<128xi32, #tpu.memory_space<vmem>>
      %dma_start3A_349 = arith.constant 0 : i32
      %dma_start3A_350 = arith.constant 0 : i32
      %dma_start3A_351 = tpu.memref_slice %arg9[%dma_start3A_349, %dma_start3A_350] : memref<10240x64xf32, #tpu.memory_space<vmem_shared>> -> memref<10240x64xf32, #tpu.memory_space<vmem_shared>>
      tpu.enqueue_indirect_dma source(%dma_start3A_345 : memref<128x64xf32, #tpu.memory_space<vmem>>) target(%dma_start3A_351 : memref<10240x64xf32, #tpu.memory_space<vmem_shared>>) offsets(%dma_start3A_348 : memref<128xi32, #tpu.memory_space<vmem>>) semaphore(%arg22 : memref<!tpu.dma_semaphore, #tpu.memory_space<semaphore_mem>>) {add = true}
      %dma_wait3A_352 = arith.constant 5 : i32
      %dma_wait3A_353 = arith.constant 0 : i32
      %dma_wait3A_354 = arith.constant 0 : i32
      %dma_wait3A_355 = tpu.memref_slice %arg8[%dma_wait3A_352, %dma_wait3A_353, %dma_wait3A_354] : memref<6x128x64xf32, #tpu.memory_space<vmem>> -> memref<1x128x64xf32, #tpu.memory_space<vmem>>
      %dma_wait3A_356 = tpu.memref_squeeze %dma_wait3A_355 : memref<1x128x64xf32, #tpu.memory_space<vmem>> -> memref<128x64xf32, #tpu.memory_space<vmem>>
      %dma_wait3A_357 = arith.constant 0 : i32
      %dma_wait3A_358 = tpu.memref_slice %arg7[%add3A_329, %dma_wait3A_357] : memref<79x128xi32, #tpu.memory_space<vmem>> -> memref<1x128xi32, #tpu.memory_space<vmem>>
      %dma_wait3A_359 = tpu.memref_squeeze %dma_wait3A_358 : memref<1x128xi32, #tpu.memory_space<vmem>> -> memref<128xi32, #tpu.memory_space<vmem>>
      %dma_wait3A_360 = arith.constant 0 : i32
      %dma_wait3A_361 = arith.constant 0 : i32
      %dma_wait3A_362 = tpu.memref_slice %arg9[%dma_wait3A_360, %dma_wait3A_361] : memref<10240x64xf32, #tpu.memory_space<vmem_shared>> -> memref<10240x64xf32, #tpu.memory_space<vmem_shared>>
      tpu.wait_indirect_dma semaphore(%arg22 : memref<!tpu.dma_semaphore, #tpu.memory_space<semaphore_mem>>) src(%dma_wait3A_356 : memref<128x64xf32, #tpu.memory_space<vmem>>) dst(%dma_wait3A_362 : memref<10240x64xf32, #tpu.memory_space<vmem_shared>>)
      %add3A_363 = arith.constant 6 : i32
      %add3A_364 = arith.addi %add3A_329, %add3A_363 : i32
      %lt3A_365 = arith.cmpi slt, %add3A_364, %add3A_9 : i32
      %convert_element_type3A_366 = arith.extui %lt3A_365 : i1 to i32
      %cond3A_367 = arith.constant 0 : i32
      %cond3A_368 = arith.cmpi ne, %convert_element_type3A_366, %cond3A_367 : i32
      scf.if %cond3A_368 {
        %add3A_369 = arith.constant 6 : i32
        %add3A_370 = arith.addi %add3A_329, %add3A_369 : i32
        %dma_start3A_371 = arith.constant 5 : i32
        %dma_start3A_372 = arith.constant 0 : i32
        %dma_start3A_373 = arith.constant 0 : i32
        %dma_start3A_374 = tpu.memref_slice %arg8[%dma_start3A_371, %dma_start3A_372, %dma_start3A_373] : memref<6x128x64xf32, #tpu.memory_space<vmem>> -> memref<1x128x64xf32, #tpu.memory_space<vmem>>
        %dma_start3A_375 = tpu.memref_squeeze %dma_start3A_374 : memref<1x128x64xf32, #tpu.memory_space<vmem>> -> memref<128x64xf32, #tpu.memory_space<vmem>>
        %dma_start3A_376 = arith.constant 0 : i32
        %dma_start3A_377 = tpu.memref_slice %arg6[%add3A_370, %dma_start3A_376] : memref<79x128xi32, #tpu.memory_space<vmem>> -> memref<1x128xi32, #tpu.memory_space<vmem>>
        %dma_start3A_378 = tpu.memref_squeeze %dma_start3A_377 : memref<1x128xi32, #tpu.memory_space<vmem>> -> memref<128xi32, #tpu.memory_space<vmem>>
        %dma_start3A_379 = arith.constant 0 : i32
        %dma_start3A_380 = arith.constant 0 : i32
        %dma_start3A_381 = tpu.memref_slice %arg2[%dma_start3A_379, %dma_start3A_380] : memref<10240x64xf32, #tpu.memory_space<hbm>> -> memref<10240x64xf32, #tpu.memory_space<hbm>>
        tpu.enqueue_indirect_dma source(%dma_start3A_381 : memref<10240x64xf32, #tpu.memory_space<hbm>>) target(%dma_start3A_375 : memref<128x64xf32, #tpu.memory_space<vmem>>) offsets(%dma_start3A_378 : memref<128xi32, #tpu.memory_space<vmem>>) semaphore(%arg16 : memref<!tpu.dma_semaphore, #tpu.memory_space<semaphore_mem>>)
      } else {
      }
    }
    %scan3A_114 = arith.constant 13 : i32
    %gt3A = arith.constant 78 : i32
    %gt3A_115 = arith.cmpi sgt, %add3A_9, %gt3A : i32
    %convert_element_type3A = arith.extui %gt3A_115 : i1 to i32
    %cond3A = arith.constant 0 : i32
    %cond3A_116 = arith.cmpi ne, %convert_element_type3A, %cond3A : i32
    scf.if %cond3A_116 {
      %dma_wait3A_121 = arith.constant 78 : i32
      %dma_wait3A_122 = arith.constant 0 : i32
      %dma_wait3A_123 = arith.constant 0 : i32
      %dma_wait3A_124 = arith.constant 0 : i32
      %dma_wait3A_125 = tpu.memref_slice %arg8[%dma_wait3A_122, %dma_wait3A_123, %dma_wait3A_124] : memref<6x128x64xf32, #tpu.memory_space<vmem>> -> memref<1x128x64xf32, #tpu.memory_space<vmem>>
      %dma_wait3A_126 = tpu.memref_squeeze %dma_wait3A_125 : memref<1x128x64xf32, #tpu.memory_space<vmem>> -> memref<128x64xf32, #tpu.memory_space<vmem>>
      %dma_wait3A_127 = arith.constant 0 : i32
      %dma_wait3A_128 = tpu.memref_slice %arg6[%dma_wait3A_121, %dma_wait3A_127] : memref<79x128xi32, #tpu.memory_space<vmem>> -> memref<1x128xi32, #tpu.memory_space<vmem>>
      %dma_wait3A_129 = tpu.memref_squeeze %dma_wait3A_128 : memref<1x128xi32, #tpu.memory_space<vmem>> -> memref<128xi32, #tpu.memory_space<vmem>>
      %dma_wait3A_130 = arith.constant 0 : i32
      %dma_wait3A_131 = arith.constant 0 : i32
      %dma_wait3A_132 = tpu.memref_slice %arg2[%dma_wait3A_130, %dma_wait3A_131] : memref<10240x64xf32, #tpu.memory_space<hbm>> -> memref<10240x64xf32, #tpu.memory_space<hbm>>
      tpu.wait_indirect_dma semaphore(%arg11 : memref<!tpu.dma_semaphore, #tpu.memory_space<semaphore_mem>>) src(%dma_wait3A_132 : memref<10240x64xf32, #tpu.memory_space<hbm>>) dst(%dma_wait3A_126 : memref<128x64xf32, #tpu.memory_space<vmem>>)
      %dma_start3A_133 = arith.constant 0 : i32
      %dma_start3A_134 = arith.constant 78 : i32
      %dma_start3A_135 = arith.constant 0 : i32
      %dma_start3A_136 = arith.constant 0 : i32
      %dma_start3A_137 = tpu.memref_slice %arg8[%dma_start3A_133, %dma_start3A_135, %dma_start3A_136] : memref<6x128x64xf32, #tpu.memory_space<vmem>> -> memref<1x128x64xf32, #tpu.memory_space<vmem>>
      %dma_start3A_138 = tpu.memref_squeeze %dma_start3A_137 : memref<1x128x64xf32, #tpu.memory_space<vmem>> -> memref<128x64xf32, #tpu.memory_space<vmem>>
      %dma_start3A_139 = arith.constant 0 : i32
      %dma_start3A_140 = tpu.memref_slice %arg7[%dma_start3A_134, %dma_start3A_139] : memref<79x128xi32, #tpu.memory_space<vmem>> -> memref<1x128xi32, #tpu.memory_space<vmem>>
      %dma_start3A_141 = tpu.memref_squeeze %dma_start3A_140 : memref<1x128xi32, #tpu.memory_space<vmem>> -> memref<128xi32, #tpu.memory_space<vmem>>
      %dma_start3A_142 = arith.constant 0 : i32
      %dma_start3A_143 = arith.constant 0 : i32
      %dma_start3A_144 = tpu.memref_slice %arg9[%dma_start3A_142, %dma_start3A_143] : memref<10240x64xf32, #tpu.memory_space<vmem_shared>> -> memref<10240x64xf32, #tpu.memory_space<vmem_shared>>
      tpu.enqueue_indirect_dma source(%dma_start3A_138 : memref<128x64xf32, #tpu.memory_space<vmem>>) target(%dma_start3A_144 : memref<10240x64xf32, #tpu.memory_space<vmem_shared>>) offsets(%dma_start3A_141 : memref<128xi32, #tpu.memory_space<vmem>>) semaphore(%arg17 : memref<!tpu.dma_semaphore, #tpu.memory_space<semaphore_mem>>) {add = true}
      %dma_wait3A_145 = arith.constant 0 : i32
      %dma_wait3A_146 = arith.constant 78 : i32
      %dma_wait3A_147 = arith.constant 0 : i32
      %dma_wait3A_148 = arith.constant 0 : i32
      %dma_wait3A_149 = tpu.memref_slice %arg8[%dma_wait3A_145, %dma_wait3A_147, %dma_wait3A_148] : memref<6x128x64xf32, #tpu.memory_space<vmem>> -> memref<1x128x64xf32, #tpu.memory_space<vmem>>
      %dma_wait3A_150 = tpu.memref_squeeze %dma_wait3A_149 : memref<1x128x64xf32, #tpu.memory_space<vmem>> -> memref<128x64xf32, #tpu.memory_space<vmem>>
      %dma_wait3A_151 = arith.constant 0 : i32
      %dma_wait3A_152 = tpu.memref_slice %arg7[%dma_wait3A_146, %dma_wait3A_151] : memref<79x128xi32, #tpu.memory_space<vmem>> -> memref<1x128xi32, #tpu.memory_space<vmem>>
      %dma_wait3A_153 = tpu.memref_squeeze %dma_wait3A_152 : memref<1x128xi32, #tpu.memory_space<vmem>> -> memref<128xi32, #tpu.memory_space<vmem>>
      %dma_wait3A_154 = arith.constant 0 : i32
      %dma_wait3A_155 = arith.constant 0 : i32
      %dma_wait3A_156 = tpu.memref_slice %arg9[%dma_wait3A_154, %dma_wait3A_155] : memref<10240x64xf32, #tpu.memory_space<vmem_shared>> -> memref<10240x64xf32, #tpu.memory_space<vmem_shared>>
      tpu.wait_indirect_dma semaphore(%arg17 : memref<!tpu.dma_semaphore, #tpu.memory_space<semaphore_mem>>) src(%dma_wait3A_150 : memref<128x64xf32, #tpu.memory_space<vmem>>) dst(%dma_wait3A_156 : memref<10240x64xf32, #tpu.memory_space<vmem_shared>>)
    } else {
    }
    "tpu.trace_stop"() : () -> ()
    "tpu.trace_start"() <{level = 10 : i32, message = "agg_out"}> : () -> ()
    %barrier3A_117 = arith.constant 0 : index
    tpu.barrier barrier_id(%barrier3A_117)
    %mul3A_118 = arith.constant 10240 : i32
    %mul3A_119 = arith.muli %arg0, %mul3A_118 : i32
    %add3A_120 = arith.addi %mul3A_119, %mul3A_24 : i32
    "tpu.region"() ({
      %run_scoped3A = tpu.sem_alloc : memref<!tpu.dma_semaphore, #tpu.memory_space<semaphore_mem>>
      %dma_start3A_121 = arith.constant 0 : i32
      %dma_start3A_122 = tpu.memref_slice %arg5[%add3A_120, %dma_start3A_121] : memref<20480x64xf32, #tpu.memory_space<hbm>> -> memref<640x64xf32, #tpu.memory_space<hbm>>
      %dma_start3A_123 = arith.constant 0 : i32
      %dma_start3A_124 = tpu.memref_slice %arg9[%mul3A_24, %dma_start3A_123] : memref<10240x64xf32, #tpu.memory_space<vmem_shared>> -> memref<640x64xf32, #tpu.memory_space<vmem_shared>>
      tpu.enqueue_dma source(%dma_start3A_124 : memref<640x64xf32, #tpu.memory_space<vmem_shared>>) target(%dma_start3A_122 : memref<640x64xf32, #tpu.memory_space<hbm>>) target_semaphore(%run_scoped3A : memref<!tpu.dma_semaphore, #tpu.memory_space<semaphore_mem>>)
      %dma_wait3A_125 = arith.constant 0 : i32
      %dma_wait3A_126 = tpu.memref_slice %arg5[%add3A_120, %dma_wait3A_125] : memref<20480x64xf32, #tpu.memory_space<hbm>> -> memref<640x64xf32, #tpu.memory_space<hbm>>
      %dma_wait3A_127 = arith.constant 0 : i32
      %dma_wait3A_128 = tpu.memref_slice %arg9[%mul3A_24, %dma_wait3A_127] : memref<10240x64xf32, #tpu.memory_space<vmem_shared>> -> memref<640x64xf32, #tpu.memory_space<vmem_shared>>
      tpu.wait_dma2 semaphore(%run_scoped3A : memref<!tpu.dma_semaphore, #tpu.memory_space<semaphore_mem>>) src(%dma_wait3A_128 : memref<640x64xf32, #tpu.memory_space<vmem_shared>>) dst(%dma_wait3A_126 : memref<640x64xf32, #tpu.memory_space<hbm>>)
      tpu.yield
    }) : () -> ()
    "tpu.trace_stop"() : () -> ()
    return
  }
}

#map = affine_map<(d0, d1) -> (0, 0)>
#map1 = affine_map<(d0, d1) -> (0, 0, 0)>
module attributes {stable_mosaic.version = 14 : i64} {
  func.func @gcn_agg_32(%arg0: i32, %arg1: i32, %arg2: memref<10240x32xf32, #tpu.memory_space<hbm>>, %arg3: memref<10240x32xf32, #tpu.memory_space<hbm>>, %arg4: memref<2x2500x128xi32, #tpu.memory_space<hbm>>, %arg5: memref<20480x32xf32, #tpu.memory_space<hbm>>, %arg6: memref<79x128xi32, #tpu.memory_space<vmem>>, %arg7: memref<79x128xi32, #tpu.memory_space<vmem>>, %arg8: memref<6x128x32xf32, #tpu.memory_space<vmem>>, %arg9: memref<10240x32xf32, #tpu.memory_space<vmem_shared>>, %arg10: memref<!tpu.dma_semaphore, #tpu.memory_space<semaphore_mem>>, %arg11: memref<!tpu.dma_semaphore, #tpu.memory_space<semaphore_mem>>, %arg12: memref<!tpu.dma_semaphore, #tpu.memory_space<semaphore_mem>>, %arg13: memref<!tpu.dma_semaphore, #tpu.memory_space<semaphore_mem>>, %arg14: memref<!tpu.dma_semaphore, #tpu.memory_space<semaphore_mem>>, %arg15: memref<!tpu.dma_semaphore, #tpu.memory_space<semaphore_mem>>, %arg16: memref<!tpu.dma_semaphore, #tpu.memory_space<semaphore_mem>>, %arg17: memref<!tpu.dma_semaphore, #tpu.memory_space<semaphore_mem>>, %arg18: memref<!tpu.dma_semaphore, #tpu.memory_space<semaphore_mem>>, %arg19: memref<!tpu.dma_semaphore, #tpu.memory_space<semaphore_mem>>, %arg20: memref<!tpu.dma_semaphore, #tpu.memory_space<semaphore_mem>>, %arg21: memref<!tpu.dma_semaphore, #tpu.memory_space<semaphore_mem>>, %arg22: memref<!tpu.dma_semaphore, #tpu.memory_space<semaphore_mem>>) attributes {dimension_semantics = [#tpu.dimension_semantics<core_parallel>, #tpu.dimension_semantics<subcore_parallel>], iteration_bounds = array<i64: 2, 16>, scalar_prefetch = 0 : i64, scratch_operands = 17 : i64, tpu.core_type = #tpu.core_type<sc_vector_subcore>, window_params = [{transform_indices = #map}, {transform_indices = #map}, {transform_indices = #map1}, {transform_indices = #map}]} {
    %mul3A = arith.constant 2 : i32
    %mul3A_0 = arith.muli %arg1, %mul3A : i32
    %add3A = arith.addi %mul3A_0, %arg0 : i32
    %mul3A_1 = arith.constant 78 : i32
    %mul3A_2 = arith.muli %mul3A_1, %add3A : i32
    %sub3A = arith.constant 28 : i32
    %sub3A_3 = arith.subi %add3A, %sub3A : i32
    %max3A = arith.constant 0 : i32
    %max3A_4 = arith.maxsi %sub3A_3, %max3A : i32
    %add3A_5 = arith.addi %mul3A_2, %max3A_4 : i32
    %ge3A = arith.constant 28 : i32
    %ge3A_6 = arith.cmpi sge, %add3A, %ge3A : i32
    %jit3A = arith.constant 1 : i32
    %jit3A_7 = arith.constant 0 : i32
    %select_n3A = arith.select %ge3A_6, %jit3A, %jit3A_7 : i32
    %add3A_8 = arith.constant 78 : i32
    %add3A_9 = arith.addi %add3A_8, %select_n3A : i32
    %dma_start3A = arith.constant 0 : i32
    %dma_start3A_10 = arith.constant 0 : i32
    %dma_start3A_11 = tpu.memref_slice %arg4[%dma_start3A, %add3A_5, %dma_start3A_10] : memref<2x2500x128xi32, #tpu.memory_space<hbm>> -> memref<1x79x128xi32, #tpu.memory_space<hbm>>
    %dma_start3A_12 = tpu.memref_squeeze %dma_start3A_11 : memref<1x79x128xi32, #tpu.memory_space<hbm>> -> memref<79x128xi32, #tpu.memory_space<hbm>>
    %dma_start3A_13 = arith.constant 0 : i32
    %dma_start3A_14 = tpu.memref_slice %arg4[%dma_start3A, %add3A_5, %dma_start3A_13] : memref<2x2500x128xi32, #tpu.memory_space<hbm>> -> memref<1x79x128xi32, #tpu.memory_space<hbm>>
    %dma_start3A_15 = tpu.memref_squeeze %dma_start3A_14 : memref<1x79x128xi32, #tpu.memory_space<hbm>> -> memref<79x128xi32, #tpu.memory_space<hbm>>
    tpu.enqueue_dma source(%dma_start3A_15 : memref<79x128xi32, #tpu.memory_space<hbm>>) target(%arg6 : memref<79x128xi32, #tpu.memory_space<vmem>>) target_semaphore(%arg10 : memref<!tpu.dma_semaphore, #tpu.memory_space<semaphore_mem>>)
    %dma_start3A_16 = arith.constant 1 : i32
    %dma_start3A_17 = arith.constant 0 : i32
    %dma_start3A_18 = tpu.memref_slice %arg4[%dma_start3A_16, %add3A_5, %dma_start3A_17] : memref<2x2500x128xi32, #tpu.memory_space<hbm>> -> memref<1x79x128xi32, #tpu.memory_space<hbm>>
    %dma_start3A_19 = tpu.memref_squeeze %dma_start3A_18 : memref<1x79x128xi32, #tpu.memory_space<hbm>> -> memref<79x128xi32, #tpu.memory_space<hbm>>
    %dma_start3A_20 = arith.constant 0 : i32
    %dma_start3A_21 = tpu.memref_slice %arg4[%dma_start3A_16, %add3A_5, %dma_start3A_20] : memref<2x2500x128xi32, #tpu.memory_space<hbm>> -> memref<1x79x128xi32, #tpu.memory_space<hbm>>
    %dma_start3A_22 = tpu.memref_squeeze %dma_start3A_21 : memref<1x79x128xi32, #tpu.memory_space<hbm>> -> memref<79x128xi32, #tpu.memory_space<hbm>>
    tpu.enqueue_dma source(%dma_start3A_22 : memref<79x128xi32, #tpu.memory_space<hbm>>) target(%arg7 : memref<79x128xi32, #tpu.memory_space<vmem>>) target_semaphore(%arg10 : memref<!tpu.dma_semaphore, #tpu.memory_space<semaphore_mem>>)
    %mul3A_23 = arith.constant 640 : i32
    %mul3A_24 = arith.muli %arg1, %mul3A_23 : i32
    "tpu.trace_start"() <{level = 10 : i32, message = "agg_seed"}> : () -> ()
    "tpu.region"() ({
      %run_scoped3A = tpu.sem_alloc : memref<!tpu.dma_semaphore, #tpu.memory_space<semaphore_mem>>
      %dma_start3A_121 = arith.constant 0 : i32
      %dma_start3A_122 = tpu.memref_slice %arg9[%mul3A_24, %dma_start3A_121] : memref<10240x32xf32, #tpu.memory_space<vmem_shared>> -> memref<640x32xf32, #tpu.memory_space<vmem_shared>>
      %dma_start3A_123 = arith.constant 0 : i32
      %dma_start3A_124 = tpu.memref_slice %arg3[%mul3A_24, %dma_start3A_123] : memref<10240x32xf32, #tpu.memory_space<hbm>> -> memref<640x32xf32, #tpu.memory_space<hbm>>
      tpu.enqueue_dma source(%dma_start3A_124 : memref<640x32xf32, #tpu.memory_space<hbm>>) target(%dma_start3A_122 : memref<640x32xf32, #tpu.memory_space<vmem_shared>>) target_semaphore(%run_scoped3A : memref<!tpu.dma_semaphore, #tpu.memory_space<semaphore_mem>>)
      %dma_wait3A_125 = arith.constant 0 : i32
      %dma_wait3A_126 = tpu.memref_slice %arg9[%mul3A_24, %dma_wait3A_125] : memref<10240x32xf32, #tpu.memory_space<vmem_shared>> -> memref<640x32xf32, #tpu.memory_space<vmem_shared>>
      %dma_wait3A_127 = arith.constant 0 : i32
      %dma_wait3A_128 = tpu.memref_slice %arg3[%mul3A_24, %dma_wait3A_127] : memref<10240x32xf32, #tpu.memory_space<hbm>> -> memref<640x32xf32, #tpu.memory_space<hbm>>
      tpu.wait_dma2 semaphore(%run_scoped3A : memref<!tpu.dma_semaphore, #tpu.memory_space<semaphore_mem>>) src(%dma_wait3A_128 : memref<640x32xf32, #tpu.memory_space<hbm>>) dst(%dma_wait3A_126 : memref<640x32xf32, #tpu.memory_space<vmem_shared>>)
      tpu.yield
    }) : () -> ()
    %barrier3A = arith.constant 0 : index
    tpu.barrier barrier_id(%barrier3A)
    %dma_wait3A = arith.constant 0 : i32
    %dma_wait3A_25 = arith.constant 0 : i32
    %dma_wait3A_26 = tpu.memref_slice %arg4[%dma_wait3A, %add3A_5, %dma_wait3A_25] : memref<2x2500x128xi32, #tpu.memory_space<hbm>> -> memref<1x79x128xi32, #tpu.memory_space<hbm>>
    %dma_wait3A_27 = tpu.memref_squeeze %dma_wait3A_26 : memref<1x79x128xi32, #tpu.memory_space<hbm>> -> memref<79x128xi32, #tpu.memory_space<hbm>>
    %dma_wait3A_28 = arith.constant 0 : i32
    %dma_wait3A_29 = tpu.memref_slice %arg4[%dma_wait3A, %add3A_5, %dma_wait3A_28] : memref<2x2500x128xi32, #tpu.memory_space<hbm>> -> memref<1x79x128xi32, #tpu.memory_space<hbm>>
    %dma_wait3A_30 = tpu.memref_squeeze %dma_wait3A_29 : memref<1x79x128xi32, #tpu.memory_space<hbm>> -> memref<79x128xi32, #tpu.memory_space<hbm>>
    tpu.wait_dma2 semaphore(%arg10 : memref<!tpu.dma_semaphore, #tpu.memory_space<semaphore_mem>>) src(%dma_wait3A_30 : memref<79x128xi32, #tpu.memory_space<hbm>>) dst(%arg6 : memref<79x128xi32, #tpu.memory_space<vmem>>)
    %dma_wait3A_31 = arith.constant 1 : i32
    %dma_wait3A_32 = arith.constant 0 : i32
    %dma_wait3A_33 = tpu.memref_slice %arg4[%dma_wait3A_31, %add3A_5, %dma_wait3A_32] : memref<2x2500x128xi32, #tpu.memory_space<hbm>> -> memref<1x79x128xi32, #tpu.memory_space<hbm>>
    %dma_wait3A_34 = tpu.memref_squeeze %dma_wait3A_33 : memref<1x79x128xi32, #tpu.memory_space<hbm>> -> memref<79x128xi32, #tpu.memory_space<hbm>>
    %dma_wait3A_35 = arith.constant 0 : i32
    %dma_wait3A_36 = tpu.memref_slice %arg4[%dma_wait3A_31, %add3A_5, %dma_wait3A_35] : memref<2x2500x128xi32, #tpu.memory_space<hbm>> -> memref<1x79x128xi32, #tpu.memory_space<hbm>>
    %dma_wait3A_37 = tpu.memref_squeeze %dma_wait3A_36 : memref<1x79x128xi32, #tpu.memory_space<hbm>> -> memref<79x128xi32, #tpu.memory_space<hbm>>
    tpu.wait_dma2 semaphore(%arg10 : memref<!tpu.dma_semaphore, #tpu.memory_space<semaphore_mem>>) src(%dma_wait3A_37 : memref<79x128xi32, #tpu.memory_space<hbm>>) dst(%arg7 : memref<79x128xi32, #tpu.memory_space<vmem>>)
    %dma_start3A_38 = arith.constant 0 : i32
    %dma_start3A_39 = arith.constant 0 : i32
    "tpu.trace_stop"() : () -> ()
    "tpu.trace_start"() <{level = 10 : i32, message = "agg_loop"}> : () -> ()
    %dma_start3A_40 = arith.constant 0 : i32
    %dma_start3A_41 = arith.constant 0 : i32
    %dma_start3A_42 = tpu.memref_slice %arg8[%dma_start3A_39, %dma_start3A_40, %dma_start3A_41] : memref<6x128x32xf32, #tpu.memory_space<vmem>> -> memref<1x128x32xf32, #tpu.memory_space<vmem>>
    %dma_start3A_43 = tpu.memref_squeeze %dma_start3A_42 : memref<1x128x32xf32, #tpu.memory_space<vmem>> -> memref<128x32xf32, #tpu.memory_space<vmem>>
    %dma_start3A_44 = arith.constant 0 : i32
    %dma_start3A_45 = tpu.memref_slice %arg6[%dma_start3A_38, %dma_start3A_44] : memref<79x128xi32, #tpu.memory_space<vmem>> -> memref<1x128xi32, #tpu.memory_space<vmem>>
    %dma_start3A_46 = tpu.memref_squeeze %dma_start3A_45 : memref<1x128xi32, #tpu.memory_space<vmem>> -> memref<128xi32, #tpu.memory_space<vmem>>
    %dma_start3A_47 = arith.constant 0 : i32
    %dma_start3A_48 = arith.constant 0 : i32
    %dma_start3A_49 = tpu.memref_slice %arg2[%dma_start3A_47, %dma_start3A_48] : memref<10240x32xf32, #tpu.memory_space<hbm>> -> memref<10240x32xf32, #tpu.memory_space<hbm>>
    tpu.enqueue_indirect_dma source(%dma_start3A_49 : memref<10240x32xf32, #tpu.memory_space<hbm>>) target(%dma_start3A_43 : memref<128x32xf32, #tpu.memory_space<vmem>>) offsets(%dma_start3A_46 : memref<128xi32, #tpu.memory_space<vmem>>) semaphore(%arg11 : memref<!tpu.dma_semaphore, #tpu.memory_space<semaphore_mem>>)
    %dma_start3A_50 = arith.constant 1 : i32
    %dma_start3A_51 = arith.constant 1 : i32
    %dma_start3A_52 = arith.constant 0 : i32
    %dma_start3A_53 = arith.constant 0 : i32
    %dma_start3A_54 = tpu.memref_slice %arg8[%dma_start3A_51, %dma_start3A_52, %dma_start3A_53] : memref<6x128x32xf32, #tpu.memory_space<vmem>> -> memref<1x128x32xf32, #tpu.memory_space<vmem>>
    %dma_start3A_55 = tpu.memref_squeeze %dma_start3A_54 : memref<1x128x32xf32, #tpu.memory_space<vmem>> -> memref<128x32xf32, #tpu.memory_space<vmem>>
    %dma_start3A_56 = arith.constant 0 : i32
    %dma_start3A_57 = tpu.memref_slice %arg6[%dma_start3A_50, %dma_start3A_56] : memref<79x128xi32, #tpu.memory_space<vmem>> -> memref<1x128xi32, #tpu.memory_space<vmem>>
    %dma_start3A_58 = tpu.memref_squeeze %dma_start3A_57 : memref<1x128xi32, #tpu.memory_space<vmem>> -> memref<128xi32, #tpu.memory_space<vmem>>
    %dma_start3A_59 = arith.constant 0 : i32
    %dma_start3A_60 = arith.constant 0 : i32
    %dma_start3A_61 = tpu.memref_slice %arg2[%dma_start3A_59, %dma_start3A_60] : memref<10240x32xf32, #tpu.memory_space<hbm>> -> memref<10240x32xf32, #tpu.memory_space<hbm>>
    tpu.enqueue_indirect_dma source(%dma_start3A_61 : memref<10240x32xf32, #tpu.memory_space<hbm>>) target(%dma_start3A_55 : memref<128x32xf32, #tpu.memory_space<vmem>>) offsets(%dma_start3A_58 : memref<128xi32, #tpu.memory_space<vmem>>) semaphore(%arg12 : memref<!tpu.dma_semaphore, #tpu.memory_space<semaphore_mem>>)
    %dma_start3A_62 = arith.constant 2 : i32
    %dma_start3A_63 = arith.constant 2 : i32
    %dma_start3A_64 = arith.constant 0 : i32
    %dma_start3A_65 = arith.constant 0 : i32
    %dma_start3A_66 = tpu.memref_slice %arg8[%dma_start3A_63, %dma_start3A_64, %dma_start3A_65] : memref<6x128x32xf32, #tpu.memory_space<vmem>> -> memref<1x128x32xf32, #tpu.memory_space<vmem>>
    %dma_start3A_67 = tpu.memref_squeeze %dma_start3A_66 : memref<1x128x32xf32, #tpu.memory_space<vmem>> -> memref<128x32xf32, #tpu.memory_space<vmem>>
    %dma_start3A_68 = arith.constant 0 : i32
    %dma_start3A_69 = tpu.memref_slice %arg6[%dma_start3A_62, %dma_start3A_68] : memref<79x128xi32, #tpu.memory_space<vmem>> -> memref<1x128xi32, #tpu.memory_space<vmem>>
    %dma_start3A_70 = tpu.memref_squeeze %dma_start3A_69 : memref<1x128xi32, #tpu.memory_space<vmem>> -> memref<128xi32, #tpu.memory_space<vmem>>
    %dma_start3A_71 = arith.constant 0 : i32
    %dma_start3A_72 = arith.constant 0 : i32
    %dma_start3A_73 = tpu.memref_slice %arg2[%dma_start3A_71, %dma_start3A_72] : memref<10240x32xf32, #tpu.memory_space<hbm>> -> memref<10240x32xf32, #tpu.memory_space<hbm>>
    tpu.enqueue_indirect_dma source(%dma_start3A_73 : memref<10240x32xf32, #tpu.memory_space<hbm>>) target(%dma_start3A_67 : memref<128x32xf32, #tpu.memory_space<vmem>>) offsets(%dma_start3A_70 : memref<128xi32, #tpu.memory_space<vmem>>) semaphore(%arg13 : memref<!tpu.dma_semaphore, #tpu.memory_space<semaphore_mem>>)
    %dma_start3A_74 = arith.constant 3 : i32
    %dma_start3A_75 = arith.constant 3 : i32
    %dma_start3A_76 = arith.constant 0 : i32
    %dma_start3A_77 = arith.constant 0 : i32
    %dma_start3A_78 = tpu.memref_slice %arg8[%dma_start3A_75, %dma_start3A_76, %dma_start3A_77] : memref<6x128x32xf32, #tpu.memory_space<vmem>> -> memref<1x128x32xf32, #tpu.memory_space<vmem>>
    %dma_start3A_79 = tpu.memref_squeeze %dma_start3A_78 : memref<1x128x32xf32, #tpu.memory_space<vmem>> -> memref<128x32xf32, #tpu.memory_space<vmem>>
    %dma_start3A_80 = arith.constant 0 : i32
    %dma_start3A_81 = tpu.memref_slice %arg6[%dma_start3A_74, %dma_start3A_80] : memref<79x128xi32, #tpu.memory_space<vmem>> -> memref<1x128xi32, #tpu.memory_space<vmem>>
    %dma_start3A_82 = tpu.memref_squeeze %dma_start3A_81 : memref<1x128xi32, #tpu.memory_space<vmem>> -> memref<128xi32, #tpu.memory_space<vmem>>
    %dma_start3A_83 = arith.constant 0 : i32
    %dma_start3A_84 = arith.constant 0 : i32
    %dma_start3A_85 = tpu.memref_slice %arg2[%dma_start3A_83, %dma_start3A_84] : memref<10240x32xf32, #tpu.memory_space<hbm>> -> memref<10240x32xf32, #tpu.memory_space<hbm>>
    tpu.enqueue_indirect_dma source(%dma_start3A_85 : memref<10240x32xf32, #tpu.memory_space<hbm>>) target(%dma_start3A_79 : memref<128x32xf32, #tpu.memory_space<vmem>>) offsets(%dma_start3A_82 : memref<128xi32, #tpu.memory_space<vmem>>) semaphore(%arg14 : memref<!tpu.dma_semaphore, #tpu.memory_space<semaphore_mem>>)
    %dma_start3A_86 = arith.constant 4 : i32
    %dma_start3A_87 = arith.constant 4 : i32
    %dma_start3A_88 = arith.constant 0 : i32
    %dma_start3A_89 = arith.constant 0 : i32
    %dma_start3A_90 = tpu.memref_slice %arg8[%dma_start3A_87, %dma_start3A_88, %dma_start3A_89] : memref<6x128x32xf32, #tpu.memory_space<vmem>> -> memref<1x128x32xf32, #tpu.memory_space<vmem>>
    %dma_start3A_91 = tpu.memref_squeeze %dma_start3A_90 : memref<1x128x32xf32, #tpu.memory_space<vmem>> -> memref<128x32xf32, #tpu.memory_space<vmem>>
    %dma_start3A_92 = arith.constant 0 : i32
    %dma_start3A_93 = tpu.memref_slice %arg6[%dma_start3A_86, %dma_start3A_92] : memref<79x128xi32, #tpu.memory_space<vmem>> -> memref<1x128xi32, #tpu.memory_space<vmem>>
    %dma_start3A_94 = tpu.memref_squeeze %dma_start3A_93 : memref<1x128xi32, #tpu.memory_space<vmem>> -> memref<128xi32, #tpu.memory_space<vmem>>
    %dma_start3A_95 = arith.constant 0 : i32
    %dma_start3A_96 = arith.constant 0 : i32
    %dma_start3A_97 = tpu.memref_slice %arg2[%dma_start3A_95, %dma_start3A_96] : memref<10240x32xf32, #tpu.memory_space<hbm>> -> memref<10240x32xf32, #tpu.memory_space<hbm>>
    tpu.enqueue_indirect_dma source(%dma_start3A_97 : memref<10240x32xf32, #tpu.memory_space<hbm>>) target(%dma_start3A_91 : memref<128x32xf32, #tpu.memory_space<vmem>>) offsets(%dma_start3A_94 : memref<128xi32, #tpu.memory_space<vmem>>) semaphore(%arg15 : memref<!tpu.dma_semaphore, #tpu.memory_space<semaphore_mem>>)
    %dma_start3A_98 = arith.constant 5 : i32
    %dma_start3A_99 = arith.constant 5 : i32
    %dma_start3A_100 = arith.constant 0 : i32
    %dma_start3A_101 = arith.constant 0 : i32
    %dma_start3A_102 = tpu.memref_slice %arg8[%dma_start3A_99, %dma_start3A_100, %dma_start3A_101] : memref<6x128x32xf32, #tpu.memory_space<vmem>> -> memref<1x128x32xf32, #tpu.memory_space<vmem>>
    %dma_start3A_103 = tpu.memref_squeeze %dma_start3A_102 : memref<1x128x32xf32, #tpu.memory_space<vmem>> -> memref<128x32xf32, #tpu.memory_space<vmem>>
    %dma_start3A_104 = arith.constant 0 : i32
    %dma_start3A_105 = tpu.memref_slice %arg6[%dma_start3A_98, %dma_start3A_104] : memref<79x128xi32, #tpu.memory_space<vmem>> -> memref<1x128xi32, #tpu.memory_space<vmem>>
    %dma_start3A_106 = tpu.memref_squeeze %dma_start3A_105 : memref<1x128xi32, #tpu.memory_space<vmem>> -> memref<128xi32, #tpu.memory_space<vmem>>
    %dma_start3A_107 = arith.constant 0 : i32
    %dma_start3A_108 = arith.constant 0 : i32
    %dma_start3A_109 = tpu.memref_slice %arg2[%dma_start3A_107, %dma_start3A_108] : memref<10240x32xf32, #tpu.memory_space<hbm>> -> memref<10240x32xf32, #tpu.memory_space<hbm>>
    tpu.enqueue_indirect_dma source(%dma_start3A_109 : memref<10240x32xf32, #tpu.memory_space<hbm>>) target(%dma_start3A_103 : memref<128x32xf32, #tpu.memory_space<vmem>>) offsets(%dma_start3A_106 : memref<128xi32, #tpu.memory_space<vmem>>) semaphore(%arg16 : memref<!tpu.dma_semaphore, #tpu.memory_space<semaphore_mem>>)
    %scan3A = arith.constant 0 : i32
    %scan3A_110 = arith.constant 0 : i32
    %scan3A_111 = arith.constant 13 : i32
    %scan3A_112 = arith.addi %scan3A_110, %scan3A_111 : i32
    %scan3A_113 = arith.constant 1 : i32
    scf.for %scan3A_121 = %scan3A_110 to %scan3A_112 step %scan3A_113  : i32 {
      %mul3A_122 = arith.constant 6 : i32
      %mul3A_123 = arith.muli %scan3A_121, %mul3A_122 : i32
      %add3A_124 = arith.constant 0 : i32
      %add3A_125 = arith.addi %mul3A_123, %add3A_124 : i32
      %dma_wait3A_126 = arith.constant 0 : i32
      %dma_wait3A_127 = arith.constant 0 : i32
      %dma_wait3A_128 = arith.constant 0 : i32
      %dma_wait3A_129 = tpu.memref_slice %arg8[%dma_wait3A_126, %dma_wait3A_127, %dma_wait3A_128] : memref<6x128x32xf32, #tpu.memory_space<vmem>> -> memref<1x128x32xf32, #tpu.memory_space<vmem>>
      %dma_wait3A_130 = tpu.memref_squeeze %dma_wait3A_129 : memref<1x128x32xf32, #tpu.memory_space<vmem>> -> memref<128x32xf32, #tpu.memory_space<vmem>>
      %dma_wait3A_131 = arith.constant 0 : i32
      %dma_wait3A_132 = tpu.memref_slice %arg6[%add3A_125, %dma_wait3A_131] : memref<79x128xi32, #tpu.memory_space<vmem>> -> memref<1x128xi32, #tpu.memory_space<vmem>>
      %dma_wait3A_133 = tpu.memref_squeeze %dma_wait3A_132 : memref<1x128xi32, #tpu.memory_space<vmem>> -> memref<128xi32, #tpu.memory_space<vmem>>
      %dma_wait3A_134 = arith.constant 0 : i32
      %dma_wait3A_135 = arith.constant 0 : i32
      %dma_wait3A_136 = tpu.memref_slice %arg2[%dma_wait3A_134, %dma_wait3A_135] : memref<10240x32xf32, #tpu.memory_space<hbm>> -> memref<10240x32xf32, #tpu.memory_space<hbm>>
      tpu.wait_indirect_dma semaphore(%arg11 : memref<!tpu.dma_semaphore, #tpu.memory_space<semaphore_mem>>) src(%dma_wait3A_136 : memref<10240x32xf32, #tpu.memory_space<hbm>>) dst(%dma_wait3A_130 : memref<128x32xf32, #tpu.memory_space<vmem>>)
      %dma_start3A_137 = arith.constant 0 : i32
      %dma_start3A_138 = arith.constant 0 : i32
      %dma_start3A_139 = arith.constant 0 : i32
      %dma_start3A_140 = tpu.memref_slice %arg8[%dma_start3A_137, %dma_start3A_138, %dma_start3A_139] : memref<6x128x32xf32, #tpu.memory_space<vmem>> -> memref<1x128x32xf32, #tpu.memory_space<vmem>>
      %dma_start3A_141 = tpu.memref_squeeze %dma_start3A_140 : memref<1x128x32xf32, #tpu.memory_space<vmem>> -> memref<128x32xf32, #tpu.memory_space<vmem>>
      %dma_start3A_142 = arith.constant 0 : i32
      %dma_start3A_143 = tpu.memref_slice %arg7[%add3A_125, %dma_start3A_142] : memref<79x128xi32, #tpu.memory_space<vmem>> -> memref<1x128xi32, #tpu.memory_space<vmem>>
      %dma_start3A_144 = tpu.memref_squeeze %dma_start3A_143 : memref<1x128xi32, #tpu.memory_space<vmem>> -> memref<128xi32, #tpu.memory_space<vmem>>
      %dma_start3A_145 = arith.constant 0 : i32
      %dma_start3A_146 = arith.constant 0 : i32
      %dma_start3A_147 = tpu.memref_slice %arg9[%dma_start3A_145, %dma_start3A_146] : memref<10240x32xf32, #tpu.memory_space<vmem_shared>> -> memref<10240x32xf32, #tpu.memory_space<vmem_shared>>
      tpu.enqueue_indirect_dma source(%dma_start3A_141 : memref<128x32xf32, #tpu.memory_space<vmem>>) target(%dma_start3A_147 : memref<10240x32xf32, #tpu.memory_space<vmem_shared>>) offsets(%dma_start3A_144 : memref<128xi32, #tpu.memory_space<vmem>>) semaphore(%arg17 : memref<!tpu.dma_semaphore, #tpu.memory_space<semaphore_mem>>) {add = true}
      %dma_wait3A_148 = arith.constant 0 : i32
      %dma_wait3A_149 = arith.constant 0 : i32
      %dma_wait3A_150 = arith.constant 0 : i32
      %dma_wait3A_151 = tpu.memref_slice %arg8[%dma_wait3A_148, %dma_wait3A_149, %dma_wait3A_150] : memref<6x128x32xf32, #tpu.memory_space<vmem>> -> memref<1x128x32xf32, #tpu.memory_space<vmem>>
      %dma_wait3A_152 = tpu.memref_squeeze %dma_wait3A_151 : memref<1x128x32xf32, #tpu.memory_space<vmem>> -> memref<128x32xf32, #tpu.memory_space<vmem>>
      %dma_wait3A_153 = arith.constant 0 : i32
      %dma_wait3A_154 = tpu.memref_slice %arg7[%add3A_125, %dma_wait3A_153] : memref<79x128xi32, #tpu.memory_space<vmem>> -> memref<1x128xi32, #tpu.memory_space<vmem>>
      %dma_wait3A_155 = tpu.memref_squeeze %dma_wait3A_154 : memref<1x128xi32, #tpu.memory_space<vmem>> -> memref<128xi32, #tpu.memory_space<vmem>>
      %dma_wait3A_156 = arith.constant 0 : i32
      %dma_wait3A_157 = arith.constant 0 : i32
      %dma_wait3A_158 = tpu.memref_slice %arg9[%dma_wait3A_156, %dma_wait3A_157] : memref<10240x32xf32, #tpu.memory_space<vmem_shared>> -> memref<10240x32xf32, #tpu.memory_space<vmem_shared>>
      tpu.wait_indirect_dma semaphore(%arg17 : memref<!tpu.dma_semaphore, #tpu.memory_space<semaphore_mem>>) src(%dma_wait3A_152 : memref<128x32xf32, #tpu.memory_space<vmem>>) dst(%dma_wait3A_158 : memref<10240x32xf32, #tpu.memory_space<vmem_shared>>)
      %add3A_159 = arith.constant 6 : i32
      %add3A_160 = arith.addi %add3A_125, %add3A_159 : i32
      %lt3A = arith.cmpi slt, %add3A_160, %add3A_9 : i32
      %convert_element_type3A_161 = arith.extui %lt3A : i1 to i32
      %cond3A_162 = arith.constant 0 : i32
      %cond3A_163 = arith.cmpi ne, %convert_element_type3A_161, %cond3A_162 : i32
      scf.if %cond3A_163 {
        %add3A_369 = arith.constant 6 : i32
        %add3A_370 = arith.addi %add3A_125, %add3A_369 : i32
        %dma_start3A_371 = arith.constant 0 : i32
        %dma_start3A_372 = arith.constant 0 : i32
        %dma_start3A_373 = arith.constant 0 : i32
        %dma_start3A_374 = tpu.memref_slice %arg8[%dma_start3A_371, %dma_start3A_372, %dma_start3A_373] : memref<6x128x32xf32, #tpu.memory_space<vmem>> -> memref<1x128x32xf32, #tpu.memory_space<vmem>>
        %dma_start3A_375 = tpu.memref_squeeze %dma_start3A_374 : memref<1x128x32xf32, #tpu.memory_space<vmem>> -> memref<128x32xf32, #tpu.memory_space<vmem>>
        %dma_start3A_376 = arith.constant 0 : i32
        %dma_start3A_377 = tpu.memref_slice %arg6[%add3A_370, %dma_start3A_376] : memref<79x128xi32, #tpu.memory_space<vmem>> -> memref<1x128xi32, #tpu.memory_space<vmem>>
        %dma_start3A_378 = tpu.memref_squeeze %dma_start3A_377 : memref<1x128xi32, #tpu.memory_space<vmem>> -> memref<128xi32, #tpu.memory_space<vmem>>
        %dma_start3A_379 = arith.constant 0 : i32
        %dma_start3A_380 = arith.constant 0 : i32
        %dma_start3A_381 = tpu.memref_slice %arg2[%dma_start3A_379, %dma_start3A_380] : memref<10240x32xf32, #tpu.memory_space<hbm>> -> memref<10240x32xf32, #tpu.memory_space<hbm>>
        tpu.enqueue_indirect_dma source(%dma_start3A_381 : memref<10240x32xf32, #tpu.memory_space<hbm>>) target(%dma_start3A_375 : memref<128x32xf32, #tpu.memory_space<vmem>>) offsets(%dma_start3A_378 : memref<128xi32, #tpu.memory_space<vmem>>) semaphore(%arg11 : memref<!tpu.dma_semaphore, #tpu.memory_space<semaphore_mem>>)
      } else {
      }
      %add3A_164 = arith.constant 1 : i32
      %add3A_165 = arith.addi %mul3A_123, %add3A_164 : i32
      %dma_wait3A_166 = arith.constant 1 : i32
      %dma_wait3A_167 = arith.constant 0 : i32
      %dma_wait3A_168 = arith.constant 0 : i32
      %dma_wait3A_169 = tpu.memref_slice %arg8[%dma_wait3A_166, %dma_wait3A_167, %dma_wait3A_168] : memref<6x128x32xf32, #tpu.memory_space<vmem>> -> memref<1x128x32xf32, #tpu.memory_space<vmem>>
      %dma_wait3A_170 = tpu.memref_squeeze %dma_wait3A_169 : memref<1x128x32xf32, #tpu.memory_space<vmem>> -> memref<128x32xf32, #tpu.memory_space<vmem>>
      %dma_wait3A_171 = arith.constant 0 : i32
      %dma_wait3A_172 = tpu.memref_slice %arg6[%add3A_165, %dma_wait3A_171] : memref<79x128xi32, #tpu.memory_space<vmem>> -> memref<1x128xi32, #tpu.memory_space<vmem>>
      %dma_wait3A_173 = tpu.memref_squeeze %dma_wait3A_172 : memref<1x128xi32, #tpu.memory_space<vmem>> -> memref<128xi32, #tpu.memory_space<vmem>>
      %dma_wait3A_174 = arith.constant 0 : i32
      %dma_wait3A_175 = arith.constant 0 : i32
      %dma_wait3A_176 = tpu.memref_slice %arg2[%dma_wait3A_174, %dma_wait3A_175] : memref<10240x32xf32, #tpu.memory_space<hbm>> -> memref<10240x32xf32, #tpu.memory_space<hbm>>
      tpu.wait_indirect_dma semaphore(%arg12 : memref<!tpu.dma_semaphore, #tpu.memory_space<semaphore_mem>>) src(%dma_wait3A_176 : memref<10240x32xf32, #tpu.memory_space<hbm>>) dst(%dma_wait3A_170 : memref<128x32xf32, #tpu.memory_space<vmem>>)
      %dma_start3A_177 = arith.constant 1 : i32
      %dma_start3A_178 = arith.constant 0 : i32
      %dma_start3A_179 = arith.constant 0 : i32
      %dma_start3A_180 = tpu.memref_slice %arg8[%dma_start3A_177, %dma_start3A_178, %dma_start3A_179] : memref<6x128x32xf32, #tpu.memory_space<vmem>> -> memref<1x128x32xf32, #tpu.memory_space<vmem>>
      %dma_start3A_181 = tpu.memref_squeeze %dma_start3A_180 : memref<1x128x32xf32, #tpu.memory_space<vmem>> -> memref<128x32xf32, #tpu.memory_space<vmem>>
      %dma_start3A_182 = arith.constant 0 : i32
      %dma_start3A_183 = tpu.memref_slice %arg7[%add3A_165, %dma_start3A_182] : memref<79x128xi32, #tpu.memory_space<vmem>> -> memref<1x128xi32, #tpu.memory_space<vmem>>
      %dma_start3A_184 = tpu.memref_squeeze %dma_start3A_183 : memref<1x128xi32, #tpu.memory_space<vmem>> -> memref<128xi32, #tpu.memory_space<vmem>>
      %dma_start3A_185 = arith.constant 0 : i32
      %dma_start3A_186 = arith.constant 0 : i32
      %dma_start3A_187 = tpu.memref_slice %arg9[%dma_start3A_185, %dma_start3A_186] : memref<10240x32xf32, #tpu.memory_space<vmem_shared>> -> memref<10240x32xf32, #tpu.memory_space<vmem_shared>>
      tpu.enqueue_indirect_dma source(%dma_start3A_181 : memref<128x32xf32, #tpu.memory_space<vmem>>) target(%dma_start3A_187 : memref<10240x32xf32, #tpu.memory_space<vmem_shared>>) offsets(%dma_start3A_184 : memref<128xi32, #tpu.memory_space<vmem>>) semaphore(%arg18 : memref<!tpu.dma_semaphore, #tpu.memory_space<semaphore_mem>>) {add = true}
      %dma_wait3A_188 = arith.constant 1 : i32
      %dma_wait3A_189 = arith.constant 0 : i32
      %dma_wait3A_190 = arith.constant 0 : i32
      %dma_wait3A_191 = tpu.memref_slice %arg8[%dma_wait3A_188, %dma_wait3A_189, %dma_wait3A_190] : memref<6x128x32xf32, #tpu.memory_space<vmem>> -> memref<1x128x32xf32, #tpu.memory_space<vmem>>
      %dma_wait3A_192 = tpu.memref_squeeze %dma_wait3A_191 : memref<1x128x32xf32, #tpu.memory_space<vmem>> -> memref<128x32xf32, #tpu.memory_space<vmem>>
      %dma_wait3A_193 = arith.constant 0 : i32
      %dma_wait3A_194 = tpu.memref_slice %arg7[%add3A_165, %dma_wait3A_193] : memref<79x128xi32, #tpu.memory_space<vmem>> -> memref<1x128xi32, #tpu.memory_space<vmem>>
      %dma_wait3A_195 = tpu.memref_squeeze %dma_wait3A_194 : memref<1x128xi32, #tpu.memory_space<vmem>> -> memref<128xi32, #tpu.memory_space<vmem>>
      %dma_wait3A_196 = arith.constant 0 : i32
      %dma_wait3A_197 = arith.constant 0 : i32
      %dma_wait3A_198 = tpu.memref_slice %arg9[%dma_wait3A_196, %dma_wait3A_197] : memref<10240x32xf32, #tpu.memory_space<vmem_shared>> -> memref<10240x32xf32, #tpu.memory_space<vmem_shared>>
      tpu.wait_indirect_dma semaphore(%arg18 : memref<!tpu.dma_semaphore, #tpu.memory_space<semaphore_mem>>) src(%dma_wait3A_192 : memref<128x32xf32, #tpu.memory_space<vmem>>) dst(%dma_wait3A_198 : memref<10240x32xf32, #tpu.memory_space<vmem_shared>>)
      %add3A_199 = arith.constant 6 : i32
      %add3A_200 = arith.addi %add3A_165, %add3A_199 : i32
      %lt3A_201 = arith.cmpi slt, %add3A_200, %add3A_9 : i32
      %convert_element_type3A_202 = arith.extui %lt3A_201 : i1 to i32
      %cond3A_203 = arith.constant 0 : i32
      %cond3A_204 = arith.cmpi ne, %convert_element_type3A_202, %cond3A_203 : i32
      scf.if %cond3A_204 {
        %add3A_369 = arith.constant 6 : i32
        %add3A_370 = arith.addi %add3A_165, %add3A_369 : i32
        %dma_start3A_371 = arith.constant 1 : i32
        %dma_start3A_372 = arith.constant 0 : i32
        %dma_start3A_373 = arith.constant 0 : i32
        %dma_start3A_374 = tpu.memref_slice %arg8[%dma_start3A_371, %dma_start3A_372, %dma_start3A_373] : memref<6x128x32xf32, #tpu.memory_space<vmem>> -> memref<1x128x32xf32, #tpu.memory_space<vmem>>
        %dma_start3A_375 = tpu.memref_squeeze %dma_start3A_374 : memref<1x128x32xf32, #tpu.memory_space<vmem>> -> memref<128x32xf32, #tpu.memory_space<vmem>>
        %dma_start3A_376 = arith.constant 0 : i32
        %dma_start3A_377 = tpu.memref_slice %arg6[%add3A_370, %dma_start3A_376] : memref<79x128xi32, #tpu.memory_space<vmem>> -> memref<1x128xi32, #tpu.memory_space<vmem>>
        %dma_start3A_378 = tpu.memref_squeeze %dma_start3A_377 : memref<1x128xi32, #tpu.memory_space<vmem>> -> memref<128xi32, #tpu.memory_space<vmem>>
        %dma_start3A_379 = arith.constant 0 : i32
        %dma_start3A_380 = arith.constant 0 : i32
        %dma_start3A_381 = tpu.memref_slice %arg2[%dma_start3A_379, %dma_start3A_380] : memref<10240x32xf32, #tpu.memory_space<hbm>> -> memref<10240x32xf32, #tpu.memory_space<hbm>>
        tpu.enqueue_indirect_dma source(%dma_start3A_381 : memref<10240x32xf32, #tpu.memory_space<hbm>>) target(%dma_start3A_375 : memref<128x32xf32, #tpu.memory_space<vmem>>) offsets(%dma_start3A_378 : memref<128xi32, #tpu.memory_space<vmem>>) semaphore(%arg12 : memref<!tpu.dma_semaphore, #tpu.memory_space<semaphore_mem>>)
      } else {
      }
      %add3A_205 = arith.constant 2 : i32
      %add3A_206 = arith.addi %mul3A_123, %add3A_205 : i32
      %dma_wait3A_207 = arith.constant 2 : i32
      %dma_wait3A_208 = arith.constant 0 : i32
      %dma_wait3A_209 = arith.constant 0 : i32
      %dma_wait3A_210 = tpu.memref_slice %arg8[%dma_wait3A_207, %dma_wait3A_208, %dma_wait3A_209] : memref<6x128x32xf32, #tpu.memory_space<vmem>> -> memref<1x128x32xf32, #tpu.memory_space<vmem>>
      %dma_wait3A_211 = tpu.memref_squeeze %dma_wait3A_210 : memref<1x128x32xf32, #tpu.memory_space<vmem>> -> memref<128x32xf32, #tpu.memory_space<vmem>>
      %dma_wait3A_212 = arith.constant 0 : i32
      %dma_wait3A_213 = tpu.memref_slice %arg6[%add3A_206, %dma_wait3A_212] : memref<79x128xi32, #tpu.memory_space<vmem>> -> memref<1x128xi32, #tpu.memory_space<vmem>>
      %dma_wait3A_214 = tpu.memref_squeeze %dma_wait3A_213 : memref<1x128xi32, #tpu.memory_space<vmem>> -> memref<128xi32, #tpu.memory_space<vmem>>
      %dma_wait3A_215 = arith.constant 0 : i32
      %dma_wait3A_216 = arith.constant 0 : i32
      %dma_wait3A_217 = tpu.memref_slice %arg2[%dma_wait3A_215, %dma_wait3A_216] : memref<10240x32xf32, #tpu.memory_space<hbm>> -> memref<10240x32xf32, #tpu.memory_space<hbm>>
      tpu.wait_indirect_dma semaphore(%arg13 : memref<!tpu.dma_semaphore, #tpu.memory_space<semaphore_mem>>) src(%dma_wait3A_217 : memref<10240x32xf32, #tpu.memory_space<hbm>>) dst(%dma_wait3A_211 : memref<128x32xf32, #tpu.memory_space<vmem>>)
      %dma_start3A_218 = arith.constant 2 : i32
      %dma_start3A_219 = arith.constant 0 : i32
      %dma_start3A_220 = arith.constant 0 : i32
      %dma_start3A_221 = tpu.memref_slice %arg8[%dma_start3A_218, %dma_start3A_219, %dma_start3A_220] : memref<6x128x32xf32, #tpu.memory_space<vmem>> -> memref<1x128x32xf32, #tpu.memory_space<vmem>>
      %dma_start3A_222 = tpu.memref_squeeze %dma_start3A_221 : memref<1x128x32xf32, #tpu.memory_space<vmem>> -> memref<128x32xf32, #tpu.memory_space<vmem>>
      %dma_start3A_223 = arith.constant 0 : i32
      %dma_start3A_224 = tpu.memref_slice %arg7[%add3A_206, %dma_start3A_223] : memref<79x128xi32, #tpu.memory_space<vmem>> -> memref<1x128xi32, #tpu.memory_space<vmem>>
      %dma_start3A_225 = tpu.memref_squeeze %dma_start3A_224 : memref<1x128xi32, #tpu.memory_space<vmem>> -> memref<128xi32, #tpu.memory_space<vmem>>
      %dma_start3A_226 = arith.constant 0 : i32
      %dma_start3A_227 = arith.constant 0 : i32
      %dma_start3A_228 = tpu.memref_slice %arg9[%dma_start3A_226, %dma_start3A_227] : memref<10240x32xf32, #tpu.memory_space<vmem_shared>> -> memref<10240x32xf32, #tpu.memory_space<vmem_shared>>
      tpu.enqueue_indirect_dma source(%dma_start3A_222 : memref<128x32xf32, #tpu.memory_space<vmem>>) target(%dma_start3A_228 : memref<10240x32xf32, #tpu.memory_space<vmem_shared>>) offsets(%dma_start3A_225 : memref<128xi32, #tpu.memory_space<vmem>>) semaphore(%arg19 : memref<!tpu.dma_semaphore, #tpu.memory_space<semaphore_mem>>) {add = true}
      %dma_wait3A_229 = arith.constant 2 : i32
      %dma_wait3A_230 = arith.constant 0 : i32
      %dma_wait3A_231 = arith.constant 0 : i32
      %dma_wait3A_232 = tpu.memref_slice %arg8[%dma_wait3A_229, %dma_wait3A_230, %dma_wait3A_231] : memref<6x128x32xf32, #tpu.memory_space<vmem>> -> memref<1x128x32xf32, #tpu.memory_space<vmem>>
      %dma_wait3A_233 = tpu.memref_squeeze %dma_wait3A_232 : memref<1x128x32xf32, #tpu.memory_space<vmem>> -> memref<128x32xf32, #tpu.memory_space<vmem>>
      %dma_wait3A_234 = arith.constant 0 : i32
      %dma_wait3A_235 = tpu.memref_slice %arg7[%add3A_206, %dma_wait3A_234] : memref<79x128xi32, #tpu.memory_space<vmem>> -> memref<1x128xi32, #tpu.memory_space<vmem>>
      %dma_wait3A_236 = tpu.memref_squeeze %dma_wait3A_235 : memref<1x128xi32, #tpu.memory_space<vmem>> -> memref<128xi32, #tpu.memory_space<vmem>>
      %dma_wait3A_237 = arith.constant 0 : i32
      %dma_wait3A_238 = arith.constant 0 : i32
      %dma_wait3A_239 = tpu.memref_slice %arg9[%dma_wait3A_237, %dma_wait3A_238] : memref<10240x32xf32, #tpu.memory_space<vmem_shared>> -> memref<10240x32xf32, #tpu.memory_space<vmem_shared>>
      tpu.wait_indirect_dma semaphore(%arg19 : memref<!tpu.dma_semaphore, #tpu.memory_space<semaphore_mem>>) src(%dma_wait3A_233 : memref<128x32xf32, #tpu.memory_space<vmem>>) dst(%dma_wait3A_239 : memref<10240x32xf32, #tpu.memory_space<vmem_shared>>)
      %add3A_240 = arith.constant 6 : i32
      %add3A_241 = arith.addi %add3A_206, %add3A_240 : i32
      %lt3A_242 = arith.cmpi slt, %add3A_241, %add3A_9 : i32
      %convert_element_type3A_243 = arith.extui %lt3A_242 : i1 to i32
      %cond3A_244 = arith.constant 0 : i32
      %cond3A_245 = arith.cmpi ne, %convert_element_type3A_243, %cond3A_244 : i32
      scf.if %cond3A_245 {
        %add3A_369 = arith.constant 6 : i32
        %add3A_370 = arith.addi %add3A_206, %add3A_369 : i32
        %dma_start3A_371 = arith.constant 2 : i32
        %dma_start3A_372 = arith.constant 0 : i32
        %dma_start3A_373 = arith.constant 0 : i32
        %dma_start3A_374 = tpu.memref_slice %arg8[%dma_start3A_371, %dma_start3A_372, %dma_start3A_373] : memref<6x128x32xf32, #tpu.memory_space<vmem>> -> memref<1x128x32xf32, #tpu.memory_space<vmem>>
        %dma_start3A_375 = tpu.memref_squeeze %dma_start3A_374 : memref<1x128x32xf32, #tpu.memory_space<vmem>> -> memref<128x32xf32, #tpu.memory_space<vmem>>
        %dma_start3A_376 = arith.constant 0 : i32
        %dma_start3A_377 = tpu.memref_slice %arg6[%add3A_370, %dma_start3A_376] : memref<79x128xi32, #tpu.memory_space<vmem>> -> memref<1x128xi32, #tpu.memory_space<vmem>>
        %dma_start3A_378 = tpu.memref_squeeze %dma_start3A_377 : memref<1x128xi32, #tpu.memory_space<vmem>> -> memref<128xi32, #tpu.memory_space<vmem>>
        %dma_start3A_379 = arith.constant 0 : i32
        %dma_start3A_380 = arith.constant 0 : i32
        %dma_start3A_381 = tpu.memref_slice %arg2[%dma_start3A_379, %dma_start3A_380] : memref<10240x32xf32, #tpu.memory_space<hbm>> -> memref<10240x32xf32, #tpu.memory_space<hbm>>
        tpu.enqueue_indirect_dma source(%dma_start3A_381 : memref<10240x32xf32, #tpu.memory_space<hbm>>) target(%dma_start3A_375 : memref<128x32xf32, #tpu.memory_space<vmem>>) offsets(%dma_start3A_378 : memref<128xi32, #tpu.memory_space<vmem>>) semaphore(%arg13 : memref<!tpu.dma_semaphore, #tpu.memory_space<semaphore_mem>>)
      } else {
      }
      %add3A_246 = arith.constant 3 : i32
      %add3A_247 = arith.addi %mul3A_123, %add3A_246 : i32
      %dma_wait3A_248 = arith.constant 3 : i32
      %dma_wait3A_249 = arith.constant 0 : i32
      %dma_wait3A_250 = arith.constant 0 : i32
      %dma_wait3A_251 = tpu.memref_slice %arg8[%dma_wait3A_248, %dma_wait3A_249, %dma_wait3A_250] : memref<6x128x32xf32, #tpu.memory_space<vmem>> -> memref<1x128x32xf32, #tpu.memory_space<vmem>>
      %dma_wait3A_252 = tpu.memref_squeeze %dma_wait3A_251 : memref<1x128x32xf32, #tpu.memory_space<vmem>> -> memref<128x32xf32, #tpu.memory_space<vmem>>
      %dma_wait3A_253 = arith.constant 0 : i32
      %dma_wait3A_254 = tpu.memref_slice %arg6[%add3A_247, %dma_wait3A_253] : memref<79x128xi32, #tpu.memory_space<vmem>> -> memref<1x128xi32, #tpu.memory_space<vmem>>
      %dma_wait3A_255 = tpu.memref_squeeze %dma_wait3A_254 : memref<1x128xi32, #tpu.memory_space<vmem>> -> memref<128xi32, #tpu.memory_space<vmem>>
      %dma_wait3A_256 = arith.constant 0 : i32
      %dma_wait3A_257 = arith.constant 0 : i32
      %dma_wait3A_258 = tpu.memref_slice %arg2[%dma_wait3A_256, %dma_wait3A_257] : memref<10240x32xf32, #tpu.memory_space<hbm>> -> memref<10240x32xf32, #tpu.memory_space<hbm>>
      tpu.wait_indirect_dma semaphore(%arg14 : memref<!tpu.dma_semaphore, #tpu.memory_space<semaphore_mem>>) src(%dma_wait3A_258 : memref<10240x32xf32, #tpu.memory_space<hbm>>) dst(%dma_wait3A_252 : memref<128x32xf32, #tpu.memory_space<vmem>>)
      %dma_start3A_259 = arith.constant 3 : i32
      %dma_start3A_260 = arith.constant 0 : i32
      %dma_start3A_261 = arith.constant 0 : i32
      %dma_start3A_262 = tpu.memref_slice %arg8[%dma_start3A_259, %dma_start3A_260, %dma_start3A_261] : memref<6x128x32xf32, #tpu.memory_space<vmem>> -> memref<1x128x32xf32, #tpu.memory_space<vmem>>
      %dma_start3A_263 = tpu.memref_squeeze %dma_start3A_262 : memref<1x128x32xf32, #tpu.memory_space<vmem>> -> memref<128x32xf32, #tpu.memory_space<vmem>>
      %dma_start3A_264 = arith.constant 0 : i32
      %dma_start3A_265 = tpu.memref_slice %arg7[%add3A_247, %dma_start3A_264] : memref<79x128xi32, #tpu.memory_space<vmem>> -> memref<1x128xi32, #tpu.memory_space<vmem>>
      %dma_start3A_266 = tpu.memref_squeeze %dma_start3A_265 : memref<1x128xi32, #tpu.memory_space<vmem>> -> memref<128xi32, #tpu.memory_space<vmem>>
      %dma_start3A_267 = arith.constant 0 : i32
      %dma_start3A_268 = arith.constant 0 : i32
      %dma_start3A_269 = tpu.memref_slice %arg9[%dma_start3A_267, %dma_start3A_268] : memref<10240x32xf32, #tpu.memory_space<vmem_shared>> -> memref<10240x32xf32, #tpu.memory_space<vmem_shared>>
      tpu.enqueue_indirect_dma source(%dma_start3A_263 : memref<128x32xf32, #tpu.memory_space<vmem>>) target(%dma_start3A_269 : memref<10240x32xf32, #tpu.memory_space<vmem_shared>>) offsets(%dma_start3A_266 : memref<128xi32, #tpu.memory_space<vmem>>) semaphore(%arg20 : memref<!tpu.dma_semaphore, #tpu.memory_space<semaphore_mem>>) {add = true}
      %dma_wait3A_270 = arith.constant 3 : i32
      %dma_wait3A_271 = arith.constant 0 : i32
      %dma_wait3A_272 = arith.constant 0 : i32
      %dma_wait3A_273 = tpu.memref_slice %arg8[%dma_wait3A_270, %dma_wait3A_271, %dma_wait3A_272] : memref<6x128x32xf32, #tpu.memory_space<vmem>> -> memref<1x128x32xf32, #tpu.memory_space<vmem>>
      %dma_wait3A_274 = tpu.memref_squeeze %dma_wait3A_273 : memref<1x128x32xf32, #tpu.memory_space<vmem>> -> memref<128x32xf32, #tpu.memory_space<vmem>>
      %dma_wait3A_275 = arith.constant 0 : i32
      %dma_wait3A_276 = tpu.memref_slice %arg7[%add3A_247, %dma_wait3A_275] : memref<79x128xi32, #tpu.memory_space<vmem>> -> memref<1x128xi32, #tpu.memory_space<vmem>>
      %dma_wait3A_277 = tpu.memref_squeeze %dma_wait3A_276 : memref<1x128xi32, #tpu.memory_space<vmem>> -> memref<128xi32, #tpu.memory_space<vmem>>
      %dma_wait3A_278 = arith.constant 0 : i32
      %dma_wait3A_279 = arith.constant 0 : i32
      %dma_wait3A_280 = tpu.memref_slice %arg9[%dma_wait3A_278, %dma_wait3A_279] : memref<10240x32xf32, #tpu.memory_space<vmem_shared>> -> memref<10240x32xf32, #tpu.memory_space<vmem_shared>>
      tpu.wait_indirect_dma semaphore(%arg20 : memref<!tpu.dma_semaphore, #tpu.memory_space<semaphore_mem>>) src(%dma_wait3A_274 : memref<128x32xf32, #tpu.memory_space<vmem>>) dst(%dma_wait3A_280 : memref<10240x32xf32, #tpu.memory_space<vmem_shared>>)
      %add3A_281 = arith.constant 6 : i32
      %add3A_282 = arith.addi %add3A_247, %add3A_281 : i32
      %lt3A_283 = arith.cmpi slt, %add3A_282, %add3A_9 : i32
      %convert_element_type3A_284 = arith.extui %lt3A_283 : i1 to i32
      %cond3A_285 = arith.constant 0 : i32
      %cond3A_286 = arith.cmpi ne, %convert_element_type3A_284, %cond3A_285 : i32
      scf.if %cond3A_286 {
        %add3A_369 = arith.constant 6 : i32
        %add3A_370 = arith.addi %add3A_247, %add3A_369 : i32
        %dma_start3A_371 = arith.constant 3 : i32
        %dma_start3A_372 = arith.constant 0 : i32
        %dma_start3A_373 = arith.constant 0 : i32
        %dma_start3A_374 = tpu.memref_slice %arg8[%dma_start3A_371, %dma_start3A_372, %dma_start3A_373] : memref<6x128x32xf32, #tpu.memory_space<vmem>> -> memref<1x128x32xf32, #tpu.memory_space<vmem>>
        %dma_start3A_375 = tpu.memref_squeeze %dma_start3A_374 : memref<1x128x32xf32, #tpu.memory_space<vmem>> -> memref<128x32xf32, #tpu.memory_space<vmem>>
        %dma_start3A_376 = arith.constant 0 : i32
        %dma_start3A_377 = tpu.memref_slice %arg6[%add3A_370, %dma_start3A_376] : memref<79x128xi32, #tpu.memory_space<vmem>> -> memref<1x128xi32, #tpu.memory_space<vmem>>
        %dma_start3A_378 = tpu.memref_squeeze %dma_start3A_377 : memref<1x128xi32, #tpu.memory_space<vmem>> -> memref<128xi32, #tpu.memory_space<vmem>>
        %dma_start3A_379 = arith.constant 0 : i32
        %dma_start3A_380 = arith.constant 0 : i32
        %dma_start3A_381 = tpu.memref_slice %arg2[%dma_start3A_379, %dma_start3A_380] : memref<10240x32xf32, #tpu.memory_space<hbm>> -> memref<10240x32xf32, #tpu.memory_space<hbm>>
        tpu.enqueue_indirect_dma source(%dma_start3A_381 : memref<10240x32xf32, #tpu.memory_space<hbm>>) target(%dma_start3A_375 : memref<128x32xf32, #tpu.memory_space<vmem>>) offsets(%dma_start3A_378 : memref<128xi32, #tpu.memory_space<vmem>>) semaphore(%arg14 : memref<!tpu.dma_semaphore, #tpu.memory_space<semaphore_mem>>)
      } else {
      }
      %add3A_287 = arith.constant 4 : i32
      %add3A_288 = arith.addi %mul3A_123, %add3A_287 : i32
      %dma_wait3A_289 = arith.constant 4 : i32
      %dma_wait3A_290 = arith.constant 0 : i32
      %dma_wait3A_291 = arith.constant 0 : i32
      %dma_wait3A_292 = tpu.memref_slice %arg8[%dma_wait3A_289, %dma_wait3A_290, %dma_wait3A_291] : memref<6x128x32xf32, #tpu.memory_space<vmem>> -> memref<1x128x32xf32, #tpu.memory_space<vmem>>
      %dma_wait3A_293 = tpu.memref_squeeze %dma_wait3A_292 : memref<1x128x32xf32, #tpu.memory_space<vmem>> -> memref<128x32xf32, #tpu.memory_space<vmem>>
      %dma_wait3A_294 = arith.constant 0 : i32
      %dma_wait3A_295 = tpu.memref_slice %arg6[%add3A_288, %dma_wait3A_294] : memref<79x128xi32, #tpu.memory_space<vmem>> -> memref<1x128xi32, #tpu.memory_space<vmem>>
      %dma_wait3A_296 = tpu.memref_squeeze %dma_wait3A_295 : memref<1x128xi32, #tpu.memory_space<vmem>> -> memref<128xi32, #tpu.memory_space<vmem>>
      %dma_wait3A_297 = arith.constant 0 : i32
      %dma_wait3A_298 = arith.constant 0 : i32
      %dma_wait3A_299 = tpu.memref_slice %arg2[%dma_wait3A_297, %dma_wait3A_298] : memref<10240x32xf32, #tpu.memory_space<hbm>> -> memref<10240x32xf32, #tpu.memory_space<hbm>>
      tpu.wait_indirect_dma semaphore(%arg15 : memref<!tpu.dma_semaphore, #tpu.memory_space<semaphore_mem>>) src(%dma_wait3A_299 : memref<10240x32xf32, #tpu.memory_space<hbm>>) dst(%dma_wait3A_293 : memref<128x32xf32, #tpu.memory_space<vmem>>)
      %dma_start3A_300 = arith.constant 4 : i32
      %dma_start3A_301 = arith.constant 0 : i32
      %dma_start3A_302 = arith.constant 0 : i32
      %dma_start3A_303 = tpu.memref_slice %arg8[%dma_start3A_300, %dma_start3A_301, %dma_start3A_302] : memref<6x128x32xf32, #tpu.memory_space<vmem>> -> memref<1x128x32xf32, #tpu.memory_space<vmem>>
      %dma_start3A_304 = tpu.memref_squeeze %dma_start3A_303 : memref<1x128x32xf32, #tpu.memory_space<vmem>> -> memref<128x32xf32, #tpu.memory_space<vmem>>
      %dma_start3A_305 = arith.constant 0 : i32
      %dma_start3A_306 = tpu.memref_slice %arg7[%add3A_288, %dma_start3A_305] : memref<79x128xi32, #tpu.memory_space<vmem>> -> memref<1x128xi32, #tpu.memory_space<vmem>>
      %dma_start3A_307 = tpu.memref_squeeze %dma_start3A_306 : memref<1x128xi32, #tpu.memory_space<vmem>> -> memref<128xi32, #tpu.memory_space<vmem>>
      %dma_start3A_308 = arith.constant 0 : i32
      %dma_start3A_309 = arith.constant 0 : i32
      %dma_start3A_310 = tpu.memref_slice %arg9[%dma_start3A_308, %dma_start3A_309] : memref<10240x32xf32, #tpu.memory_space<vmem_shared>> -> memref<10240x32xf32, #tpu.memory_space<vmem_shared>>
      tpu.enqueue_indirect_dma source(%dma_start3A_304 : memref<128x32xf32, #tpu.memory_space<vmem>>) target(%dma_start3A_310 : memref<10240x32xf32, #tpu.memory_space<vmem_shared>>) offsets(%dma_start3A_307 : memref<128xi32, #tpu.memory_space<vmem>>) semaphore(%arg21 : memref<!tpu.dma_semaphore, #tpu.memory_space<semaphore_mem>>) {add = true}
      %dma_wait3A_311 = arith.constant 4 : i32
      %dma_wait3A_312 = arith.constant 0 : i32
      %dma_wait3A_313 = arith.constant 0 : i32
      %dma_wait3A_314 = tpu.memref_slice %arg8[%dma_wait3A_311, %dma_wait3A_312, %dma_wait3A_313] : memref<6x128x32xf32, #tpu.memory_space<vmem>> -> memref<1x128x32xf32, #tpu.memory_space<vmem>>
      %dma_wait3A_315 = tpu.memref_squeeze %dma_wait3A_314 : memref<1x128x32xf32, #tpu.memory_space<vmem>> -> memref<128x32xf32, #tpu.memory_space<vmem>>
      %dma_wait3A_316 = arith.constant 0 : i32
      %dma_wait3A_317 = tpu.memref_slice %arg7[%add3A_288, %dma_wait3A_316] : memref<79x128xi32, #tpu.memory_space<vmem>> -> memref<1x128xi32, #tpu.memory_space<vmem>>
      %dma_wait3A_318 = tpu.memref_squeeze %dma_wait3A_317 : memref<1x128xi32, #tpu.memory_space<vmem>> -> memref<128xi32, #tpu.memory_space<vmem>>
      %dma_wait3A_319 = arith.constant 0 : i32
      %dma_wait3A_320 = arith.constant 0 : i32
      %dma_wait3A_321 = tpu.memref_slice %arg9[%dma_wait3A_319, %dma_wait3A_320] : memref<10240x32xf32, #tpu.memory_space<vmem_shared>> -> memref<10240x32xf32, #tpu.memory_space<vmem_shared>>
      tpu.wait_indirect_dma semaphore(%arg21 : memref<!tpu.dma_semaphore, #tpu.memory_space<semaphore_mem>>) src(%dma_wait3A_315 : memref<128x32xf32, #tpu.memory_space<vmem>>) dst(%dma_wait3A_321 : memref<10240x32xf32, #tpu.memory_space<vmem_shared>>)
      %add3A_322 = arith.constant 6 : i32
      %add3A_323 = arith.addi %add3A_288, %add3A_322 : i32
      %lt3A_324 = arith.cmpi slt, %add3A_323, %add3A_9 : i32
      %convert_element_type3A_325 = arith.extui %lt3A_324 : i1 to i32
      %cond3A_326 = arith.constant 0 : i32
      %cond3A_327 = arith.cmpi ne, %convert_element_type3A_325, %cond3A_326 : i32
      scf.if %cond3A_327 {
        %add3A_369 = arith.constant 6 : i32
        %add3A_370 = arith.addi %add3A_288, %add3A_369 : i32
        %dma_start3A_371 = arith.constant 4 : i32
        %dma_start3A_372 = arith.constant 0 : i32
        %dma_start3A_373 = arith.constant 0 : i32
        %dma_start3A_374 = tpu.memref_slice %arg8[%dma_start3A_371, %dma_start3A_372, %dma_start3A_373] : memref<6x128x32xf32, #tpu.memory_space<vmem>> -> memref<1x128x32xf32, #tpu.memory_space<vmem>>
        %dma_start3A_375 = tpu.memref_squeeze %dma_start3A_374 : memref<1x128x32xf32, #tpu.memory_space<vmem>> -> memref<128x32xf32, #tpu.memory_space<vmem>>
        %dma_start3A_376 = arith.constant 0 : i32
        %dma_start3A_377 = tpu.memref_slice %arg6[%add3A_370, %dma_start3A_376] : memref<79x128xi32, #tpu.memory_space<vmem>> -> memref<1x128xi32, #tpu.memory_space<vmem>>
        %dma_start3A_378 = tpu.memref_squeeze %dma_start3A_377 : memref<1x128xi32, #tpu.memory_space<vmem>> -> memref<128xi32, #tpu.memory_space<vmem>>
        %dma_start3A_379 = arith.constant 0 : i32
        %dma_start3A_380 = arith.constant 0 : i32
        %dma_start3A_381 = tpu.memref_slice %arg2[%dma_start3A_379, %dma_start3A_380] : memref<10240x32xf32, #tpu.memory_space<hbm>> -> memref<10240x32xf32, #tpu.memory_space<hbm>>
        tpu.enqueue_indirect_dma source(%dma_start3A_381 : memref<10240x32xf32, #tpu.memory_space<hbm>>) target(%dma_start3A_375 : memref<128x32xf32, #tpu.memory_space<vmem>>) offsets(%dma_start3A_378 : memref<128xi32, #tpu.memory_space<vmem>>) semaphore(%arg15 : memref<!tpu.dma_semaphore, #tpu.memory_space<semaphore_mem>>)
      } else {
      }
      %add3A_328 = arith.constant 5 : i32
      %add3A_329 = arith.addi %mul3A_123, %add3A_328 : i32
      %dma_wait3A_330 = arith.constant 5 : i32
      %dma_wait3A_331 = arith.constant 0 : i32
      %dma_wait3A_332 = arith.constant 0 : i32
      %dma_wait3A_333 = tpu.memref_slice %arg8[%dma_wait3A_330, %dma_wait3A_331, %dma_wait3A_332] : memref<6x128x32xf32, #tpu.memory_space<vmem>> -> memref<1x128x32xf32, #tpu.memory_space<vmem>>
      %dma_wait3A_334 = tpu.memref_squeeze %dma_wait3A_333 : memref<1x128x32xf32, #tpu.memory_space<vmem>> -> memref<128x32xf32, #tpu.memory_space<vmem>>
      %dma_wait3A_335 = arith.constant 0 : i32
      %dma_wait3A_336 = tpu.memref_slice %arg6[%add3A_329, %dma_wait3A_335] : memref<79x128xi32, #tpu.memory_space<vmem>> -> memref<1x128xi32, #tpu.memory_space<vmem>>
      %dma_wait3A_337 = tpu.memref_squeeze %dma_wait3A_336 : memref<1x128xi32, #tpu.memory_space<vmem>> -> memref<128xi32, #tpu.memory_space<vmem>>
      %dma_wait3A_338 = arith.constant 0 : i32
      %dma_wait3A_339 = arith.constant 0 : i32
      %dma_wait3A_340 = tpu.memref_slice %arg2[%dma_wait3A_338, %dma_wait3A_339] : memref<10240x32xf32, #tpu.memory_space<hbm>> -> memref<10240x32xf32, #tpu.memory_space<hbm>>
      tpu.wait_indirect_dma semaphore(%arg16 : memref<!tpu.dma_semaphore, #tpu.memory_space<semaphore_mem>>) src(%dma_wait3A_340 : memref<10240x32xf32, #tpu.memory_space<hbm>>) dst(%dma_wait3A_334 : memref<128x32xf32, #tpu.memory_space<vmem>>)
      %dma_start3A_341 = arith.constant 5 : i32
      %dma_start3A_342 = arith.constant 0 : i32
      %dma_start3A_343 = arith.constant 0 : i32
      %dma_start3A_344 = tpu.memref_slice %arg8[%dma_start3A_341, %dma_start3A_342, %dma_start3A_343] : memref<6x128x32xf32, #tpu.memory_space<vmem>> -> memref<1x128x32xf32, #tpu.memory_space<vmem>>
      %dma_start3A_345 = tpu.memref_squeeze %dma_start3A_344 : memref<1x128x32xf32, #tpu.memory_space<vmem>> -> memref<128x32xf32, #tpu.memory_space<vmem>>
      %dma_start3A_346 = arith.constant 0 : i32
      %dma_start3A_347 = tpu.memref_slice %arg7[%add3A_329, %dma_start3A_346] : memref<79x128xi32, #tpu.memory_space<vmem>> -> memref<1x128xi32, #tpu.memory_space<vmem>>
      %dma_start3A_348 = tpu.memref_squeeze %dma_start3A_347 : memref<1x128xi32, #tpu.memory_space<vmem>> -> memref<128xi32, #tpu.memory_space<vmem>>
      %dma_start3A_349 = arith.constant 0 : i32
      %dma_start3A_350 = arith.constant 0 : i32
      %dma_start3A_351 = tpu.memref_slice %arg9[%dma_start3A_349, %dma_start3A_350] : memref<10240x32xf32, #tpu.memory_space<vmem_shared>> -> memref<10240x32xf32, #tpu.memory_space<vmem_shared>>
      tpu.enqueue_indirect_dma source(%dma_start3A_345 : memref<128x32xf32, #tpu.memory_space<vmem>>) target(%dma_start3A_351 : memref<10240x32xf32, #tpu.memory_space<vmem_shared>>) offsets(%dma_start3A_348 : memref<128xi32, #tpu.memory_space<vmem>>) semaphore(%arg22 : memref<!tpu.dma_semaphore, #tpu.memory_space<semaphore_mem>>) {add = true}
      %dma_wait3A_352 = arith.constant 5 : i32
      %dma_wait3A_353 = arith.constant 0 : i32
      %dma_wait3A_354 = arith.constant 0 : i32
      %dma_wait3A_355 = tpu.memref_slice %arg8[%dma_wait3A_352, %dma_wait3A_353, %dma_wait3A_354] : memref<6x128x32xf32, #tpu.memory_space<vmem>> -> memref<1x128x32xf32, #tpu.memory_space<vmem>>
      %dma_wait3A_356 = tpu.memref_squeeze %dma_wait3A_355 : memref<1x128x32xf32, #tpu.memory_space<vmem>> -> memref<128x32xf32, #tpu.memory_space<vmem>>
      %dma_wait3A_357 = arith.constant 0 : i32
      %dma_wait3A_358 = tpu.memref_slice %arg7[%add3A_329, %dma_wait3A_357] : memref<79x128xi32, #tpu.memory_space<vmem>> -> memref<1x128xi32, #tpu.memory_space<vmem>>
      %dma_wait3A_359 = tpu.memref_squeeze %dma_wait3A_358 : memref<1x128xi32, #tpu.memory_space<vmem>> -> memref<128xi32, #tpu.memory_space<vmem>>
      %dma_wait3A_360 = arith.constant 0 : i32
      %dma_wait3A_361 = arith.constant 0 : i32
      %dma_wait3A_362 = tpu.memref_slice %arg9[%dma_wait3A_360, %dma_wait3A_361] : memref<10240x32xf32, #tpu.memory_space<vmem_shared>> -> memref<10240x32xf32, #tpu.memory_space<vmem_shared>>
      tpu.wait_indirect_dma semaphore(%arg22 : memref<!tpu.dma_semaphore, #tpu.memory_space<semaphore_mem>>) src(%dma_wait3A_356 : memref<128x32xf32, #tpu.memory_space<vmem>>) dst(%dma_wait3A_362 : memref<10240x32xf32, #tpu.memory_space<vmem_shared>>)
      %add3A_363 = arith.constant 6 : i32
      %add3A_364 = arith.addi %add3A_329, %add3A_363 : i32
      %lt3A_365 = arith.cmpi slt, %add3A_364, %add3A_9 : i32
      %convert_element_type3A_366 = arith.extui %lt3A_365 : i1 to i32
      %cond3A_367 = arith.constant 0 : i32
      %cond3A_368 = arith.cmpi ne, %convert_element_type3A_366, %cond3A_367 : i32
      scf.if %cond3A_368 {
        %add3A_369 = arith.constant 6 : i32
        %add3A_370 = arith.addi %add3A_329, %add3A_369 : i32
        %dma_start3A_371 = arith.constant 5 : i32
        %dma_start3A_372 = arith.constant 0 : i32
        %dma_start3A_373 = arith.constant 0 : i32
        %dma_start3A_374 = tpu.memref_slice %arg8[%dma_start3A_371, %dma_start3A_372, %dma_start3A_373] : memref<6x128x32xf32, #tpu.memory_space<vmem>> -> memref<1x128x32xf32, #tpu.memory_space<vmem>>
        %dma_start3A_375 = tpu.memref_squeeze %dma_start3A_374 : memref<1x128x32xf32, #tpu.memory_space<vmem>> -> memref<128x32xf32, #tpu.memory_space<vmem>>
        %dma_start3A_376 = arith.constant 0 : i32
        %dma_start3A_377 = tpu.memref_slice %arg6[%add3A_370, %dma_start3A_376] : memref<79x128xi32, #tpu.memory_space<vmem>> -> memref<1x128xi32, #tpu.memory_space<vmem>>
        %dma_start3A_378 = tpu.memref_squeeze %dma_start3A_377 : memref<1x128xi32, #tpu.memory_space<vmem>> -> memref<128xi32, #tpu.memory_space<vmem>>
        %dma_start3A_379 = arith.constant 0 : i32
        %dma_start3A_380 = arith.constant 0 : i32
        %dma_start3A_381 = tpu.memref_slice %arg2[%dma_start3A_379, %dma_start3A_380] : memref<10240x32xf32, #tpu.memory_space<hbm>> -> memref<10240x32xf32, #tpu.memory_space<hbm>>
        tpu.enqueue_indirect_dma source(%dma_start3A_381 : memref<10240x32xf32, #tpu.memory_space<hbm>>) target(%dma_start3A_375 : memref<128x32xf32, #tpu.memory_space<vmem>>) offsets(%dma_start3A_378 : memref<128xi32, #tpu.memory_space<vmem>>) semaphore(%arg16 : memref<!tpu.dma_semaphore, #tpu.memory_space<semaphore_mem>>)
      } else {
      }
    }
    %scan3A_114 = arith.constant 13 : i32
    %gt3A = arith.constant 78 : i32
    %gt3A_115 = arith.cmpi sgt, %add3A_9, %gt3A : i32
    %convert_element_type3A = arith.extui %gt3A_115 : i1 to i32
    %cond3A = arith.constant 0 : i32
    %cond3A_116 = arith.cmpi ne, %convert_element_type3A, %cond3A : i32
    scf.if %cond3A_116 {
      %dma_wait3A_121 = arith.constant 78 : i32
      %dma_wait3A_122 = arith.constant 0 : i32
      %dma_wait3A_123 = arith.constant 0 : i32
      %dma_wait3A_124 = arith.constant 0 : i32
      %dma_wait3A_125 = tpu.memref_slice %arg8[%dma_wait3A_122, %dma_wait3A_123, %dma_wait3A_124] : memref<6x128x32xf32, #tpu.memory_space<vmem>> -> memref<1x128x32xf32, #tpu.memory_space<vmem>>
      %dma_wait3A_126 = tpu.memref_squeeze %dma_wait3A_125 : memref<1x128x32xf32, #tpu.memory_space<vmem>> -> memref<128x32xf32, #tpu.memory_space<vmem>>
      %dma_wait3A_127 = arith.constant 0 : i32
      %dma_wait3A_128 = tpu.memref_slice %arg6[%dma_wait3A_121, %dma_wait3A_127] : memref<79x128xi32, #tpu.memory_space<vmem>> -> memref<1x128xi32, #tpu.memory_space<vmem>>
      %dma_wait3A_129 = tpu.memref_squeeze %dma_wait3A_128 : memref<1x128xi32, #tpu.memory_space<vmem>> -> memref<128xi32, #tpu.memory_space<vmem>>
      %dma_wait3A_130 = arith.constant 0 : i32
      %dma_wait3A_131 = arith.constant 0 : i32
      %dma_wait3A_132 = tpu.memref_slice %arg2[%dma_wait3A_130, %dma_wait3A_131] : memref<10240x32xf32, #tpu.memory_space<hbm>> -> memref<10240x32xf32, #tpu.memory_space<hbm>>
      tpu.wait_indirect_dma semaphore(%arg11 : memref<!tpu.dma_semaphore, #tpu.memory_space<semaphore_mem>>) src(%dma_wait3A_132 : memref<10240x32xf32, #tpu.memory_space<hbm>>) dst(%dma_wait3A_126 : memref<128x32xf32, #tpu.memory_space<vmem>>)
      %dma_start3A_133 = arith.constant 0 : i32
      %dma_start3A_134 = arith.constant 78 : i32
      %dma_start3A_135 = arith.constant 0 : i32
      %dma_start3A_136 = arith.constant 0 : i32
      %dma_start3A_137 = tpu.memref_slice %arg8[%dma_start3A_133, %dma_start3A_135, %dma_start3A_136] : memref<6x128x32xf32, #tpu.memory_space<vmem>> -> memref<1x128x32xf32, #tpu.memory_space<vmem>>
      %dma_start3A_138 = tpu.memref_squeeze %dma_start3A_137 : memref<1x128x32xf32, #tpu.memory_space<vmem>> -> memref<128x32xf32, #tpu.memory_space<vmem>>
      %dma_start3A_139 = arith.constant 0 : i32
      %dma_start3A_140 = tpu.memref_slice %arg7[%dma_start3A_134, %dma_start3A_139] : memref<79x128xi32, #tpu.memory_space<vmem>> -> memref<1x128xi32, #tpu.memory_space<vmem>>
      %dma_start3A_141 = tpu.memref_squeeze %dma_start3A_140 : memref<1x128xi32, #tpu.memory_space<vmem>> -> memref<128xi32, #tpu.memory_space<vmem>>
      %dma_start3A_142 = arith.constant 0 : i32
      %dma_start3A_143 = arith.constant 0 : i32
      %dma_start3A_144 = tpu.memref_slice %arg9[%dma_start3A_142, %dma_start3A_143] : memref<10240x32xf32, #tpu.memory_space<vmem_shared>> -> memref<10240x32xf32, #tpu.memory_space<vmem_shared>>
      tpu.enqueue_indirect_dma source(%dma_start3A_138 : memref<128x32xf32, #tpu.memory_space<vmem>>) target(%dma_start3A_144 : memref<10240x32xf32, #tpu.memory_space<vmem_shared>>) offsets(%dma_start3A_141 : memref<128xi32, #tpu.memory_space<vmem>>) semaphore(%arg17 : memref<!tpu.dma_semaphore, #tpu.memory_space<semaphore_mem>>) {add = true}
      %dma_wait3A_145 = arith.constant 0 : i32
      %dma_wait3A_146 = arith.constant 78 : i32
      %dma_wait3A_147 = arith.constant 0 : i32
      %dma_wait3A_148 = arith.constant 0 : i32
      %dma_wait3A_149 = tpu.memref_slice %arg8[%dma_wait3A_145, %dma_wait3A_147, %dma_wait3A_148] : memref<6x128x32xf32, #tpu.memory_space<vmem>> -> memref<1x128x32xf32, #tpu.memory_space<vmem>>
      %dma_wait3A_150 = tpu.memref_squeeze %dma_wait3A_149 : memref<1x128x32xf32, #tpu.memory_space<vmem>> -> memref<128x32xf32, #tpu.memory_space<vmem>>
      %dma_wait3A_151 = arith.constant 0 : i32
      %dma_wait3A_152 = tpu.memref_slice %arg7[%dma_wait3A_146, %dma_wait3A_151] : memref<79x128xi32, #tpu.memory_space<vmem>> -> memref<1x128xi32, #tpu.memory_space<vmem>>
      %dma_wait3A_153 = tpu.memref_squeeze %dma_wait3A_152 : memref<1x128xi32, #tpu.memory_space<vmem>> -> memref<128xi32, #tpu.memory_space<vmem>>
      %dma_wait3A_154 = arith.constant 0 : i32
      %dma_wait3A_155 = arith.constant 0 : i32
      %dma_wait3A_156 = tpu.memref_slice %arg9[%dma_wait3A_154, %dma_wait3A_155] : memref<10240x32xf32, #tpu.memory_space<vmem_shared>> -> memref<10240x32xf32, #tpu.memory_space<vmem_shared>>
      tpu.wait_indirect_dma semaphore(%arg17 : memref<!tpu.dma_semaphore, #tpu.memory_space<semaphore_mem>>) src(%dma_wait3A_150 : memref<128x32xf32, #tpu.memory_space<vmem>>) dst(%dma_wait3A_156 : memref<10240x32xf32, #tpu.memory_space<vmem_shared>>)
    } else {
    }
    "tpu.trace_stop"() : () -> ()
    "tpu.trace_start"() <{level = 10 : i32, message = "agg_out"}> : () -> ()
    %barrier3A_117 = arith.constant 0 : index
    tpu.barrier barrier_id(%barrier3A_117)
    %mul3A_118 = arith.constant 10240 : i32
    %mul3A_119 = arith.muli %arg0, %mul3A_118 : i32
    %add3A_120 = arith.addi %mul3A_119, %mul3A_24 : i32
    "tpu.region"() ({
      %run_scoped3A = tpu.sem_alloc : memref<!tpu.dma_semaphore, #tpu.memory_space<semaphore_mem>>
      %dma_start3A_121 = arith.constant 0 : i32
      %dma_start3A_122 = tpu.memref_slice %arg5[%add3A_120, %dma_start3A_121] : memref<20480x32xf32, #tpu.memory_space<hbm>> -> memref<640x32xf32, #tpu.memory_space<hbm>>
      %dma_start3A_123 = arith.constant 0 : i32
      %dma_start3A_124 = tpu.memref_slice %arg9[%mul3A_24, %dma_start3A_123] : memref<10240x32xf32, #tpu.memory_space<vmem_shared>> -> memref<640x32xf32, #tpu.memory_space<vmem_shared>>
      tpu.enqueue_dma source(%dma_start3A_124 : memref<640x32xf32, #tpu.memory_space<vmem_shared>>) target(%dma_start3A_122 : memref<640x32xf32, #tpu.memory_space<hbm>>) target_semaphore(%run_scoped3A : memref<!tpu.dma_semaphore, #tpu.memory_space<semaphore_mem>>)
      %dma_wait3A_125 = arith.constant 0 : i32
      %dma_wait3A_126 = tpu.memref_slice %arg5[%add3A_120, %dma_wait3A_125] : memref<20480x32xf32, #tpu.memory_space<hbm>> -> memref<640x32xf32, #tpu.memory_space<hbm>>
      %dma_wait3A_127 = arith.constant 0 : i32
      %dma_wait3A_128 = tpu.memref_slice %arg9[%mul3A_24, %dma_wait3A_127] : memref<10240x32xf32, #tpu.memory_space<vmem_shared>> -> memref<640x32xf32, #tpu.memory_space<vmem_shared>>
      tpu.wait_dma2 semaphore(%run_scoped3A : memref<!tpu.dma_semaphore, #tpu.memory_space<semaphore_mem>>) src(%dma_wait3A_128 : memref<640x32xf32, #tpu.memory_space<vmem_shared>>) dst(%dma_wait3A_126 : memref<640x32xf32, #tpu.memory_space<hbm>>)
      tpu.yield
    }) : () -> ()
    "tpu.trace_stop"() : () -> ()
    return
  }
}

#map = affine_map<(d0, d1) -> (0, 0, 0)>
#map1 = affine_map<(d0, d1) -> (0)>
module attributes {stable_mosaic.version = 14 : i64} {
  func.func @_deg_body(%arg0: i32, %arg1: i32, %arg2: memref<2x2500x128xi32, #tpu.memory_space<hbm>>, %arg3: memref<10240xi32, #tpu.memory_space<hbm>>, %arg4: memref<327680xf32, #tpu.memory_space<hbm>>, %arg5: memref<4608xf32, #tpu.memory_space<hbm>>, %arg6: memref<79x128xi32, #tpu.memory_space<vmem>>, %arg7: memref<320xi32, #tpu.memory_space<vmem>>, %arg8: memref<10240xf32, #tpu.memory_space<vmem>>, %arg9: memref<144xf32, #tpu.memory_space<vmem>>, %arg10: memref<!tpu.dma_semaphore, #tpu.memory_space<semaphore_mem>>) attributes {dimension_semantics = [#tpu.dimension_semantics<core_parallel>, #tpu.dimension_semantics<subcore_parallel>], iteration_bounds = array<i64: 2, 16>, scalar_prefetch = 0 : i64, scratch_operands = 5 : i64, tpu.core_type = #tpu.core_type<sc_vector_subcore>, window_params = [{transform_indices = #map}, {transform_indices = #map1}, {transform_indices = #map1}, {transform_indices = #map1}]} {
    %mul3A = arith.constant 2 : i32
    %mul3A_0 = arith.muli %arg1, %mul3A : i32
    %add3A = arith.addi %mul3A_0, %arg0 : i32
    %mul3A_1 = arith.constant 78 : i32
    %mul3A_2 = arith.muli %mul3A_1, %add3A : i32
    %sub3A = arith.constant 28 : i32
    %sub3A_3 = arith.subi %add3A, %sub3A : i32
    %max3A = arith.constant 0 : i32
    %max3A_4 = arith.maxsi %sub3A_3, %max3A : i32
    %add3A_5 = arith.addi %mul3A_2, %max3A_4 : i32
    %ge3A = arith.constant 28 : i32
    %ge3A_6 = arith.cmpi sge, %add3A, %ge3A : i32
    %jit3A = arith.constant 1 : i32
    %jit3A_7 = arith.constant 0 : i32
    %select_n3A = arith.select %ge3A_6, %jit3A, %jit3A_7 : i32
    %add3A_8 = arith.constant 78 : i32
    %add3A_9 = arith.addi %add3A_8, %select_n3A : i32
    %dma_start3A = arith.constant 1 : i32
    %dma_start3A_10 = arith.constant 0 : i32
    %dma_start3A_11 = tpu.memref_slice %arg2[%dma_start3A, %add3A_5, %dma_start3A_10] : memref<2x2500x128xi32, #tpu.memory_space<hbm>> -> memref<1x79x128xi32, #tpu.memory_space<hbm>>
    %dma_start3A_12 = tpu.memref_squeeze %dma_start3A_11 : memref<1x79x128xi32, #tpu.memory_space<hbm>> -> memref<79x128xi32, #tpu.memory_space<hbm>>
    %dma_start3A_13 = arith.constant 0 : i32
    %dma_start3A_14 = tpu.memref_slice %arg2[%dma_start3A, %add3A_5, %dma_start3A_13] : memref<2x2500x128xi32, #tpu.memory_space<hbm>> -> memref<1x79x128xi32, #tpu.memory_space<hbm>>
    %dma_start3A_15 = tpu.memref_squeeze %dma_start3A_14 : memref<1x79x128xi32, #tpu.memory_space<hbm>> -> memref<79x128xi32, #tpu.memory_space<hbm>>
    tpu.enqueue_dma source(%dma_start3A_15 : memref<79x128xi32, #tpu.memory_space<hbm>>) target(%arg6 : memref<79x128xi32, #tpu.memory_space<vmem>>) target_semaphore(%arg10 : memref<!tpu.dma_semaphore, #tpu.memory_space<semaphore_mem>>)
    %mul3A_16 = arith.constant 320 : i32
    %mul3A_17 = arith.muli %add3A, %mul3A_16 : i32
    %dma_start3A_18 = tpu.memref_slice %arg3[%mul3A_17] : memref<10240xi32, #tpu.memory_space<hbm>> -> memref<320xi32, #tpu.memory_space<hbm>>
    %dma_start3A_19 = tpu.memref_slice %arg3[%mul3A_17] : memref<10240xi32, #tpu.memory_space<hbm>> -> memref<320xi32, #tpu.memory_space<hbm>>
    tpu.enqueue_dma source(%dma_start3A_19 : memref<320xi32, #tpu.memory_space<hbm>>) target(%arg7 : memref<320xi32, #tpu.memory_space<vmem>>) target_semaphore(%arg10 : memref<!tpu.dma_semaphore, #tpu.memory_space<semaphore_mem>>)
    %broadcast_in_dim3A = arith.constant 0.000000e+00 : f32
    %broadcast_in_dim3A_20 = vector.broadcast %broadcast_in_dim3A : f32 to vector<16xf32>
    %scan3A = arith.constant 0 : i32
    %scan3A_21 = arith.constant 0 : i32
    %scan3A_22 = arith.constant 640 : i32
    %scan3A_23 = arith.addi %scan3A_21, %scan3A_22 : i32
    %scan3A_24 = arith.constant 1 : i32
    scf.for %scan3A_63 = %scan3A_21 to %scan3A_23 step %scan3A_24  : i32 {
      %mul3A_64 = arith.constant 16 : i32
      %mul3A_65 = arith.muli %scan3A_63, %mul3A_64 : i32
      %swap3A = arith.index_cast %mul3A_65 : i32 to index
      %swap3A_66 = tpu.vector_load %arg8[%swap3A] {strides = array<i32>} : memref<10240xf32, #tpu.memory_space<vmem>>, vector<16xf32>,
      tpu.vector_store %arg8[%swap3A], %broadcast_in_dim3A_20 {strides = array<i32>} : memref<10240xf32, #tpu.memory_space<vmem>>, vector<16xf32>,
    }
    %scan3A_25 = arith.constant 640 : i32
    %scan3A_26 = arith.constant 0 : i32
    %scan3A_27 = arith.constant 0 : i32
    %scan3A_28 = arith.constant 9 : i32
    %scan3A_29 = arith.addi %scan3A_27, %scan3A_28 : i32
    %scan3A_30 = arith.constant 1 : i32
    scf.for %scan3A_63 = %scan3A_27 to %scan3A_29 step %scan3A_30  : i32 {
      %mul3A_64 = arith.constant 16 : i32
      %mul3A_65 = arith.muli %scan3A_63, %mul3A_64 : i32
      %swap3A = arith.index_cast %mul3A_65 : i32 to index
      %swap3A_66 = tpu.vector_load %arg9[%swap3A] {strides = array<i32>} : memref<144xf32, #tpu.memory_space<vmem>>, vector<16xf32>,
      tpu.vector_store %arg9[%swap3A], %broadcast_in_dim3A_20 {strides = array<i32>} : memref<144xf32, #tpu.memory_space<vmem>>, vector<16xf32>,
    }
    %scan3A_31 = arith.constant 9 : i32
    %dma_wait3A = arith.constant 1 : i32
    %dma_wait3A_32 = arith.constant 0 : i32
    %dma_wait3A_33 = tpu.memref_slice %arg2[%dma_wait3A, %add3A_5, %dma_wait3A_32] : memref<2x2500x128xi32, #tpu.memory_space<hbm>> -> memref<1x79x128xi32, #tpu.memory_space<hbm>>
    %dma_wait3A_34 = tpu.memref_squeeze %dma_wait3A_33 : memref<1x79x128xi32, #tpu.memory_space<hbm>> -> memref<79x128xi32, #tpu.memory_space<hbm>>
    %dma_wait3A_35 = arith.constant 0 : i32
    %dma_wait3A_36 = tpu.memref_slice %arg2[%dma_wait3A, %add3A_5, %dma_wait3A_35] : memref<2x2500x128xi32, #tpu.memory_space<hbm>> -> memref<1x79x128xi32, #tpu.memory_space<hbm>>
    %dma_wait3A_37 = tpu.memref_squeeze %dma_wait3A_36 : memref<1x79x128xi32, #tpu.memory_space<hbm>> -> memref<79x128xi32, #tpu.memory_space<hbm>>
    tpu.wait_dma2 semaphore(%arg10 : memref<!tpu.dma_semaphore, #tpu.memory_space<semaphore_mem>>) src(%dma_wait3A_37 : memref<79x128xi32, #tpu.memory_space<hbm>>) dst(%arg6 : memref<79x128xi32, #tpu.memory_space<vmem>>)
    %dma_wait3A_38 = tpu.memref_slice %arg3[%mul3A_17] : memref<10240xi32, #tpu.memory_space<hbm>> -> memref<320xi32, #tpu.memory_space<hbm>>
    %dma_wait3A_39 = tpu.memref_slice %arg3[%mul3A_17] : memref<10240xi32, #tpu.memory_space<hbm>> -> memref<320xi32, #tpu.memory_space<hbm>>
    tpu.wait_dma2 semaphore(%arg10 : memref<!tpu.dma_semaphore, #tpu.memory_space<semaphore_mem>>) src(%dma_wait3A_39 : memref<320xi32, #tpu.memory_space<hbm>>) dst(%arg7 : memref<320xi32, #tpu.memory_space<vmem>>)
    %broadcast_in_dim3A_40 = arith.constant 1.000000e+00 : f32
    %broadcast_in_dim3A_41 = vector.broadcast %broadcast_in_dim3A_40 : f32 to vector<16xf32>
    %mul3A_42 = arith.constant 8 : i32
    %mul3A_43 = arith.muli %add3A_9, %mul3A_42 : i32
    %while3A = arith.constant 0 : i32
    %while3A_44 = arith.constant 0 : i32
    %while3A_45 = arith.subi %mul3A_43, %while3A_44 : i32
    %while3A_46 = arith.addi %while3A_44, %while3A_45 : i32
    %while3A_47 = arith.constant 1 : i32
    %while3A_48 = arith.divsi %while3A_45, %while3A_47 : i32
    %while3A_49 = arith.muli %while3A_48, %while3A_47 : i32
    %while3A_50 = arith.addi %while3A_44, %while3A_49 : i32
    %while3A_51 = arith.constant 1 : i32
    scf.for %while3A_63 = %while3A_44 to %while3A_50 step %while3A_51  : i32 {
      %jit3A_64 = arith.constant 8 : i32
      %div3A = arith.divsi %while3A_63, %jit3A_64 : i32
      %sign3A = arith.constant 0 : i32
      %sign3A_65 = arith.cmpi sgt, %while3A_63, %sign3A : i32
      %sign3A_66 = arith.extui %sign3A_65 : i1 to i32
      %sign3A_67 = arith.constant 0 : i32
      %sign3A_68 = arith.cmpi slt, %while3A_63, %sign3A_67 : i32
      %sign3A_69 = arith.extui %sign3A_68 : i1 to i32
      %sign3A_70 = arith.subi %sign3A_66, %sign3A_69 : i32
      %sign3A_71 = arith.constant 0 : i32
      %sign3A_72 = arith.cmpi sgt, %jit3A_64, %sign3A_71 : i32
      %sign3A_73 = arith.extui %sign3A_72 : i1 to i32
      %sign3A_74 = arith.constant 0 : i32
      %sign3A_75 = arith.cmpi slt, %jit3A_64, %sign3A_74 : i32
      %sign3A_76 = arith.extui %sign3A_75 : i1 to i32
      %sign3A_77 = arith.subi %sign3A_73, %sign3A_76 : i32
      %ne3A = arith.cmpi ne, %sign3A_70, %sign3A_77 : i32
      %rem3A = arith.remsi %while3A_63, %jit3A_64 : i32
      %ne3A_78 = arith.constant 0 : i32
      %ne3A_79 = arith.cmpi ne, %rem3A, %ne3A_78 : i32
      %and3A = arith.andi %ne3A, %ne3A_79 : i1
      %sub3A_80 = arith.constant 1 : i32
      %sub3A_81 = arith.subi %div3A, %sub3A_80 : i32
      %select_n3A_82 = arith.select %and3A, %sub3A_81, %div3A : i32
      %mul3A_83 = arith.constant 8 : i32
      %mul3A_84 = arith.muli %select_n3A_82, %mul3A_83 : i32
      %sub3A_85 = arith.subi %while3A_63, %mul3A_84 : i32
      %mul3A_86 = arith.constant 16 : i32
      %mul3A_87 = arith.muli %sub3A_85, %mul3A_86 : i32
      %get3A = arith.index_cast %select_n3A_82 : i32 to index
      %get3A_88 = arith.index_cast %mul3A_87 : i32 to index
      %get3A_89 = tpu.vector_load %arg6[%get3A, %get3A_88] {strides = array<i32>} : memref<79x128xi32, #tpu.memory_space<vmem>>, vector<16xi32>,
      tpu.vector_store_idx %arg8[%get3A_89], %broadcast_in_dim3A_41 {add = true} : memref<10240xf32, #tpu.memory_space<vmem>>[vector<16xi32>], vector<16xf32>,
    }
    %while3A_52 = arith.constant 1 : i32
    scf.for %while3A_63 = %while3A_50 to %while3A_46 step %while3A_52  : i32 {
      %jit3A_64 = arith.constant 8 : i32
      %div3A = arith.divsi %while3A_63, %jit3A_64 : i32
      %sign3A = arith.constant 0 : i32
      %sign3A_65 = arith.cmpi sgt, %while3A_63, %sign3A : i32
      %sign3A_66 = arith.extui %sign3A_65 : i1 to i32
      %sign3A_67 = arith.constant 0 : i32
      %sign3A_68 = arith.cmpi slt, %while3A_63, %sign3A_67 : i32
      %sign3A_69 = arith.extui %sign3A_68 : i1 to i32
      %sign3A_70 = arith.subi %sign3A_66, %sign3A_69 : i32
      %sign3A_71 = arith.constant 0 : i32
      %sign3A_72 = arith.cmpi sgt, %jit3A_64, %sign3A_71 : i32
      %sign3A_73 = arith.extui %sign3A_72 : i1 to i32
      %sign3A_74 = arith.constant 0 : i32
      %sign3A_75 = arith.cmpi slt, %jit3A_64, %sign3A_74 : i32
      %sign3A_76 = arith.extui %sign3A_75 : i1 to i32
      %sign3A_77 = arith.subi %sign3A_73, %sign3A_76 : i32
      %ne3A = arith.cmpi ne, %sign3A_70, %sign3A_77 : i32
      %rem3A = arith.remsi %while3A_63, %jit3A_64 : i32
      %ne3A_78 = arith.constant 0 : i32
      %ne3A_79 = arith.cmpi ne, %rem3A, %ne3A_78 : i32
      %and3A = arith.andi %ne3A, %ne3A_79 : i1
      %sub3A_80 = arith.constant 1 : i32
      %sub3A_81 = arith.subi %div3A, %sub3A_80 : i32
      %select_n3A_82 = arith.select %and3A, %sub3A_81, %div3A : i32
      %mul3A_83 = arith.constant 8 : i32
      %mul3A_84 = arith.muli %select_n3A_82, %mul3A_83 : i32
      %sub3A_85 = arith.subi %while3A_63, %mul3A_84 : i32
      %mul3A_86 = arith.constant 16 : i32
      %mul3A_87 = arith.muli %sub3A_85, %mul3A_86 : i32
      %get3A = arith.index_cast %select_n3A_82 : i32 to index
      %get3A_88 = arith.index_cast %mul3A_87 : i32 to index
      %get3A_89 = tpu.vector_load %arg6[%get3A, %get3A_88] {strides = array<i32>} : memref<79x128xi32, #tpu.memory_space<vmem>>, vector<16xi32>,
      tpu.vector_store_idx %arg8[%get3A_89], %broadcast_in_dim3A_41 {add = true} : memref<10240xf32, #tpu.memory_space<vmem>>[vector<16xi32>], vector<16xf32>,
    }
    %scan3A_53 = arith.constant 0 : i32
    %scan3A_54 = arith.constant 0 : i32
    %scan3A_55 = arith.constant 20 : i32
    %scan3A_56 = arith.addi %scan3A_54, %scan3A_55 : i32
    %scan3A_57 = arith.constant 1 : i32
    scf.for %scan3A_63 = %scan3A_54 to %scan3A_56 step %scan3A_57  : i32 {
      %mul3A_64 = arith.constant 16 : i32
      %mul3A_65 = arith.muli %scan3A_63, %mul3A_64 : i32
      %get3A = arith.index_cast %mul3A_65 : i32 to index
      %get3A_66 = tpu.vector_load %arg7[%get3A] {strides = array<i32>} : memref<320xi32, #tpu.memory_space<vmem>>, vector<16xi32>,
      tpu.vector_store_idx %arg9[%get3A_66], %broadcast_in_dim3A_41 {add = true} : memref<144xf32, #tpu.memory_space<vmem>>[vector<16xi32>], vector<16xf32>,
    }
    %scan3A_58 = arith.constant 20 : i32
    %mul3A_59 = arith.constant 10240 : i32
    %mul3A_60 = arith.muli %add3A, %mul3A_59 : i32
    "tpu.region"() ({
      %run_scoped3A = tpu.sem_alloc : memref<!tpu.dma_semaphore, #tpu.memory_space<semaphore_mem>>
      %dma_start3A_63 = tpu.memref_slice %arg4[%mul3A_60] : memref<327680xf32, #tpu.memory_space<hbm>> -> memref<10240xf32, #tpu.memory_space<hbm>>
      %dma_start3A_64 = tpu.memref_slice %arg4[%mul3A_60] : memref<327680xf32, #tpu.memory_space<hbm>> -> memref<10240xf32, #tpu.memory_space<hbm>>
      tpu.enqueue_dma source(%arg8 : memref<10240xf32, #tpu.memory_space<vmem>>) target(%dma_start3A_64 : memref<10240xf32, #tpu.memory_space<hbm>>) target_semaphore(%run_scoped3A : memref<!tpu.dma_semaphore, #tpu.memory_space<semaphore_mem>>)
      %dma_wait3A_65 = tpu.memref_slice %arg4[%mul3A_60] : memref<327680xf32, #tpu.memory_space<hbm>> -> memref<10240xf32, #tpu.memory_space<hbm>>
      %dma_wait3A_66 = tpu.memref_slice %arg4[%mul3A_60] : memref<327680xf32, #tpu.memory_space<hbm>> -> memref<10240xf32, #tpu.memory_space<hbm>>
      tpu.wait_dma2 semaphore(%run_scoped3A : memref<!tpu.dma_semaphore, #tpu.memory_space<semaphore_mem>>) src(%arg8 : memref<10240xf32, #tpu.memory_space<vmem>>) dst(%dma_wait3A_66 : memref<10240xf32, #tpu.memory_space<hbm>>)
      tpu.yield
    }) : () -> ()
    %mul3A_61 = arith.constant 144 : i32
    %mul3A_62 = arith.muli %add3A, %mul3A_61 : i32
    "tpu.region"() ({
      %run_scoped3A = tpu.sem_alloc : memref<!tpu.dma_semaphore, #tpu.memory_space<semaphore_mem>>
      %dma_start3A_63 = tpu.memref_slice %arg5[%mul3A_62] : memref<4608xf32, #tpu.memory_space<hbm>> -> memref<144xf32, #tpu.memory_space<hbm>>
      %dma_start3A_64 = tpu.memref_slice %arg5[%mul3A_62] : memref<4608xf32, #tpu.memory_space<hbm>> -> memref<144xf32, #tpu.memory_space<hbm>>
      tpu.enqueue_dma source(%arg9 : memref<144xf32, #tpu.memory_space<vmem>>) target(%dma_start3A_64 : memref<144xf32, #tpu.memory_space<hbm>>) target_semaphore(%run_scoped3A : memref<!tpu.dma_semaphore, #tpu.memory_space<semaphore_mem>>)
      %dma_wait3A_65 = tpu.memref_slice %arg5[%mul3A_62] : memref<4608xf32, #tpu.memory_space<hbm>> -> memref<144xf32, #tpu.memory_space<hbm>>
      %dma_wait3A_66 = tpu.memref_slice %arg5[%mul3A_62] : memref<4608xf32, #tpu.memory_space<hbm>> -> memref<144xf32, #tpu.memory_space<hbm>>
      tpu.wait_dma2 semaphore(%run_scoped3A : memref<!tpu.dma_semaphore, #tpu.memory_space<semaphore_mem>>) src(%arg9 : memref<144xf32, #tpu.memory_space<vmem>>) dst(%dma_wait3A_66 : memref<144xf32, #tpu.memory_space<hbm>>)
      tpu.yield
    }) : () -> ()
    return
  }
}

module attributes {stable_mosaic.version = 14 : i64} {
  func.func @_tc1a_body(%arg0: memref<10000x128xf32, #tpu.memory_space<vmem>>, %arg1: memref<128x64xf32, #tpu.memory_space<vmem>>, %arg2: memref<10000x64xf32, #tpu.memory_space<vmem>>) attributes {dimension_semantics = [], scalar_prefetch = 0 : i64, scratch_operands = 0 : i64, tpu.core_type = #tpu.core_type<tc>} {
    %get3A = arith.constant 0 : index
    %get3A_0 = arith.constant 0 : index
    %get3A_1 = vector.load %arg0[%get3A, %get3A_0] : memref<10000x128xf32, #tpu.memory_space<vmem>>, vector<10000x128xf32>
    %get3A_2 = arith.constant 0 : index
    %get3A_3 = arith.constant 0 : index
    %get3A_4 = vector.load %arg1[%get3A_2, %get3A_3] : memref<128x64xf32, #tpu.memory_space<vmem>>, vector<128x64xf32>
    %dot_general3A = arith.constant dense<0.000000e+00> : vector<10000x64xf32>
    %dot_general3A_5 = tpu.matmul %get3A_1, %get3A_4, %dot_general3A {dimension_numbers = #tpu.dot_dimension_numbers<[1], [0], [0], [1], [0, 0, 1, 1], [], []>, transpose_lhs_hint = false} : vector<10000x128xf32>, vector<128x64xf32>, vector<10000x64xf32> -> vector<10000x64xf32>
    %swap3A = arith.constant 0 : index
    %swap3A_6 = arith.constant 0 : index
    %swap3A_7 = vector.load %arg2[%swap3A, %swap3A_6] : memref<10000x64xf32, #tpu.memory_space<vmem>>, vector<10000x64xf32>
    tpu.vector_store %arg2[%swap3A, %swap3A_6], %dot_general3A_5 {strides = array<i32>} : memref<10000x64xf32, #tpu.memory_space<vmem>>, vector<10000x64xf32>,
    return
  }
}

module attributes {stable_mosaic.version = 14 : i64} {
  func.func @_tc1b_body(%arg0: memref<10000x64xf32, #tpu.memory_space<vmem>>, %arg1: memref<32x10240xf32, #tpu.memory_space<vmem>>, %arg2: memref<10240x64xf32, #tpu.memory_space<vmem>>) attributes {dimension_semantics = [], scalar_prefetch = 0 : i64, scratch_operands = 0 : i64, tpu.core_type = #tpu.core_type<tc>} {
    %get3A = arith.constant 0 : index
    %get3A_0 = arith.constant 0 : index
    %get3A_1 = vector.load %arg1[%get3A, %get3A_0] : memref<32x10240xf32, #tpu.memory_space<vmem>>, vector<32x10240xf32>
    %broadcast_in_dim3A = arith.constant 1.000000e+00 : f32
    %broadcast_in_dim3A_2 = vector.broadcast %broadcast_in_dim3A : f32 to vector<32x1xf32>
    %dot_general3A = arith.constant dense<0.000000e+00> : vector<10240x1xf32>
    %dot_general3A_3 = tpu.matmul %get3A_1, %broadcast_in_dim3A_2, %dot_general3A {dimension_numbers = #tpu.dot_dimension_numbers<[0], [0], [1], [1], [0, 1, 1, 1], [], []>, transpose_lhs_hint = false} : vector<32x10240xf32>, vector<32x1xf32>, vector<10240x1xf32> -> vector<10240x1xf32>
    %add3A = arith.constant 1.000000e+00 : f32
    %add3A_4 = vector.broadcast %add3A : f32 to vector<10240x1xf32>
    %add3A_5 = arith.addf %dot_general3A_3, %add3A_4 : vector<10240x1xf32>
    %iota3A = tpu.iota {dimensions = array<i32: 0>} : vector<10240x1xi32>
    %lt3A = arith.constant 10000 : i32
    %lt3A_6 = vector.broadcast %lt3A : i32 to vector<10240x1xi32>
    %lt3A_7 = arith.cmpi slt, %iota3A, %lt3A_6 : vector<10240x1xi32>
    %rsqrt3A = math.rsqrt %add3A_5 : vector<10240x1xf32>
    %jit3A = arith.constant 0.000000e+00 : f32
    %broadcast_in_dim3A_8 = vector.broadcast %jit3A : f32 to vector<10240x1xf32>
    %select_n3A = arith.select %lt3A_7, %rsqrt3A, %broadcast_in_dim3A_8 : vector<10240x1xi1>, vector<10240x1xf32>
    %get3A_9 = arith.constant 0 : index
    %get3A_10 = arith.constant 0 : index
    %get3A_11 = vector.load %arg0[%get3A_9, %get3A_10] : memref<10000x64xf32, #tpu.memory_space<vmem>>, vector<10000x64xf32>
    %slice3A = vector.extract_strided_slice %select_n3A {offsets = [0, 0], sizes = [10000, 1], strides = [1, 1]} : vector<10240x1xf32> to vector<10000x1xf32>
    %mul3A = vector.broadcast %slice3A : vector<10000x1xf32> to vector<10000x64xf32>
    %mul3A_12 = arith.mulf %get3A_11, %mul3A : vector<10000x64xf32>
    %swap3A = arith.constant 0 : index
    %swap3A_13 = arith.constant 0 : index
    %swap3A_14 = vector.load %arg2[%swap3A, %swap3A_13] : memref<10240x64xf32, #tpu.memory_space<vmem>>, vector<10000x64xf32>
    tpu.vector_store %arg2[%swap3A, %swap3A_13], %mul3A_12 {strides = array<i32>} : memref<10240x64xf32, #tpu.memory_space<vmem>>, vector<10000x64xf32>,
    %broadcast_in_dim3A_15 = arith.constant 0.000000e+00 : f32
    %broadcast_in_dim3A_16 = vector.broadcast %broadcast_in_dim3A_15 : f32 to vector<240x64xf32>
    %swap3A_17 = arith.constant 10000 : index
    %swap3A_18 = arith.constant 0 : index
    %swap3A_19 = vector.load %arg2[%swap3A_17, %swap3A_18] : memref<10240x64xf32, #tpu.memory_space<vmem>>, vector<240x64xf32>
    tpu.vector_store %arg2[%swap3A_17, %swap3A_18], %broadcast_in_dim3A_16 {strides = array<i32>} : memref<10240x64xf32, #tpu.memory_space<vmem>>, vector<240x64xf32>,
    return
  }
}

module attributes {stable_mosaic.version = 14 : i64} {
  func.func @_tc2_body(%arg0: memref<20480x64xf32, #tpu.memory_space<vmem>>, %arg1: memref<10240x64xf32, #tpu.memory_space<vmem>>, %arg2: memref<32x10240xf32, #tpu.memory_space<vmem>>, %arg3: memref<1x64xf32, #tpu.memory_space<vmem>>, %arg4: memref<1x64xf32, #tpu.memory_space<vmem>>, %arg5: memref<1x64xf32, #tpu.memory_space<vmem>>, %arg6: memref<64x32xf32, #tpu.memory_space<vmem>>, %arg7: memref<10240x32xf32, #tpu.memory_space<vmem>>) attributes {dimension_semantics = [], scalar_prefetch = 0 : i64, scratch_operands = 0 : i64, tpu.core_type = #tpu.core_type<tc>} {
    %get3A = arith.constant 0 : index
    %get3A_0 = arith.constant 0 : index
    %get3A_1 = vector.load %arg2[%get3A, %get3A_0] : memref<32x10240xf32, #tpu.memory_space<vmem>>, vector<32x10240xf32>
    %broadcast_in_dim3A = arith.constant 1.000000e+00 : f32
    %broadcast_in_dim3A_2 = vector.broadcast %broadcast_in_dim3A : f32 to vector<32x1xf32>
    %dot_general3A = arith.constant dense<0.000000e+00> : vector<10240x1xf32>
    %dot_general3A_3 = tpu.matmul %get3A_1, %broadcast_in_dim3A_2, %dot_general3A {dimension_numbers = #tpu.dot_dimension_numbers<[0], [0], [1], [1], [0, 1, 1, 1], [], []>, transpose_lhs_hint = false} : vector<32x10240xf32>, vector<32x1xf32>, vector<10240x1xf32> -> vector<10240x1xf32>
    %add3A = arith.constant 1.000000e+00 : f32
    %add3A_4 = vector.broadcast %add3A : f32 to vector<10240x1xf32>
    %add3A_5 = arith.addf %dot_general3A_3, %add3A_4 : vector<10240x1xf32>
    %iota3A = tpu.iota {dimensions = array<i32: 0>} : vector<10240x1xi32>
    %lt3A = arith.constant 10000 : i32
    %lt3A_6 = vector.broadcast %lt3A : i32 to vector<10240x1xi32>
    %lt3A_7 = arith.cmpi slt, %iota3A, %lt3A_6 : vector<10240x1xi32>
    %rsqrt3A = math.rsqrt %add3A_5 : vector<10240x1xf32>
    %jit3A = arith.constant 0.000000e+00 : f32
    %broadcast_in_dim3A_8 = vector.broadcast %jit3A : f32 to vector<10240x1xf32>
    %select_n3A = arith.select %lt3A_7, %rsqrt3A, %broadcast_in_dim3A_8 : vector<10240x1xi1>, vector<10240x1xf32>
    %get3A_9 = arith.constant 0 : index
    %get3A_10 = arith.constant 0 : index
    %get3A_11 = vector.load %arg0[%get3A_9, %get3A_10] : memref<20480x64xf32, #tpu.memory_space<vmem>>, vector<10240x64xf32>
    %get3A_12 = arith.constant 10240 : index
    %get3A_13 = arith.constant 0 : index
    %get3A_14 = vector.load %arg0[%get3A_12, %get3A_13] : memref<20480x64xf32, #tpu.memory_space<vmem>>, vector<10240x64xf32>
    %add3A_15 = arith.addf %get3A_11, %get3A_14 : vector<10240x64xf32>
    %get3A_16 = arith.constant 0 : index
    %get3A_17 = arith.constant 0 : index
    %get3A_18 = vector.load %arg1[%get3A_16, %get3A_17] : memref<10240x64xf32, #tpu.memory_space<vmem>>, vector<10240x64xf32>
    %add3A_19 = arith.addf %add3A_15, %get3A_18 : vector<10240x64xf32>
    %mul3A = vector.broadcast %select_n3A : vector<10240x1xf32> to vector<10240x64xf32>
    %mul3A_20 = arith.mulf %add3A_19, %mul3A : vector<10240x64xf32>
    %get3A_21 = arith.constant 0 : index
    %get3A_22 = arith.constant 0 : index
    %get3A_23 = vector.load %arg3[%get3A_21, %get3A_22] : memref<1x64xf32, #tpu.memory_space<vmem>>, vector<1x64xf32>
    %add3A_24 = vector.broadcast %get3A_23 : vector<1x64xf32> to vector<10240x64xf32>
    %add3A_25 = arith.addf %mul3A_20, %add3A_24 : vector<10240x64xf32>
    %iota3A_26 = tpu.iota {dimensions = array<i32: 0>} : vector<10240x1xi32>
    %lt3A_27 = arith.constant 10000 : i32
    %lt3A_28 = vector.broadcast %lt3A_27 : i32 to vector<10240x1xi32>
    %lt3A_29 = arith.cmpi slt, %iota3A_26, %lt3A_28 : vector<10240x1xi32>
    %jit3A_30 = arith.constant 1.000000e+00 : f32
    %jit3A_31 = arith.constant 0.000000e+00 : f32
    %broadcast_in_dim3A_32 = vector.broadcast %jit3A_30 : f32 to vector<10240x1xf32>
    %broadcast_in_dim3A_33 = vector.broadcast %jit3A_31 : f32 to vector<10240x1xf32>
    %select_n3A_34 = arith.select %lt3A_29, %broadcast_in_dim3A_32, %broadcast_in_dim3A_33 : vector<10240x1xi1>, vector<10240x1xf32>
    %mul3A_35 = vector.broadcast %select_n3A_34 : vector<10240x1xf32> to vector<10240x64xf32>
    %mul3A_36 = arith.mulf %add3A_25, %mul3A_35 : vector<10240x64xf32>
    %reduce_sum3A = arith.constant dense<0.000000e+00> : vector<64xf32>
    %reduce_sum3A_37 = vector.multi_reduction <add>, %mul3A_36, %reduce_sum3A [0] : vector<10240x64xf32> to vector<64xf32>
    %broadcast_in_dim3A_38 = vector.shape_cast %reduce_sum3A_37 : vector<64xf32> to vector<1x64xf32>
    %mul3A_39 = arith.constant 9.99999974E-5 : f32
    %mul3A_40 = vector.broadcast %mul3A_39 : f32 to vector<1x64xf32>
    %mul3A_41 = arith.mulf %broadcast_in_dim3A_38, %mul3A_40 : vector<1x64xf32>
    %sub3A = vector.broadcast %mul3A_41 : vector<1x64xf32> to vector<10240x64xf32>
    %sub3A_42 = arith.subf %add3A_25, %sub3A : vector<10240x64xf32>
    %mul3A_43 = vector.broadcast %select_n3A_34 : vector<10240x1xf32> to vector<10240x64xf32>
    %mul3A_44 = arith.mulf %sub3A_42, %mul3A_43 : vector<10240x64xf32>
    %mul3A_45 = arith.mulf %mul3A_44, %mul3A_44 : vector<10240x64xf32>
    %reduce_sum3A_46 = arith.constant dense<0.000000e+00> : vector<64xf32>
    %reduce_sum3A_47 = vector.multi_reduction <add>, %mul3A_45, %reduce_sum3A_46 [0] : vector<10240x64xf32> to vector<64xf32>
    %broadcast_in_dim3A_48 = vector.shape_cast %reduce_sum3A_47 : vector<64xf32> to vector<1x64xf32>
    %mul3A_49 = arith.constant 9.99999974E-5 : f32
    %mul3A_50 = vector.broadcast %mul3A_49 : f32 to vector<1x64xf32>
    %mul3A_51 = arith.mulf %broadcast_in_dim3A_48, %mul3A_50 : vector<1x64xf32>
    %sub3A_52 = vector.broadcast %mul3A_41 : vector<1x64xf32> to vector<10240x64xf32>
    %sub3A_53 = arith.subf %add3A_25, %sub3A_52 : vector<10240x64xf32>
    %add3A_54 = arith.constant 9.99999974E-6 : f32
    %add3A_55 = vector.broadcast %add3A_54 : f32 to vector<1x64xf32>
    %add3A_56 = arith.addf %mul3A_51, %add3A_55 : vector<1x64xf32>
    %rsqrt3A_57 = math.rsqrt %add3A_56 : vector<1x64xf32>
    %mul3A_58 = vector.broadcast %rsqrt3A_57 : vector<1x64xf32> to vector<10240x64xf32>
    %mul3A_59 = arith.mulf %sub3A_53, %mul3A_58 : vector<10240x64xf32>
    %get3A_60 = arith.constant 0 : index
    %get3A_61 = arith.constant 0 : index
    %get3A_62 = vector.load %arg4[%get3A_60, %get3A_61] : memref<1x64xf32, #tpu.memory_space<vmem>>, vector<1x64xf32>
    %mul3A_63 = vector.broadcast %get3A_62 : vector<1x64xf32> to vector<10240x64xf32>
    %mul3A_64 = arith.mulf %mul3A_59, %mul3A_63 : vector<10240x64xf32>
    %get3A_65 = arith.constant 0 : index
    %get3A_66 = arith.constant 0 : index
    %get3A_67 = vector.load %arg5[%get3A_65, %get3A_66] : memref<1x64xf32, #tpu.memory_space<vmem>>, vector<1x64xf32>
    %add3A_68 = vector.broadcast %get3A_67 : vector<1x64xf32> to vector<10240x64xf32>
    %add3A_69 = arith.addf %mul3A_64, %add3A_68 : vector<10240x64xf32>
    %max3A = arith.constant 0.000000e+00 : f32
    %max3A_70 = vector.broadcast %max3A : f32 to vector<10240x64xf32>
    %max3A_71 = arith.maximumf %add3A_69, %max3A_70 : vector<10240x64xf32>
    %get3A_72 = arith.constant 0 : index
    %get3A_73 = arith.constant 0 : index
    %get3A_74 = vector.load %arg6[%get3A_72, %get3A_73] : memref<64x32xf32, #tpu.memory_space<vmem>>, vector<64x32xf32>
    %dot_general3A_75 = arith.constant dense<0.000000e+00> : vector<10240x32xf32>
    %dot_general3A_76 = tpu.matmul %max3A_71, %get3A_74, %dot_general3A_75 {dimension_numbers = #tpu.dot_dimension_numbers<[1], [0], [0], [1], [0, 0, 1, 1], [], []>, transpose_lhs_hint = false} : vector<10240x64xf32>, vector<64x32xf32>, vector<10240x32xf32> -> vector<10240x32xf32>
    %mul3A_77 = vector.broadcast %select_n3A : vector<10240x1xf32> to vector<10240x32xf32>
    %mul3A_78 = arith.mulf %dot_general3A_76, %mul3A_77 : vector<10240x32xf32>
    %swap3A = arith.constant 0 : index
    %swap3A_79 = arith.constant 0 : index
    %swap3A_80 = vector.load %arg7[%swap3A, %swap3A_79] : memref<10240x32xf32, #tpu.memory_space<vmem>>, vector<10240x32xf32>
    tpu.vector_store %arg7[%swap3A, %swap3A_79], %mul3A_78 {strides = array<i32>} : memref<10240x32xf32, #tpu.memory_space<vmem>>, vector<10240x32xf32>,
    return
  }
}

module attributes {stable_mosaic.version = 14 : i64} {
  func.func @_tc3a_body(%arg0: memref<20480x32xf32, #tpu.memory_space<vmem>>, %arg1: memref<10240x32xf32, #tpu.memory_space<vmem>>, %arg2: memref<32x10240xf32, #tpu.memory_space<vmem>>, %arg3: memref<1x32xf32, #tpu.memory_space<vmem>>, %arg4: memref<1x32xf32, #tpu.memory_space<vmem>>, %arg5: memref<1x32xf32, #tpu.memory_space<vmem>>, %arg6: memref<10240x32xf32, #tpu.memory_space<vmem>>) attributes {dimension_semantics = [], scalar_prefetch = 0 : i64, scratch_operands = 0 : i64, tpu.core_type = #tpu.core_type<tc>} {
    %get3A = arith.constant 0 : index
    %get3A_0 = arith.constant 0 : index
    %get3A_1 = vector.load %arg2[%get3A, %get3A_0] : memref<32x10240xf32, #tpu.memory_space<vmem>>, vector<32x10240xf32>
    %broadcast_in_dim3A = arith.constant 1.000000e+00 : f32
    %broadcast_in_dim3A_2 = vector.broadcast %broadcast_in_dim3A : f32 to vector<32x1xf32>
    %dot_general3A = arith.constant dense<0.000000e+00> : vector<10240x1xf32>
    %dot_general3A_3 = tpu.matmul %get3A_1, %broadcast_in_dim3A_2, %dot_general3A {dimension_numbers = #tpu.dot_dimension_numbers<[0], [0], [1], [1], [0, 1, 1, 1], [], []>, transpose_lhs_hint = false} : vector<32x10240xf32>, vector<32x1xf32>, vector<10240x1xf32> -> vector<10240x1xf32>
    %add3A = arith.constant 1.000000e+00 : f32
    %add3A_4 = vector.broadcast %add3A : f32 to vector<10240x1xf32>
    %add3A_5 = arith.addf %dot_general3A_3, %add3A_4 : vector<10240x1xf32>
    %iota3A = tpu.iota {dimensions = array<i32: 0>} : vector<10240x1xi32>
    %lt3A = arith.constant 10000 : i32
    %lt3A_6 = vector.broadcast %lt3A : i32 to vector<10240x1xi32>
    %lt3A_7 = arith.cmpi slt, %iota3A, %lt3A_6 : vector<10240x1xi32>
    %rsqrt3A = math.rsqrt %add3A_5 : vector<10240x1xf32>
    %jit3A = arith.constant 0.000000e+00 : f32
    %broadcast_in_dim3A_8 = vector.broadcast %jit3A : f32 to vector<10240x1xf32>
    %select_n3A = arith.select %lt3A_7, %rsqrt3A, %broadcast_in_dim3A_8 : vector<10240x1xi1>, vector<10240x1xf32>
    %get3A_9 = arith.constant 0 : index
    %get3A_10 = arith.constant 0 : index
    %get3A_11 = vector.load %arg0[%get3A_9, %get3A_10] : memref<20480x32xf32, #tpu.memory_space<vmem>>, vector<10240x32xf32>
    %get3A_12 = arith.constant 10240 : index
    %get3A_13 = arith.constant 0 : index
    %get3A_14 = vector.load %arg0[%get3A_12, %get3A_13] : memref<20480x32xf32, #tpu.memory_space<vmem>>, vector<10240x32xf32>
    %add3A_15 = arith.addf %get3A_11, %get3A_14 : vector<10240x32xf32>
    %get3A_16 = arith.constant 0 : index
    %get3A_17 = arith.constant 0 : index
    %get3A_18 = vector.load %arg1[%get3A_16, %get3A_17] : memref<10240x32xf32, #tpu.memory_space<vmem>>, vector<10240x32xf32>
    %add3A_19 = arith.addf %add3A_15, %get3A_18 : vector<10240x32xf32>
    %mul3A = vector.broadcast %select_n3A : vector<10240x1xf32> to vector<10240x32xf32>
    %mul3A_20 = arith.mulf %add3A_19, %mul3A : vector<10240x32xf32>
    %get3A_21 = arith.constant 0 : index
    %get3A_22 = arith.constant 0 : index
    %get3A_23 = vector.load %arg3[%get3A_21, %get3A_22] : memref<1x32xf32, #tpu.memory_space<vmem>>, vector<1x32xf32>
    %add3A_24 = vector.broadcast %get3A_23 : vector<1x32xf32> to vector<10240x32xf32>
    %add3A_25 = arith.addf %mul3A_20, %add3A_24 : vector<10240x32xf32>
    %iota3A_26 = tpu.iota {dimensions = array<i32: 0>} : vector<10240x1xi32>
    %lt3A_27 = arith.constant 10000 : i32
    %lt3A_28 = vector.broadcast %lt3A_27 : i32 to vector<10240x1xi32>
    %lt3A_29 = arith.cmpi slt, %iota3A_26, %lt3A_28 : vector<10240x1xi32>
    %jit3A_30 = arith.constant 1.000000e+00 : f32
    %jit3A_31 = arith.constant 0.000000e+00 : f32
    %broadcast_in_dim3A_32 = vector.broadcast %jit3A_30 : f32 to vector<10240x1xf32>
    %broadcast_in_dim3A_33 = vector.broadcast %jit3A_31 : f32 to vector<10240x1xf32>
    %select_n3A_34 = arith.select %lt3A_29, %broadcast_in_dim3A_32, %broadcast_in_dim3A_33 : vector<10240x1xi1>, vector<10240x1xf32>
    %mul3A_35 = vector.broadcast %select_n3A_34 : vector<10240x1xf32> to vector<10240x32xf32>
    %mul3A_36 = arith.mulf %add3A_25, %mul3A_35 : vector<10240x32xf32>
    %reduce_sum3A = arith.constant dense<0.000000e+00> : vector<32xf32>
    %reduce_sum3A_37 = vector.multi_reduction <add>, %mul3A_36, %reduce_sum3A [0] : vector<10240x32xf32> to vector<32xf32>
    %broadcast_in_dim3A_38 = vector.shape_cast %reduce_sum3A_37 : vector<32xf32> to vector<1x32xf32>
    %mul3A_39 = arith.constant 9.99999974E-5 : f32
    %mul3A_40 = vector.broadcast %mul3A_39 : f32 to vector<1x32xf32>
    %mul3A_41 = arith.mulf %broadcast_in_dim3A_38, %mul3A_40 : vector<1x32xf32>
    %sub3A = vector.broadcast %mul3A_41 : vector<1x32xf32> to vector<10240x32xf32>
    %sub3A_42 = arith.subf %add3A_25, %sub3A : vector<10240x32xf32>
    %mul3A_43 = vector.broadcast %select_n3A_34 : vector<10240x1xf32> to vector<10240x32xf32>
    %mul3A_44 = arith.mulf %sub3A_42, %mul3A_43 : vector<10240x32xf32>
    %mul3A_45 = arith.mulf %mul3A_44, %mul3A_44 : vector<10240x32xf32>
    %reduce_sum3A_46 = arith.constant dense<0.000000e+00> : vector<32xf32>
    %reduce_sum3A_47 = vector.multi_reduction <add>, %mul3A_45, %reduce_sum3A_46 [0] : vector<10240x32xf32> to vector<32xf32>
    %broadcast_in_dim3A_48 = vector.shape_cast %reduce_sum3A_47 : vector<32xf32> to vector<1x32xf32>
    %mul3A_49 = arith.constant 9.99999974E-5 : f32
    %mul3A_50 = vector.broadcast %mul3A_49 : f32 to vector<1x32xf32>
    %mul3A_51 = arith.mulf %broadcast_in_dim3A_48, %mul3A_50 : vector<1x32xf32>
    %sub3A_52 = vector.broadcast %mul3A_41 : vector<1x32xf32> to vector<10240x32xf32>
    %sub3A_53 = arith.subf %add3A_25, %sub3A_52 : vector<10240x32xf32>
    %add3A_54 = arith.constant 9.99999974E-6 : f32
    %add3A_55 = vector.broadcast %add3A_54 : f32 to vector<1x32xf32>
    %add3A_56 = arith.addf %mul3A_51, %add3A_55 : vector<1x32xf32>
    %rsqrt3A_57 = math.rsqrt %add3A_56 : vector<1x32xf32>
    %mul3A_58 = vector.broadcast %rsqrt3A_57 : vector<1x32xf32> to vector<10240x32xf32>
    %mul3A_59 = arith.mulf %sub3A_53, %mul3A_58 : vector<10240x32xf32>
    %get3A_60 = arith.constant 0 : index
    %get3A_61 = arith.constant 0 : index
    %get3A_62 = vector.load %arg4[%get3A_60, %get3A_61] : memref<1x32xf32, #tpu.memory_space<vmem>>, vector<1x32xf32>
    %mul3A_63 = vector.broadcast %get3A_62 : vector<1x32xf32> to vector<10240x32xf32>
    %mul3A_64 = arith.mulf %mul3A_59, %mul3A_63 : vector<10240x32xf32>
    %get3A_65 = arith.constant 0 : index
    %get3A_66 = arith.constant 0 : index
    %get3A_67 = vector.load %arg5[%get3A_65, %get3A_66] : memref<1x32xf32, #tpu.memory_space<vmem>>, vector<1x32xf32>
    %add3A_68 = vector.broadcast %get3A_67 : vector<1x32xf32> to vector<10240x32xf32>
    %add3A_69 = arith.addf %mul3A_64, %add3A_68 : vector<10240x32xf32>
    %max3A = arith.constant 0.000000e+00 : f32
    %max3A_70 = vector.broadcast %max3A : f32 to vector<10240x32xf32>
    %max3A_71 = arith.maximumf %add3A_69, %max3A_70 : vector<10240x32xf32>
    %mul3A_72 = vector.broadcast %select_n3A_34 : vector<10240x1xf32> to vector<10240x32xf32>
    %mul3A_73 = arith.mulf %max3A_71, %mul3A_72 : vector<10240x32xf32>
    %swap3A = arith.constant 0 : index
    %swap3A_74 = arith.constant 0 : index
    %swap3A_75 = vector.load %arg6[%swap3A, %swap3A_74] : memref<10240x32xf32, #tpu.memory_space<vmem>>, vector<10240x32xf32>
    tpu.vector_store %arg6[%swap3A, %swap3A_74], %mul3A_73 {strides = array<i32>} : memref<10240x32xf32, #tpu.memory_space<vmem>>, vector<10240x32xf32>,
    return
  }
}

module attributes {stable_mosaic.version = 14 : i64} {
  func.func @_tc3b_body(%arg0: i32, %arg1: memref<1024x32xf32, #tpu.memory_space<vmem>>, %arg2: memref<1x1x1024xi32, #tpu.memory_space<vmem>>, %arg3: memref<32x144xf32, #tpu.memory_space<vmem>>, %arg4: memref<32x10xf32, #tpu.memory_space<vmem>>, %arg5: memref<1x10xf32, #tpu.memory_space<vmem>>, %arg6: memref<128x10xf32, #tpu.memory_space<vmem>>, %arg7: memref<128x32xf32, #tpu.memory_space<vmem>>) attributes {dimension_semantics = [#tpu.dimension_semantics<arbitrary>], iteration_bounds = array<i64: 10>, scalar_prefetch = 0 : i64, scratch_operands = 1 : i64, tpu.core_type = #tpu.core_type<tc>, window_params = [{transform_indices = @transform_0, window_bounds = array<i64: 1024, 32>}, {transform_indices = @transform_1, window_bounds = array<i64: 1, 1, 1024>}, {pipeline_mode = #tpu.pipeline_mode<synchronous>, transform_indices = @transform_2, window_bounds = array<i64: 32, 144>}, {pipeline_mode = #tpu.pipeline_mode<synchronous>, transform_indices = @transform_3, window_bounds = array<i64: 32, 10>}, {pipeline_mode = #tpu.pipeline_mode<synchronous>, transform_indices = @transform_4, window_bounds = array<i64: 1, 10>}, {pipeline_mode = #tpu.pipeline_mode<synchronous>, transform_indices = @transform_5, window_bounds = array<i64: 128, 10>}]} {
    %eq3A = arith.constant 0 : i32
    %eq3A_0 = arith.cmpi eq, %arg0, %eq3A : i32
    %convert_element_type3A = arith.extui %eq3A_0 : i1 to i32
    %cond3A = arith.constant 0 : i32
    %cond3A_1 = arith.cmpi ne, %convert_element_type3A, %cond3A : i32
    scf.if %cond3A_1 {
      %broadcast_in_dim3A_24 = arith.constant 0.000000e+00 : f32
      %broadcast_in_dim3A_25 = vector.broadcast %broadcast_in_dim3A_24 : f32 to vector<128x32xf32>
      %swap3A_26 = arith.constant 0 : index
      %swap3A_27 = arith.constant 0 : index
      %swap3A_28 = vector.load %arg7[%swap3A_26, %swap3A_27] : memref<128x32xf32, #tpu.memory_space<vmem>>, vector<128x32xf32>
      tpu.vector_store %arg7[%swap3A_26, %swap3A_27], %broadcast_in_dim3A_25 {strides = array<i32>} : memref<128x32xf32, #tpu.memory_space<vmem>>, vector<128x32xf32>,
    } else {
    }
    %iota3A = tpu.iota {dimensions = array<i32: 0>} : vector<128x1024xi32>
    %get3A = arith.constant 0 : index
    %get3A_2 = arith.constant 0 : index
    %get3A_3 = arith.constant 0 : index
    %get3A_4 = vector.load %arg2[%get3A, %get3A_2, %get3A_3] : memref<1x1x1024xi32, #tpu.memory_space<vmem>>, vector<1x1x1024xi32>
    %get3A_5 = vector.shape_cast %get3A_4 : vector<1x1x1024xi32> to vector<1x1024xi32>
    %eq3A_6 = vector.broadcast %get3A_5 : vector<1x1024xi32> to vector<128x1024xi32>
    %eq3A_7 = arith.cmpi eq, %eq3A_6, %iota3A : vector<128x1024xi32>
    %jit3A = arith.constant 1.000000e+00 : f32
    %jit3A_8 = arith.constant 0.000000e+00 : f32
    %broadcast_in_dim3A = vector.broadcast %jit3A : f32 to vector<128x1024xf32>
    %broadcast_in_dim3A_9 = vector.broadcast %jit3A_8 : f32 to vector<128x1024xf32>
    %select_n3A = arith.select %eq3A_7, %broadcast_in_dim3A, %broadcast_in_dim3A_9 : vector<128x1024xi1>, vector<128x1024xf32>
    %get3A_10 = arith.constant 0 : index
    %get3A_11 = arith.constant 0 : index
    %get3A_12 = vector.load %arg7[%get3A_10, %get3A_11] : memref<128x32xf32, #tpu.memory_space<vmem>>, vector<128x32xf32>
    %get3A_13 = arith.constant 0 : index
    %get3A_14 = arith.constant 0 : index
    %get3A_15 = vector.load %arg1[%get3A_13, %get3A_14] : memref<1024x32xf32, #tpu.memory_space<vmem>>, vector<1024x32xf32>
    %dot_general3A = arith.constant dense<0.000000e+00> : vector<128x32xf32>
    %dot_general3A_16 = tpu.matmul %select_n3A, %get3A_15, %dot_general3A {dimension_numbers = #tpu.dot_dimension_numbers<[1], [0], [0], [1], [0, 0, 1, 1], [], []>, transpose_lhs_hint = false} : vector<128x1024xf32>, vector<1024x32xf32>, vector<128x32xf32> -> vector<128x32xf32>
    %add3A = arith.addf %get3A_12, %dot_general3A_16 : vector<128x32xf32>
    %swap3A = arith.constant 0 : index
    %swap3A_17 = arith.constant 0 : index
    %swap3A_18 = vector.load %arg7[%swap3A, %swap3A_17] : memref<128x32xf32, #tpu.memory_space<vmem>>, vector<128x32xf32>
    tpu.vector_store %arg7[%swap3A, %swap3A_17], %add3A {strides = array<i32>} : memref<128x32xf32, #tpu.memory_space<vmem>>, vector<128x32xf32>,
    %eq3A_19 = arith.constant 9 : i32
    %eq3A_20 = arith.cmpi eq, %arg0, %eq3A_19 : i32
    %convert_element_type3A_21 = arith.extui %eq3A_20 : i1 to i32
    %cond3A_22 = arith.constant 0 : i32
    %cond3A_23 = arith.cmpi ne, %convert_element_type3A_21, %cond3A_22 : i32
    scf.if %cond3A_23 {
      %get3A_24 = arith.constant 0 : index
      %get3A_25 = arith.constant 0 : index
      %get3A_26 = vector.load %arg3[%get3A_24, %get3A_25] : memref<32x144xf32, #tpu.memory_space<vmem>>, vector<32x144xf32>
      %broadcast_in_dim3A_27 = arith.constant 1.000000e+00 : f32
      %broadcast_in_dim3A_28 = vector.broadcast %broadcast_in_dim3A_27 : f32 to vector<32x1xf32>
      %dot_general3A_29 = arith.constant dense<0.000000e+00> : vector<144x1xf32>
      %dot_general3A_30 = tpu.matmul %get3A_26, %broadcast_in_dim3A_28, %dot_general3A_29 {dimension_numbers = #tpu.dot_dimension_numbers<[0], [0], [1], [1], [0, 1, 1, 1], [], []>, transpose_lhs_hint = false} : vector<32x144xf32>, vector<32x1xf32>, vector<144x1xf32> -> vector<144x1xf32>
      %slice3A = vector.extract_strided_slice %dot_general3A_30 {offsets = [0, 0], sizes = [128, 1], strides = [1, 1]} : vector<144x1xf32> to vector<128x1xf32>
      %get3A_31 = arith.constant 0 : index
      %get3A_32 = arith.constant 0 : index
      %get3A_33 = vector.load %arg7[%get3A_31, %get3A_32] : memref<128x32xf32, #tpu.memory_space<vmem>>, vector<128x32xf32>
      %max3A = arith.constant 1.000000e+00 : f32
      %max3A_34 = vector.broadcast %max3A : f32 to vector<128x1xf32>
      %max3A_35 = arith.maximumf %slice3A, %max3A_34 : vector<128x1xf32>
      %div3A = vector.broadcast %max3A_35 : vector<128x1xf32> to vector<128x32xf32>
      %div3A_36 = arith.divf %get3A_33, %div3A : vector<128x32xf32>
      %get3A_37 = arith.constant 0 : index
      %get3A_38 = arith.constant 0 : index
      %get3A_39 = vector.load %arg4[%get3A_37, %get3A_38] : memref<32x10xf32, #tpu.memory_space<vmem>>, vector<32x10xf32>
      %dot_general3A_40 = arith.constant dense<0.000000e+00> : vector<128x10xf32>
      %dot_general3A_41 = tpu.matmul %div3A_36, %get3A_39, %dot_general3A_40 {dimension_numbers = #tpu.dot_dimension_numbers<[1], [0], [0], [1], [0, 0, 1, 1], [], []>, transpose_lhs_hint = false} : vector<128x32xf32>, vector<32x10xf32>, vector<128x10xf32> -> vector<128x10xf32>
      %get3A_42 = arith.constant 0 : index
      %get3A_43 = arith.constant 0 : index
      %get3A_44 = vector.load %arg5[%get3A_42, %get3A_43] : memref<1x10xf32, #tpu.memory_space<vmem>>, vector<1x10xf32>
      %add3A_45 = vector.broadcast %get3A_44 : vector<1x10xf32> to vector<128x10xf32>
      %add3A_46 = arith.addf %dot_general3A_41, %add3A_45 : vector<128x10xf32>
      %reduce_max3A = arith.constant dense<0xFF800000> : vector<128xf32>
      %reduce_max3A_47 = vector.multi_reduction <maximumf>, %add3A_46, %reduce_max3A [1] : vector<128x10xf32> to vector<128xf32>
      %broadcast_in_dim3A_48 = vector.shape_cast %reduce_max3A_47 : vector<128xf32> to vector<128x1xf32>
      %sub3A = vector.broadcast %broadcast_in_dim3A_48 : vector<128x1xf32> to vector<128x10xf32>
      %sub3A_49 = arith.subf %add3A_46, %sub3A : vector<128x10xf32>
      %exp3A = math.exp %sub3A_49 : vector<128x10xf32>
      %reduce_sum3A = arith.constant dense<0.000000e+00> : vector<128xf32>
      %reduce_sum3A_50 = vector.multi_reduction <add>, %exp3A, %reduce_sum3A [1] : vector<128x10xf32> to vector<128xf32>
      %broadcast_in_dim3A_51 = vector.shape_cast %reduce_sum3A_50 : vector<128xf32> to vector<128x1xf32>
      %log3A = math.log %broadcast_in_dim3A_51 : vector<128x1xf32>
      %add3A_52 = arith.addf %log3A, %broadcast_in_dim3A_48 : vector<128x1xf32>
      %sub3A_53 = vector.broadcast %add3A_52 : vector<128x1xf32> to vector<128x10xf32>
      %sub3A_54 = arith.subf %add3A_46, %sub3A_53 : vector<128x10xf32>
      %swap3A_55 = arith.constant 0 : index
      %swap3A_56 = arith.constant 0 : index
      %swap3A_57 = vector.load %arg6[%swap3A_55, %swap3A_56] : memref<128x10xf32, #tpu.memory_space<vmem>>, vector<128x10xf32>
      tpu.vector_store %arg6[%swap3A_55, %swap3A_56], %sub3A_54 {strides = array<i32>} : memref<128x10xf32, #tpu.memory_space<vmem>>, vector<128x10xf32>,
    } else {
    }
    return
  }
  func.func @transform_0(%arg0: i32) -> (i32, i32) {
    %c0_i32 = arith.constant 0 : i32
    %c0_i32_0 = arith.constant 0 : i32
    return %arg0, %c0_i32 : i32, i32
  }
  func.func @transform_1(%arg0: i32) -> (i32, i32, i32) {
    %c0_i32 = arith.constant 0 : i32
    %c0_i32_0 = arith.constant 0 : i32
    %c0_i32_1 = arith.constant 0 : i32
    return %arg0, %c0_i32, %c0_i32_0 : i32, i32, i32
  }
  func.func @transform_2(%arg0: i32) -> (i32, i32) {
    %c0_i32 = arith.constant 0 : i32
    %c0_i32_0 = arith.constant 0 : i32
    %c0_i32_1 = arith.constant 0 : i32
    return %c0_i32, %c0_i32_0 : i32, i32
  }
  func.func @transform_3(%arg0: i32) -> (i32, i32) {
    %c0_i32 = arith.constant 0 : i32
    %c0_i32_0 = arith.constant 0 : i32
    %c0_i32_1 = arith.constant 0 : i32
    return %c0_i32, %c0_i32_0 : i32, i32
  }
  func.func @transform_4(%arg0: i32) -> (i32, i32) {
    %c0_i32 = arith.constant 0 : i32
    %c0_i32_0 = arith.constant 0 : i32
    %c0_i32_1 = arith.constant 0 : i32
    return %c0_i32, %c0_i32_0 : i32, i32
  }
  func.func @transform_5(%arg0: i32) -> (i32, i32) {
    %c0_i32 = arith.constant 0 : i32
    %c0_i32_0 = arith.constant 0 : i32
    %c0_i32_1 = arith.constant 0 : i32
    return %c0_i32, %c0_i32_0 : i32, i32
  }
}

</mosaic_0001>

<sc_bundles>
// kernel: gcn_agg_32.3.cloned.1.call-start
scs
__scs_entry_jumppad:
0x0: {  	(pc) =	sbr.rel $0x88, $3  }
0x1: {  	(tag) =	ssettag $0x0;
	lr =	simm.s32 $0x1  }
0x2: {  	[smem:$0x3F94] =	sst lr;
	_ =	strace $0xD0000000  }
0x3: {  	_ = 	snop  }
0x4: {  	_ = 	snop  }
0x5: {  	_ = 	snop  }
0x6: {  	_ = 	snop  }
0x7: {  	_ = 	snop  }
__scs_overlays_trampoline_lowered:
0x8: {  	[smem:$0x3FA3] =	sst s0  }
0x9: {  	[smem:$0x3FA4] =	sst s1  }
0xa: {  	[smem:$0x3FA5] =	sst s2  }
0xb: {  	[smem:$0x3FA6] =	sst s3  }
0xc: {  	[smem:$0x3FA7] =	sst s4  }
0xd: {  	[smem:$0x3FA8] =	sst s5  }
0xe: {  	[smem:$0x3FA9] =	sst s6  }
0xf: {  	[smem:$0x3FAA] =	sst s7  }
0x10: {  	[smem:$0x3FAB] =	sst s8  }
0x11: {  	[smem:$0x3FAC] =	sst s9;
	s0 =	simm.s32 @!p0 $0x0  }
0x12: {  	s1 =	sld [smem:$0x3F92];
	s0 =	simm.s32 @p0 $0x1  }
0x13: {  	[smem:$0x3FAD] =	sst s0;
	s0 =	simm.s32 @!p1 $0x0  }
0x14: {  	s2 =	sld [smem:$0x3F91];
	s0 =	simm.s32 @p1 $0x1  }
0x15: {  	[smem:$0x3FAE] =	sst s0;
	s0 =	simm.s32 @!p2 $0x0  }
0x16: {  	s3 =	sld [smem:$0x3FDB];
	s0 =	simm.s32 @p2 $0x1  }
0x17: {  	s4 =	simm.s32 $0x1BF5;
	[smem:$0x3FB0] =	sst s0  }
0x18: {  	s0 =	sld [smem:$0x3F93];
	_ =	swait.ge [sflag:s4], $0x0  }
0x19: {  	s7 =	sld [smem:$0x3F94]  }
0x1a: {  	s8 =	sadd.s32 $0xFFFFE003, lr  }
0x1b: {  	s9 =	sadd.s32 $0xFFFFFEF7, lr;
	s5 =	simm.s32 $0xFFFFFFFF;
	p2 =	slt.u32 s8, $0xFFFFF086  }
0x1c: {  	p1 =	slt.u32 s9, $0xF7A;
	s5 =	simm.s32 @!p2 $0x0  }
0x1d: {  	s5 =	simm.s32 @p1 $0x1;
	p0 =	seq.s32 s7, s2  }
0x1e: {  	s7 =	smul.u32 @!p0 $0xF7A, s2;
	p2 =	seq.s32 @!p0 s5, $0x0  }
0x1f: {  	s9 =	smul.u32 $0xF7A, s1;
	s8 =	simm.s32 @!p0 $0x1BF5;
	p2 =	por !p2, p0  }
0x20: {  	[sflag:s8] =	ssyncset.s32 @!p0 $0xFFFFF086;
	s6 =	sadd.s32 @!p0 s3, s7;
	s7 =	simm.s32 @!p0 $0x108  }
0x21: {  	s3 =	sadd.s32 s3, s9;
	s6 =	sadd.s32 @!p0 $0x88, s6;
	s7 =	simm.s32 @p2 $0x1082  }
0x22: {  	[simem:s7], [sflag:s8] =	dma.local @!p0 [hbm:s6], $0xF7A  }
0x23: {  	s9 =	sor.u32 $0xD0000000, s2;
	s6 =	simm.s32 $0x108;
	_ =	swait.ge @!p0 [sflag:s8], $0x0  }
0x24: {  	s3 =	sadd.s32 $0x88, s3;
	s6 =	simm.s32 @!p1 $0x1082;
	[sflag:s4] =	ssyncset.s32 $0xFFFFF086  }
0x25: {  	[simem:s6], [sflag:s4] =	dma.local [hbm:s3], $0xF7A  }
0x26: {  	[smem:$0x3F94] =	sst s1;
	(tag) =	ssettag s2;
	_ =	strace s9  }
0x27: {  	s1 =	sld [smem:$0x3FA4]  }
0x28: {  	s2 =	sld [smem:$0x3FA5]  }
0x29: {  	s4 =	sld [smem:$0x3FA7]  }
0x2a: {  	p0 =	seq.s32 s5, $0x0;
	s5 =	sld [smem:$0x3FA8]  }
0x2b: {  	s6 =	sld [smem:$0x3FA9]  }
0x2c: {  	s7 =	sld [smem:$0x3FAA]  }
0x2d: {  	s3 =	simm.s32 $0x108;
	s8 =	sld [smem:$0x3FAB]  }
0x2e: {  	s3 =	simm.s32 @!p0 $0x1082;
	s9 =	sld [smem:$0x3FAC]  }
0x2f: {  	lr =	sadd.s32 s0, s3;
	s0 =	sld [smem:$0x3FA3]  }
0x30: {  	s3 =	sld [smem:$0x3FA6]  }
0x31: {  	[smem:$0x3FAF] =	sst s10  }
0x32: {  	s10 =	sld [smem:$0x3FAD];
	_ =	sdelay $0x3  }
0x33: {  	p0 =	seq.s32 s10, $0x1;
	s10 =	sld [smem:$0x3FAF];
	_ =	sdelay $0x3  }
0x34: {  	[smem:$0x3FAF] =	sst s10  }
0x35: {  	s10 =	sld [smem:$0x3FAE];
	_ =	sdelay $0x3  }
0x36: {  	p1 =	seq.s32 s10, $0x1;
	s10 =	sld [smem:$0x3FAF];
	_ =	sdelay $0x3  }
0x37: {  	[smem:$0x3FAF] =	sst s10  }
0x38: {  	s10 =	sld [smem:$0x3FB0]  }
0x39: {  	_ = 	snop;
	(pc) =	sbr.ind lr, $3  }
0x3a: {  	_ = 	snop  }
0x3b: {  	_ = 	snop  }
0x3c: {  	p2 =	seq.s32 s10, $0x1;
	s10 =	sld [smem:$0x3FAF]  }
0x3d: {  	_ =	shalt  }
0x3e: {  	_ =	shalt  }
0x3f: {  	_ =	shalt  }
0x40: {  	_ =	shalt  }
0x41: {  	_ =	shalt  }
0x42: {  	_ =	shalt  }
0x43: {  	_ =	shalt  }
0x44: {  	_ =	shalt  }
0x45: {  	_ =	shalt  }
0x46: {  	_ =	shalt  }
0x47: {  	_ =	shalt  }
0x48: {  	_ =	shalt  }
0x49: {  	_ =	shalt  }
0x4a: {  	_ =	shalt  }
0x4b: {  	_ =	shalt  }
0x4c: {  	_ =	shalt  }
0x4d: {  	_ =	shalt  }
0x4e: {  	_ =	shalt  }
0x4f: {  	_ =	shalt  }
0x50: {  	_ =	shalt  }
0x51: {  	_ =	shalt  }
0x52: {  	_ =	shalt  }
0x53: {  	_ =	shalt  }
0x54: {  	_ =	shalt  }
0x55: {  	_ =	shalt  }
0x56: {  	_ =	shalt  }
0x57: {  	_ =	shalt  }
0x58: {  	_ =	shalt  }
0x59: {  	_ =	shalt  }
0x5a: {  	_ =	shalt  }
0x5b: {  	_ =	shalt  }
0x5c: {  	_ =	shalt  }
0x5d: {  	_ =	shalt  }
0x5e: {  	_ =	shalt  }
0x5f: {  	_ =	shalt  }
0x60: {  	_ =	shalt  }
0x61: {  	_ =	shalt  }
0x62: {  	_ =	shalt  }
0x63: {  	_ =	shalt  }
0x64: {  	_ =	shalt  }
0x65: {  	_ =	shalt  }
0x66: {  	_ =	shalt  }
0x67: {  	_ =	shalt  }
0x68: {  	_ =	shalt  }
0x69: {  	_ =	shalt  }
0x6a: {  	_ =	shalt  }
0x6b: {  	_ =	shalt  }
0x6c: {  	_ =	shalt  }
0x6d: {  	_ =	shalt  }
0x6e: {  	_ =	shalt  }
0x6f: {  	_ =	shalt  }
0x70: {  	_ =	shalt  }
0x71: {  	_ =	shalt  }
0x72: {  	_ =	shalt  }
0x73: {  	_ =	shalt  }
0x74: {  	_ =	shalt  }
0x75: {  	_ =	shalt  }
0x76: {  	_ =	shalt  }
0x77: {  	_ =	shalt  }
0x78: {  	_ =	shalt  }
0x79: {  	_ =	shalt  }
0x7a: {  	_ =	shalt  }
0x7b: {  	_ =	shalt  }
0x7c: {  	_ =	shalt  }
0x7d: {  	_ =	shalt  }
0x7e: {  	_ =	shalt  }
0x7f: {  	_ =	shalt  }
0x80: {  	_ =	shalt  }
0x81: {  	_ =	shalt  }
0x82: {  	_ =	shalt  }
0x83: {  	_ =	shalt  }
0x84: {  	_ =	shalt  }
0x85: {  	_ =	shalt  }
0x86: {  	_ =	shalt  }
0x87: {  	_ =	shalt  }
.Lfunc_end0:
.L_simem_size_0:
called_computation.2_lowered:
.L_overlay_start_0:
0x88: {  	s2 =	sld [smem:$0x3FD9]  }
0x89: {  	s3 =	sld [smem:$0x3FFE];
	_ =	sdelay $0x1  }
0x8a: {  	s1 =	srdreg.scid  }
0x8b: {  	s0 =	sand.u32 $0x1, s1  }
0x8c: {  	s16 =	sshll.u32 s0, $0xA;
	s2 =	sadd.s32 s3, s2  }
0x8d: {  	s2 =	sadd.s32 s2, s16  }
0x8e: {  	[smem:$0x3FBB] =	sst s2  }
0x8f: {  	_ = 	snop  }
0x90: {  	(tm) =	ssettm $0x1  }
0x91: {  	s17 =	sld [smem:$0x3FFB];
	_ =	sdelay $0x3  }
0x92: {  	_ =	strace s17  }
0x93: {  	s2 =	sld [smem:$0x3FFC];
	_ =	sdelay $0x3  }
0x94: {  	_ =	strace s2  }
0x95: {  	s2 =	sld [smem:$0x3FFD];
	_ =	sdelay $0x3  }
0x96: {  	_ =	strace s2  }
0x97: {  	_ =	strace $0x8FFFFFFF  }
0x98: {  	s18 =	sld [smem:$0x3FDB];
	_ =	sdelay $0x1  }
0x99: {  	s19 =	simm.s32 $_scs_section_size  }
0x9a: {  	s4 =	simm.s32 $_size__tile_overlayer_lowered;
	s5 =	simm.s32 $_tile_overlayer_lowered  }
0x9b: {  	s22 =	simm.s32 $0x1BFF;
	s21 =	sshll.u32 s5, $0x1;
	s2 =	sadd.s32 s19, s18  }
0x9c: {  	s6 =	simm.s32 $0x0;
	s20 =	sshll.u32 s4, $0x1;
	s4 =	sadd.s32 s21, s2  }
0x9d: {  	[timem:s6], [sflag:s22] =	dma.local [hbm:s4], s20  }
0x9e: {  	_ =	swait.ge [sflag:s22], s20  }
0x9f: {  	s3 =	ssub.s32 $0x0, s20;
	[sflag:s22] =	ssyncset.done $0x0  }
0xa0: {  	[sflag:s22] =	ssyncadd.s32 s3;
	_ =	sdelay $0x1  }
0xa1: {  	s23 =	simm.s32 $0x1B8B  }
0xa2: {  	_ =	swait.ge [sflag:s23], $0x1  }
0xa3: {  	[sflag:s23] =	ssyncset.done $0x0  }
0xa4: {  	s25 =	simm.s32 $0x1B8E;
	s24 =	sld [smem:$0x3FFE];
	[sflag:s23] =	ssyncadd.s32 $0xFFFFFFFF  }
0xa5: {  	s26 =	simm.s32 $execute0_lowered;
	[smem:$0x3FD2] =	sst s25  }
0xa6: {  	s4 =	sshll.u32 s26, $0x1;
	_ =	strace $0x8000004F;
	[dreg:$0x1] =	wrdreg $0xFFFFFFFF  }
0xa7: {  	s28 =	simm.s32 $_size_execute0_lowered;
	s2 =	sadd.s32 s2, s4;
	[dreg:$0x0] =	wrdreg $0x0  }
0xa8: {  	s4 =	sshll.u32 s28, $0x1;
	[dreg:$0x2] =	wrdreg s2  }
0xa9: {  	[dreg:$0x3] =	wrdreg s4  }
0xaa: {  	[dreg:$0x4] =	wrdreg $0xC0  }
0xab: {  	_ =	task [dreg:s6], $0x5FFFF  }
0xac: {  	[dreg:$0x1] =	wrdreg $0xFFFFFFFF  }
0xad: {  	[dreg:$0x0] =	wrdreg $0x60  }
0xae: {  	[dreg:$0x2] =	wrdreg s24  }
0xaf: {  	[dreg:$0x3] =	wrdreg $0xAF000  }
0xb0: {  	[dreg:$0x4] =	wrdreg $0x9  }
0xb1: {  	_ =	task.clear_ibuf [dreg:s6], $0x5FFFF;
	_ =	strace $0x9000004F  }
0xb2: {  	s29 =	simm.s32 $0x9;
	_ =	strace $0x80000054  }
0xb3: {  	_ =	swait.ge [sflag:s29], $0x1  }
0xb4: {  	[sflag:s29] =	ssyncadd.s32 $0xFFFFFFFF  }
0xb5: {  	_ =	strace $0x90000054  }
0xb6: {  	_ =	sfence  }
0xb7: {  	s30 =	sld [smem:$0x0];
	_ =	sdelay $0x2  }
0xb8: {  	s31 =	sshll.u32 s1, $0xD;
	s1 =	sshrl.u32 s1, $0x2  }
0xb9: {  	s3 =	sand.u32 $0x4000, s31;
	s1 =	sadd.s32 s1, s30  }
0xba: {  	s0 =	sor.u32 s3, s0;
	s1 =	sshll.u32 s1, $0x11  }
0xbb: {  	s0 =	sor.u32 s1, s0  }
0xbc: {  	s0 =	sadd.s32 $0x8F2B, s0  }
0xbd: {  	[sflag:s0] =	ssyncadd.remote.s32 $0x1  }
0xbe: {  	_ =	sfence.sel $0xFFFF  }
0xbf: {  	[dreg:$0x0] =	wrdreg $0xFFFFFFFF;
	(pc) =	sbr.abs _section_cstart, $3  }
0xc0: {  	[dreg:$0x1] =	wrdreg $0xFFFFFFFF  }
0xc1: {  	_ =	task.clear_ibuf [dreg:s6], $0x2FFFF;
	_ =	strace $0x9FFFFFFF  }
0xc2: {  	(tm) =	ssettm $0x7FFFFFFF  }
0xc3: {  	_ =	shalt  }
tec
execute0_lowered:
.L_overlay_start_1:
0x0: {  	(tag) =	ssettag $0x1  }
0x1: {  	s0 =	rddreg [dreg:$0x0]  }
0x2: {  	s2 =	rddreg [dreg:$0x1]  }
0x3: {  	s10 =	stileid.u32;
	s6 =	simm.s32 $0x0;
	s3 =	srdreg.scid  }
0x4: {  	s14 =	simm.s32 $0xE;
	s15 =	simm.s32 $0x1;
	s16 =	simm.s32 $0x80  }
0x5: {  	s17 =	simm.s32 $0x4F00;
	s28 =	simm.s32 $0x2;
	s29 =	simm.s32 $0x8  }
0x6: {  	s30 =	simm.s32 $0x3;
	s31 =	simm.s32 $0x9;
	s1 =	smul.u32 $0x5000, s10  }
0x7: {  	s11 =	simm.s32 $0x5;
	s3 =	sand.u32 $0x1, s3;
	s5 =	smul.u32 $0xA00, s10  }
0x8: {  	s4 =	sshll.u32 s10, $0x1;
	[smem:$0x7FF] =	sst s6;
	p0 =	sgt.u32 s10, $0xD  }
0x9: {  	s26 =	sshll.u32 s10, $0x6;
	s18 =	smul.u32 $0xA000, s3;
	s7 =	sor.u32 s3, s4  }
0xa: {  	_ =	strace $0x80000050;
	s4 =	sadd.s32 $0x17200, s0;
	s3 =	ssub.s32 $0x2, s3  }
0xb: {  	s12 =	sor.u32 $0x1C0E, s26;
	s26 =	simm.s32 $0x9F00;
	s8 =	sshrl.u32 s1, $0x3  }
0xc: {  	s9 =	smul.u32 $0x4E, s7;
	s7 =	smax.u32 s7, $0x1C;
	s21 =	sshrl.u32 s3, $0x1  }
0xd: {  	s22 =	sadd.s32 s1, s2;
	s1 =	simm.s32 $0xA;
	[dreg:$0x8] =	wrdreg s12  }
0xe: {  	s8 =	sadd.s32 s8, s0;
	s5 =	sadd.s32 s5, s18;
	s3 =	ssub.s32 s3, s21  }
0xf: {  	s13 =	sshrl.u32 s22, $0x3;
	s18 =	simm.s32 $0x5F00;
	s22 =	simm.s32 $0x7F00  }
0x10: {  	s21 =	simm.s32 $0x6;
	s19 =	sadd.s32 s9, s7;
	s20 =	sadd.s32 s5, s0  }
0x11: {  	s5 =	simm.s32 $0x4F;
	s23 =	sadd.s32 $0x21600, s8;
	s25 =	smax.u32 s3, $0x1  }
0x12: {  	s7 =	simm.s32 $0x0;
	[dreg:$0x9] =	wrdreg s13;
	s6 =	sshll.u32 s19, $0x4  }
0x13: {  	s5 =	simm.s32 @!p0 $0x4E;
	[dreg:$0x5] =	wrdreg s23;
	s24 =	sadd.s32 $0x2B600, s20  }
0x14: {  	[dreg:$0x7] =	wrdreg s25;
	s20 =	simm.s32 $0x6F00;
	p0 =	slt.u32 s10, $0xE  }
0x15: {  	s19 =	simm.s32 $0xB;
	s23 =	simm.s32 $0xC;
	s0 =	sadd.s32 s0, s6  }
0x16: {  	s25 =	simm.s32 $0x7;
	[dreg:$0x6] =	wrdreg s24;
	s6 =	sadd.s32 $0x3040, s0  }
0x17: {  	s24 =	simm.s32 $0x8F00;
	s0 =	sadd.s32 $0xCC80, s0;
	[dreg:$0x3] =	wrdreg s6  }
0x18: {  	[dreg:$0x4] =	wrdreg s0;
	s0 =	simm.s32 $0x4;
	s6 =	simm.s32 $0xD  }
.LBB2_1:
0x19: {  	s3 =	simm.s32 $0x0;
	s8 =	rddreg [dreg:$0x3]  }
0x1a: {  	[tilespmem:s3], [sflag:$0x1] =	stream.linear.gather [hbm4b:s8+s3], $0x2780, $0x38;
	[tilespmem:$0xFF00] =	vst v63  }
0x1b: {  	s10 =	rddreg [dreg:$0x4];
	s9 =	simm.s32 $0x2780  }
0x1c: {  	[tilespmem:s9], [sflag:$0x1] =	stream.linear.gather [hbm4b:s10+s3], $0x2780, $0x38;
	[tilespmem:$0xFF00] =	vst v63  }
0x1d: {  	_ =	strace $0x80000051  }
0x1e: {  	s9 =	rddreg [dreg:$0x5]  }
0x1f: {  	[spmem:s13], [sflag:s12] =	dma.local [hbm:s9], $0xA00  }
0x20: {  	_ =	swait.ge [sflag:s14], $0xA00  }
0x21: {  	[sflag:s14] =	ssyncset.done $0x0  }
0x22: {  	[sflag:s14] =	ssyncadd.s32 $0xFFFFF600  }
0x23: {  	[bflag:$0x0] =	sbarrier.arrive $0xFFFF  }
0x24: {  	_ =	swait.ge [sflag:s15], $0x2780  }
0x25: {  	[sflag:s15] =	ssyncset.done $0x0  }
0x26: {  	[sflag:s15] =	ssyncadd.s32 $0xFFFFD880  }
0x27: {  	_ =	swait.ge [sflag:s15], $0x2780  }
0x28: {  	[sflag:s15] =	ssyncset.done $0x0  }
0x29: {  	[sflag:s15] =	ssyncadd.s32 $0xFFFFD880  }
0x2a: {  	_ =	strace $0x90000051  }
0x2b: {  	_ =	strace $0x80000052  }
0x2c: {  	[tilespmem:s17], [sflag:$0x2] =	stream.indirect.gather [hbm4b:s4+s16], $0x20, s3, s16, $0x2000b8;
	[tilespmem:$0xFF00] =	vst v63  }
0x2d: {  	_ = 	snop  }
0x2e: {  	[tilespmem:s18], [sflag:$0x3] =	stream.indirect.gather [hbm4b:s4+s16], $0x20, s16, s16, $0x2000b8;
	[tilespmem:$0xFF00] =	vst v63  }
0x2f: {  	s10 =	simm.s32 $0x100  }
0x30: {  	[tilespmem:s20], [sflag:$0x4] =	stream.indirect.gather [hbm4b:s4+s16], $0x20, s10, s16, $0x2000b8;
	[tilespmem:$0xFF00] =	vst v63  }
0x31: {  	s12 =	simm.s32 $0x180  }
0x32: {  	[tilespmem:s22], [sflag:$0x5] =	stream.indirect.gather [hbm4b:s4+s16], $0x20, s12, s16, $0x2000b8;
	[tilespmem:$0xFF00] =	vst v63  }
0x33: {  	s13 =	simm.s32 $0x200  }
0x34: {  	[tilespmem:s24], [sflag:$0x6] =	stream.indirect.gather [hbm4b:s4+s16], $0x20, s13, s16, $0x2000b8;
	[tilespmem:$0xFF00] =	vst v63  }
0x35: {  	s14 =	simm.s32 $0x280  }
0x36: {  	[tilespmem:s26], [sflag:$0x7] =	stream.indirect.gather [hbm4b:s4+s16], $0x20, s14, s16, $0x2000b8;
	[tilespmem:$0xFF00] =	vst v63  }
0x37: {  	_ =	swait.ge [sflag:s28], $0x1000  }
0x38: {  	[sflag:s28] =	ssyncset.done $0x0  }
0x39: {  	s8 =	simm.s32 $0x2780;
	[sflag:s28] =	ssyncadd.s32 $0xFFFFF000  }
0x3a: {  	[spmem:s2] =	stream.indirect.scatter.add.f32 [tilespmem:s17], [sflag:$0x8], $0x20, s8, s16, $0x2000b8;
	[tilespmem:$0xFF00] =	vst v63  }
0x3b: {  	p1 =	sle.u32 s5, $0x6;
	_ =	swait.ge [sflag:s29], $0x1000  }
0x3c: {  	s9 =	simm.s32 @!p1 $0x80;
	[sflag:s29] =	ssyncset.done $0x0  }
0x3d: {  	s3 =	simm.s32 @!p1 $0x4F00;
	s8 =	simm.s32 @!p1 $0x300;
	[sflag:s29] =	ssyncadd.s32 $0xFFFFF000  }
0x3e: {  	[tilespmem:s3], [sflag:$0x2] =	stream.indirect.gather @!p1 [hbm4b:s4+s9], $0x20, s8, s9, $0x2000b8;
	[tilespmem:$0xFF00] =	vst v63  }
0x3f: {  	_ =	swait.ge [sflag:s30], $0x1000  }
0x40: {  	[sflag:s30] =	ssyncset.done $0x0  }
0x41: {  	s9 =	simm.s32 $0x2800;
	[sflag:s30] =	ssyncadd.s32 $0xFFFFF000  }
0x42: {  	[spmem:s2] =	stream.indirect.scatter.add.f32 [tilespmem:s18], [sflag:$0x9], $0x20, s9, s16, $0x2000b8;
	[tilespmem:$0xFF00] =	vst v63  }
0x43: {  	p1 =	sle.u32 s5, $0x7;
	_ =	swait.ge [sflag:s31], $0x1000  }
0x44: {  	s3 =	simm.s32 @!p1 $0x5F00;
	[sflag:s31] =	ssyncset.done $0x0  }
0x45: {  	s8 =	simm.s32 @!p1 $0x380;
	s9 =	simm.s32 @!p1 $0x80;
	[sflag:s31] =	ssyncadd.s32 $0xFFFFF000  }
0x46: {  	[tilespmem:s3], [sflag:$0x3] =	stream.indirect.gather @!p1 [hbm4b:s4+s9], $0x20, s8, s9, $0x2000b8;
	[tilespmem:$0xFF00] =	vst v63  }
0x47: {  	_ =	swait.ge [sflag:s0], $0x1000  }
0x48: {  	[sflag:s0] =	ssyncset.done $0x0  }
0x49: {  	s10 =	simm.s32 $0x2880;
	[sflag:s0] =	ssyncadd.s32 $0xFFFFF000  }
0x4a: {  	[spmem:s2] =	stream.indirect.scatter.add.f32 [tilespmem:s20], [sflag:$0xA], $0x20, s10, s16, $0x2000b8;
	[tilespmem:$0xFF00] =	vst v63  }
0x4b: {  	p1 =	sle.u32 s5, $0x8;
	_ =	swait.ge [sflag:s1], $0x1000  }
0x4c: {  	s3 =	simm.s32 @!p1 $0x6F00;
	[sflag:s1] =	ssyncset.done $0x0  }
0x4d: {  	s8 =	simm.s32 @!p1 $0x400;
	s9 =	simm.s32 @!p1 $0x80;
	[sflag:s1] =	ssyncadd.s32 $0xFFFFF000  }
0x4e: {  	[tilespmem:s3], [sflag:$0x4] =	stream.indirect.gather @!p1 [hbm4b:s4+s9], $0x20, s8, s9, $0x2000b8;
	[tilespmem:$0xFF00] =	vst v63  }
0x4f: {  	_ =	swait.ge [sflag:s11], $0x1000  }
0x50: {  	[sflag:s11] =	ssyncset.done $0x0  }
0x51: {  	s12 =	simm.s32 $0x2900;
	[sflag:s11] =	ssyncadd.s32 $0xFFFFF000  }
0x52: {  	[spmem:s2] =	stream.indirect.scatter.add.f32 [tilespmem:s22], [sflag:$0xB], $0x20, s12, s16, $0x2000b8;
	[tilespmem:$0xFF00] =	vst v63  }
0x53: {  	p1 =	sle.u32 s5, $0x9;
	_ =	swait.ge [sflag:s19], $0x1000  }
0x54: {  	s3 =	simm.s32 @!p1 $0x7F00;
	[sflag:s19] =	ssyncset.done $0x0  }
0x55: {  	s8 =	simm.s32 @!p1 $0x480;
	s9 =	simm.s32 @!p1 $0x80;
	[sflag:s19] =	ssyncadd.s32 $0xFFFFF000  }
0x56: {  	[tilespmem:s3], [sflag:$0x5] =	stream.indirect.gather @!p1 [hbm4b:s4+s9], $0x20, s8, s9, $0x2000b8;
	[tilespmem:$0xFF00] =	vst v63  }
0x57: {  	_ =	swait.ge [sflag:s21], $0x1000  }
0x58: {  	[sflag:s21] =	ssyncset.done $0x0  }
0x59: {  	s13 =	simm.s32 $0x2980;
	[sflag:s21] =	ssyncadd.s32 $0xFFFFF000  }
0x5a: {  	[spmem:s2] =	stream.indirect.scatter.add.f32 [tilespmem:s24], [sflag:$0xC], $0x20, s13, s16, $0x2000b8;
	[tilespmem:$0xFF00] =	vst v63  }
0x5b: {  	p1 =	sle.u32 s5, $0xA;
	_ =	swait.ge [sflag:s23], $0x1000  }
0x5c: {  	s3 =	simm.s32 @!p1 $0x8F00;
	[sflag:s23] =	ssyncset.done $0x0  }
0x5d: {  	s8 =	simm.s32 @!p1 $0x500;
	s9 =	simm.s32 @!p1 $0x80;
	[sflag:s23] =	ssyncadd.s32 $0xFFFFF000  }
0x5e: {  	[tilespmem:s3], [sflag:$0x6] =	stream.indirect.gather @!p1 [hbm4b:s4+s9], $0x20, s8, s9, $0x2000b8;
	[tilespmem:$0xFF00] =	vst v63  }
0x5f: {  	_ =	swait.ge [sflag:s25], $0x1000  }
0x60: {  	[sflag:s25] =	ssyncset.done $0x0  }
0x61: {  	p2 =	sle.u32 s5, $0xB;
	s14 =	simm.s32 $0x2A00;
	[sflag:s25] =	ssyncadd.s32 $0xFFFFF000  }
0x62: {  	[spmem:s2] =	stream.indirect.scatter.add.f32 [tilespmem:s26], [sflag:$0xD], $0x20, s14, s16, $0x2000b8;
	[tilespmem:$0xFF00] =	vst v63  }
0x63: {  	s10 =	simm.s32 @!p2 $0x580;
	_ =	swait.ge [sflag:s6], $0x1000  }
0x64: {  	s12 =	simm.s32 @!p2 $0x80;
	s8 =	simm.s32 $0xC00;
	[sflag:s6] =	ssyncset.done $0x0  }
0x65: {  	s9 =	simm.s32 $0x11;
	s3 =	simm.s32 @!p2 $0x9F00;
	[sflag:s6] =	ssyncadd.s32 $0xFFFFF000  }
.LBB2_2:
0x66: {  	[tilespmem:s3], [sflag:$0x7] =	stream.indirect.gather @!p2 [hbm4b:s4+s12], $0x20, s10, s12, $0x2000b8;
	[tilespmem:$0xFF00] =	vst v63  }
0x67: {  	s10 =	smov.u32 s8;
	s8 =	sadd.s32 $0xC00, s8;
	_ =	swait.ge [sflag:s28], $0x1000  }
0x68: {  	s3 =	sshra.s32 s10, $0x2;
	p1 =	sne.s32 s8, $0x9C00;
	[sflag:s28] =	ssyncset.done $0x0  }
0x69: {  	s13 =	sadd.s32 $0xFFFFFFFB, s9;
	s12 =	sadd.s32 $0x2780, s3;
	[sflag:s28] =	ssyncadd.s32 $0xFFFFF000  }
0x6a: {  	[spmem:s2] =	stream.indirect.scatter.add.f32 [tilespmem:s17], [sflag:$0x8], $0x20, s12, s16, $0x2000b8;
	[tilespmem:$0xFF00] =	vst v63  }
0x6b: {  	p2 =	sge.u32 s13, s5;
	_ =	swait.ge [sflag:s29], $0x1000  }
0x6c: {  	s13 =	simm.s32 @!p2 $0x4F00;
	s12 =	sshra.s32 @!p2 s10, $0x2;
	[sflag:s29] =	ssyncset.done $0x0  }
0x6d: {  	s14 =	simm.s32 @!p2 $0x80;
	s12 =	sadd.s32 @!p2 $0x300, s12;
	[sflag:s29] =	ssyncadd.s32 $0xFFFFF000  }
0x6e: {  	[tilespmem:s13], [sflag:$0x2] =	stream.indirect.gather @!p2 [hbm4b:s4+s14], $0x20, s12, s14, $0x2000b8;
	[tilespmem:$0xFF00] =	vst v63  }
0x6f: {  	_ =	swait.ge [sflag:s30], $0x1000  }
0x70: {  	[sflag:s30] =	ssyncset.done $0x0  }
0x71: {  	s12 =	sadd.s32 $0x2800, s3;
	s13 =	sadd.s32 $0xFFFFFFFC, s9;
	[sflag:s30] =	ssyncadd.s32 $0xFFFFF000  }
0x72: {  	[spmem:s2] =	stream.indirect.scatter.add.f32 [tilespmem:s18], [sflag:$0x9], $0x20, s12, s16, $0x2000b8;
	[tilespmem:$0xFF00] =	vst v63  }
0x73: {  	p2 =	sge.u32 s13, s5;
	_ =	swait.ge [sflag:s31], $0x1000  }
0x74: {  	s13 =	simm.s32 @!p2 $0x5F00;
	s12 =	sshra.s32 @!p2 s10, $0x2;
	[sflag:s31] =	ssyncset.done $0x0  }
0x75: {  	s14 =	simm.s32 @!p2 $0x80;
	s12 =	sadd.s32 @!p2 $0x380, s12;
	[sflag:s31] =	ssyncadd.s32 $0xFFFFF000  }
0x76: {  	[tilespmem:s13], [sflag:$0x3] =	stream.indirect.gather @!p2 [hbm4b:s4+s14], $0x20, s12, s14, $0x2000b8;
	[tilespmem:$0xFF00] =	vst v63  }
0x77: {  	_ =	swait.ge [sflag:s0], $0x1000  }
0x78: {  	[sflag:s0] =	ssyncset.done $0x0  }
0x79: {  	s12 =	sadd.s32 $0x2880, s3;
	s13 =	sadd.s32 $0xFFFFFFFD, s9;
	[sflag:s0] =	ssyncadd.s32 $0xFFFFF000  }
0x7a: {  	[spmem:s2] =	stream.indirect.scatter.add.f32 [tilespmem:s20], [sflag:$0xA], $0x20, s12, s16, $0x2000b8;
	[tilespmem:$0xFF00] =	vst v63  }
0x7b: {  	p2 =	sge.u32 s13, s5;
	_ =	swait.ge [sflag:s1], $0x1000  }
0x7c: {  	s13 =	simm.s32 @!p2 $0x6F00;
	s12 =	sshra.s32 @!p2 s10, $0x2;
	[sflag:s1] =	ssyncset.done $0x0  }
0x7d: {  	s14 =	simm.s32 @!p2 $0x80;
	s12 =	sadd.s32 @!p2 $0x400, s12;
	[sflag:s1] =	ssyncadd.s32 $0xFFFFF000  }
0x7e: {  	[tilespmem:s13], [sflag:$0x4] =	stream.indirect.gather @!p2 [hbm4b:s4+s14], $0x20, s12, s14, $0x2000b8;
	[tilespmem:$0xFF00] =	vst v63  }
0x7f: {  	_ =	swait.ge [sflag:s11], $0x1000  }
0x80: {  	[sflag:s11] =	ssyncset.done $0x0  }
0x81: {  	s12 =	sadd.s32 $0x2900, s3;
	s13 =	sadd.s32 $0xFFFFFFFE, s9;
	[sflag:s11] =	ssyncadd.s32 $0xFFFFF000  }
0x82: {  	[spmem:s2] =	stream.indirect.scatter.add.f32 [tilespmem:s22], [sflag:$0xB], $0x20, s12, s16, $0x2000b8;
	[tilespmem:$0xFF00] =	vst v63  }
0x83: {  	p2 =	sge.u32 s13, s5;
	_ =	swait.ge [sflag:s19], $0x1000  }
0x84: {  	s13 =	simm.s32 @!p2 $0x7F00;
	s12 =	sshra.s32 @!p2 s10, $0x2;
	[sflag:s19] =	ssyncset.done $0x0  }
0x85: {  	s14 =	simm.s32 @!p2 $0x80;
	s12 =	sadd.s32 @!p2 $0x480, s12;
	[sflag:s19] =	ssyncadd.s32 $0xFFFFF000  }
0x86: {  	[tilespmem:s13], [sflag:$0x5] =	stream.indirect.gather @!p2 [hbm4b:s4+s14], $0x20, s12, s14, $0x2000b8;
	[tilespmem:$0xFF00] =	vst v63  }
0x87: {  	_ =	swait.ge [sflag:s21], $0x1000  }
0x88: {  	[sflag:s21] =	ssyncset.done $0x0  }
0x89: {  	s12 =	sadd.s32 $0x2980, s3;
	s13 =	sadd.s32 $0xFFFFFFFF, s9;
	[sflag:s21] =	ssyncadd.s32 $0xFFFFF000  }
0x8a: {  	[spmem:s2] =	stream.indirect.scatter.add.f32 [tilespmem:s24], [sflag:$0xC], $0x20, s12, s16, $0x2000b8;
	[tilespmem:$0xFF00] =	vst v63  }
0x8b: {  	p2 =	sge.u32 s13, s5;
	_ =	swait.ge [sflag:s23], $0x1000  }
0x8c: {  	s13 =	simm.s32 @!p2 $0x8F00;
	s12 =	sshra.s32 @!p2 s10, $0x2;
	[sflag:s23] =	ssyncset.done $0x0  }
0x8d: {  	s14 =	simm.s32 @!p2 $0x80;
	s12 =	sadd.s32 @!p2 $0x500, s12;
	[sflag:s23] =	ssyncadd.s32 $0xFFFFF000  }
0x8e: {  	[tilespmem:s13], [sflag:$0x6] =	stream.indirect.gather @!p2 [hbm4b:s4+s14], $0x20, s12, s14, $0x2000b8;
	[tilespmem:$0xFF00] =	vst v63  }
0x8f: {  	_ =	swait.ge [sflag:s25], $0x1000  }
0x90: {  	[sflag:s25] =	ssyncset.done $0x0  }
.Ltmp0:
0x91: {  	s3 =	sadd.s32 $0x2A00, s3;
	[sflag:s25] =	ssyncadd.s32 $0xFFFFF000;
	(pc) =	sbr.rel @p1 .LBB2_2-.Ltmp0, $4  }
0x92: {  	[spmem:s2] =	stream.indirect.scatter.add.f32 [tilespmem:s26], [sflag:$0xD], $0x20, s3, s16, $0x2000b8;
	[tilespmem:$0xFF00] =	vst v63  }
0x93: {  	p2 =	sge.u32 s9, s5;
	s9 =	sadd.s32 $0x6, s9;
	_ =	swait.ge [sflag:s6], $0x1000  }
0x94: {  	s10 =	sshra.s32 @!p2 s10, $0x2;
	s3 =	simm.s32 @!p2 $0x9F00;
	[sflag:s6] =	ssyncset.done $0x0  }
0x95: {  	s12 =	simm.s32 @!p2 $0x80;
	s10 =	sadd.s32 @!p2 $0x580, s10;
	[sflag:s6] =	ssyncadd.s32 $0xFFFFF000  }
0x96: {  	[tilespmem:s3], [sflag:$0x7] =	stream.indirect.gather @!p2 [hbm4b:s4+s12], $0x20, s10, s12, $0x2000b8;
	[tilespmem:$0xFF00] =	vst v63  }
0x97: {  	s3 =	simm.s32 @!p0 $0x2  }
0x98: {  	_ =	swait.ge @!p0 [sflag:s3], $0x1000  }
0x99: {  	s8 =	simm.s32 @!p0 $0x4E80;
	[sflag:s3] =	ssyncset.done @!p0 $0x0  }
0x9a: {  	s9 =	simm.s32 @!p0 $0x4F00;
	[sflag:s3] =	ssyncadd.s32 @!p0 $0xFFFFF000;
	s3 =	simm.s32 @!p0 $0x80  }
0x9b: {  	[spmem:s2] =	stream.indirect.scatter.add.f32 @!p0 [tilespmem:s9], [sflag:$0x8], $0x20, s8, s3, $0x2000b8;
	[tilespmem:$0xFF00] =	vst v63  }
0x9c: {  	s3 =	simm.s32 @!p0 $0x8  }
0x9d: {  	_ =	swait.ge @!p0 [sflag:s3], $0x1000  }
0x9e: {  	[sflag:s3] =	ssyncset.done @!p0 $0x0  }
0x9f: {  	[sflag:s3] =	ssyncadd.s32 @!p0 $0xFFFFF000  }
0xa0: {  	_ =	strace $0x90000052  }
0xa1: {  	_ =	strace $0x80000053  }
0xa2: {  	[bflag:$0x0] =	sbarrier.arrive $0xFFFF  }
0xa3: {  	s9 =	rddreg [dreg:$0x6]  }
0xa4: {  	s12 =	rddreg [dreg:$0x8]  }
0xa5: {  	s14 =	simm.s32 $0xE;
	s13 =	rddreg [dreg:$0x9]  }
0xa6: {  	[hbm:s9], [sflag:s12] =	dma.local [spmem:s13], $0xA00  }
0xa7: {  	_ =	swait.ge [sflag:s14], $0xA00  }
0xa8: {  	s7 =	sadd.s32 $0x1, s7;
	s10 =	rddreg [dreg:$0x7]  }
0xa9: {  	p1 =	sne.s32 s7, s10  }
.Ltmp1:
0xaa: {  	_ = 	snop;
	(pc) =	sbr.rel @p1 .LBB2_1-.Ltmp1, $4  }
0xab: {  	_ = 	snop  }
0xac: {  	[sflag:s14] =	ssyncset.done $0x0  }
0xad: {  	[sflag:s14] =	ssyncadd.s32 $0xFFFFF600  }
0xae: {  	_ =	strace $0x90000053  }
0xaf: {  	_ =	sfence.sel $0x180000  }
0xb0: {  	[bflag:$0x0] =	sbarrier.arrive $0xFFFF  }
0xb1: {  	_ =	strace $0x90000050  }
0xb2: {  	s0 =	stileid.u32;
	[bflag:$0x2] =	sbarrier.arrive $0xFFFF  }
0xb3: {  	p0 =	sne.s32 s0, $0x0;
	s0 =	rddreg [dreg:$0x2]  }
0xb4: {  	s0 =	sadd.s32 @!p0 $0x100000, s0  }
0xb5: {  	[sflag:s0] =	ssyncadd.tile.s32 @!p0 $0x1;
	_ =	shalt  }
.Lfunc_end2:
_tile_overlayer_lowered:
.L_overlay_start_2:
0xb6: {  	(tag) =	ssettag $0x2  }
0xb7: {  	s0 =	rddreg [dreg:$0x0];
	s2 =	stileid.u32  }
0xb8: {  	s1 =	rddreg [dreg:$0x1];
	p0 =	sne.s32 s2, $0x0  }
0xb9: {  	s3 =	rddreg [dreg:$0x2];
	[bflag:$0x3] =	sbarrier.arrive $0xFFFF;
	s2 =	simm.s32 @!p0 $0x1C0E  }
0xba: {  	[timem:s3], [sflag:s2] =	dma.local @!p0 [hbm:s0], s1  }
0xbb: {  	s0 =	simm.s32 @!p0 $0xE  }
0xbc: {  	_ =	swait.ge @!p0 [sflag:s0], s1  }
0xbd: {  	s1 =	ssub.s32 @!p0 $0x0, s1;
	[sflag:s0] =	ssyncset.done @!p0 $0x0  }
0xbe: {  	[sflag:s0] =	ssyncadd.s32 @!p0 s1  }
0xbf: {  	[bflag:$0x3] =	sbarrier.arrive $0xFFFF  }
0xc0: {  	_ =	shalt  }

// kernel: gcn_agg_64.3.cloned.1.call-start
scs
__scs_entry_jumppad:
0x0: {  	(pc) =	sbr.rel $0x88, $3  }
0x1: {  	(tag) =	ssettag $0x0;
	lr =	simm.s32 $0x1  }
0x2: {  	[smem:$0x3F94] =	sst lr;
	_ =	strace $0xD0000000  }
0x3: {  	_ = 	snop  }
0x4: {  	_ = 	snop  }
0x5: {  	_ = 	snop  }
0x6: {  	_ = 	snop  }
0x7: {  	_ = 	snop  }
__scs_overlays_trampoline_lowered:
0x8: {  	[smem:$0x3FA3] =	sst s0  }
0x9: {  	[smem:$0x3FA4] =	sst s1  }
0xa: {  	[smem:$0x3FA5] =	sst s2  }
0xb: {  	[smem:$0x3FA6] =	sst s3  }
0xc: {  	[smem:$0x3FA7] =	sst s4  }
0xd: {  	[smem:$0x3FA8] =	sst s5  }
0xe: {  	[smem:$0x3FA9] =	sst s6  }
0xf: {  	[smem:$0x3FAA] =	sst s7  }
0x10: {  	[smem:$0x3FAB] =	sst s8  }
0x11: {  	[smem:$0x3FAC] =	sst s9;
	s0 =	simm.s32 @!p0 $0x0  }
0x12: {  	s1 =	sld [smem:$0x3F92];
	s0 =	simm.s32 @p0 $0x1  }
0x13: {  	[smem:$0x3FAD] =	sst s0;
	s0 =	simm.s32 @!p1 $0x0  }
0x14: {  	s2 =	sld [smem:$0x3F91];
	s0 =	simm.s32 @p1 $0x1  }
0x15: {  	[smem:$0x3FAE] =	sst s0;
	s0 =	simm.s32 @!p2 $0x0  }
0x16: {  	s3 =	sld [smem:$0x3FDB];
	s0 =	simm.s32 @p2 $0x1  }
0x17: {  	s4 =	simm.s32 $0x1BF5;
	[smem:$0x3FB0] =	sst s0  }
0x18: {  	s0 =	sld [smem:$0x3F93];
	_ =	swait.ge [sflag:s4], $0x0  }
0x19: {  	s7 =	sld [smem:$0x3F94]  }
0x1a: {  	s8 =	sadd.s32 $0xFFFFE003, lr  }
0x1b: {  	s9 =	sadd.s32 $0xFFFFFEF7, lr;
	s5 =	simm.s32 $0xFFFFFFFF;
	p2 =	slt.u32 s8, $0xFFFFF086  }
0x1c: {  	p1 =	slt.u32 s9, $0xF7A;
	s5 =	simm.s32 @!p2 $0x0  }
0x1d: {  	s5 =	simm.s32 @p1 $0x1;
	p0 =	seq.s32 s7, s2  }
0x1e: {  	s7 =	smul.u32 @!p0 $0xF7A, s2;
	p2 =	seq.s32 @!p0 s5, $0x0  }
0x1f: {  	s9 =	smul.u32 $0xF7A, s1;
	s8 =	simm.s32 @!p0 $0x1BF5;
	p2 =	por !p2, p0  }
0x20: {  	[sflag:s8] =	ssyncset.s32 @!p0 $0xFFFFF086;
	s6 =	sadd.s32 @!p0 s3, s7;
	s7 =	simm.s32 @!p0 $0x108  }
0x21: {  	s3 =	sadd.s32 s3, s9;
	s6 =	sadd.s32 @!p0 $0x88, s6;
	s7 =	simm.s32 @p2 $0x1082  }
0x22: {  	[simem:s7], [sflag:s8] =	dma.local @!p0 [hbm:s6], $0xF7A  }
0x23: {  	s9 =	sor.u32 $0xD0000000, s2;
	s6 =	simm.s32 $0x108;
	_ =	swait.ge @!p0 [sflag:s8], $0x0  }
0x24: {  	s3 =	sadd.s32 $0x88, s3;
	s6 =	simm.s32 @!p1 $0x1082;
	[sflag:s4] =	ssyncset.s32 $0xFFFFF086  }
0x25: {  	[simem:s6], [sflag:s4] =	dma.local [hbm:s3], $0xF7A  }
0x26: {  	[smem:$0x3F94] =	sst s1;
	(tag) =	ssettag s2;
	_ =	strace s9  }
0x27: {  	s1 =	sld [smem:$0x3FA4]  }
0x28: {  	s2 =	sld [smem:$0x3FA5]  }
0x29: {  	s4 =	sld [smem:$0x3FA7]  }
0x2a: {  	p0 =	seq.s32 s5, $0x0;
	s5 =	sld [smem:$0x3FA8]  }
0x2b: {  	s6 =	sld [smem:$0x3FA9]  }
0x2c: {  	s7 =	sld [smem:$0x3FAA]  }
0x2d: {  	s3 =	simm.s32 $0x108;
	s8 =	sld [smem:$0x3FAB]  }
0x2e: {  	s3 =	simm.s32 @!p0 $0x1082;
	s9 =	sld [smem:$0x3FAC]  }
0x2f: {  	lr =	sadd.s32 s0, s3;
	s0 =	sld [smem:$0x3FA3]  }
0x30: {  	s3 =	sld [smem:$0x3FA6]  }
0x31: {  	[smem:$0x3FAF] =	sst s10  }
0x32: {  	s10 =	sld [smem:$0x3FAD];
	_ =	sdelay $0x3  }
0x33: {  	p0 =	seq.s32 s10, $0x1;
	s10 =	sld [smem:$0x3FAF];
	_ =	sdelay $0x3  }
0x34: {  	[smem:$0x3FAF] =	sst s10  }
0x35: {  	s10 =	sld [smem:$0x3FAE];
	_ =	sdelay $0x3  }
0x36: {  	p1 =	seq.s32 s10, $0x1;
	s10 =	sld [smem:$0x3FAF];
	_ =	sdelay $0x3  }
0x37: {  	[smem:$0x3FAF] =	sst s10  }
0x38: {  	s10 =	sld [smem:$0x3FB0]  }
0x39: {  	_ = 	snop;
	(pc) =	sbr.ind lr, $3  }
0x3a: {  	_ = 	snop  }
0x3b: {  	_ = 	snop  }
0x3c: {  	p2 =	seq.s32 s10, $0x1;
	s10 =	sld [smem:$0x3FAF]  }
0x3d: {  	_ =	shalt  }
0x3e: {  	_ =	shalt  }
0x3f: {  	_ =	shalt  }
0x40: {  	_ =	shalt  }
0x41: {  	_ =	shalt  }
0x42: {  	_ =	shalt  }
0x43: {  	_ =	shalt  }
0x44: {  	_ =	shalt  }
0x45: {  	_ =	shalt  }
0x46: {  	_ =	shalt  }
0x47: {  	_ =	shalt  }
0x48: {  	_ =	shalt  }
0x49: {  	_ =	shalt  }
0x4a: {  	_ =	shalt  }
0x4b: {  	_ =	shalt  }
0x4c: {  	_ =	shalt  }
0x4d: {  	_ =	shalt  }
0x4e: {  	_ =	shalt  }
0x4f: {  	_ =	shalt  }
0x50: {  	_ =	shalt  }
0x51: {  	_ =	shalt  }
0x52: {  	_ =	shalt  }
0x53: {  	_ =	shalt  }
0x54: {  	_ =	shalt  }
0x55: {  	_ =	shalt  }
0x56: {  	_ =	shalt  }
0x57: {  	_ =	shalt  }
0x58: {  	_ =	shalt  }
0x59: {  	_ =	shalt  }
0x5a: {  	_ =	shalt  }
0x5b: {  	_ =	shalt  }
0x5c: {  	_ =	shalt  }
0x5d: {  	_ =	shalt  }
0x5e: {  	_ =	shalt  }
0x5f: {  	_ =	shalt  }
0x60: {  	_ =	shalt  }
0x61: {  	_ =	shalt  }
0x62: {  	_ =	shalt  }
0x63: {  	_ =	shalt  }
0x64: {  	_ =	shalt  }
0x65: {  	_ =	shalt  }
0x66: {  	_ =	shalt  }
0x67: {  	_ =	shalt  }
0x68: {  	_ =	shalt  }
0x69: {  	_ =	shalt  }
0x6a: {  	_ =	shalt  }
0x6b: {  	_ =	shalt  }
0x6c: {  	_ =	shalt  }
0x6d: {  	_ =	shalt  }
0x6e: {  	_ =	shalt  }
0x6f: {  	_ =	shalt  }
0x70: {  	_ =	shalt  }
0x71: {  	_ =	shalt  }
0x72: {  	_ =	shalt  }
0x73: {  	_ =	shalt  }
0x74: {  	_ =	shalt  }
0x75: {  	_ =	shalt  }
0x76: {  	_ =	shalt  }
0x77: {  	_ =	shalt  }
0x78: {  	_ =	shalt  }
0x79: {  	_ =	shalt  }
0x7a: {  	_ =	shalt  }
0x7b: {  	_ =	shalt  }
0x7c: {  	_ =	shalt  }
0x7d: {  	_ =	shalt  }
0x7e: {  	_ =	shalt  }
0x7f: {  	_ =	shalt  }
0x80: {  	_ =	shalt  }
0x81: {  	_ =	shalt  }
0x82: {  	_ =	shalt  }
0x83: {  	_ =	shalt  }
0x84: {  	_ =	shalt  }
0x85: {  	_ =	shalt  }
0x86: {  	_ =	shalt  }
0x87: {  	_ =	shalt  }
.Lfunc_end0:
.L_simem_size_0:
called_computation.1_lowered:
.L_overlay_start_0:
0x88: {  	s2 =	sld [smem:$0x3FD9]  }
0x89: {  	s3 =	sld [smem:$0x3FFE];
	_ =	sdelay $0x1  }
0x8a: {  	s1 =	srdreg.scid  }
0x8b: {  	s0 =	sand.u32 $0x1, s1  }
0x8c: {  	s16 =	sshll.u32 s0, $0xA;
	s2 =	sadd.s32 s3, s2  }
0x8d: {  	s2 =	sadd.s32 s2, s16  }
0x8e: {  	[smem:$0x3FBB] =	sst s2  }
0x8f: {  	_ = 	snop  }
0x90: {  	(tm) =	ssettm $0x1  }
0x91: {  	s17 =	sld [smem:$0x3FFB];
	_ =	sdelay $0x3  }
0x92: {  	_ =	strace s17  }
0x93: {  	s2 =	sld [smem:$0x3FFC];
	_ =	sdelay $0x3  }
0x94: {  	_ =	strace s2  }
0x95: {  	s2 =	sld [smem:$0x3FFD];
	_ =	sdelay $0x3  }
0x96: {  	_ =	strace s2  }
0x97: {  	_ =	strace $0x8FFFFFFF  }
0x98: {  	s18 =	sld [smem:$0x3FDB];
	_ =	sdelay $0x1  }
0x99: {  	s19 =	simm.s32 $_scs_section_size  }
0x9a: {  	s4 =	simm.s32 $_size__tile_overlayer_lowered;
	s5 =	simm.s32 $_tile_overlayer_lowered  }
0x9b: {  	s22 =	simm.s32 $0x1BFF;
	s21 =	sshll.u32 s5, $0x1;
	s2 =	sadd.s32 s19, s18  }
0x9c: {  	s6 =	simm.s32 $0x0;
	s20 =	sshll.u32 s4, $0x1;
	s4 =	sadd.s32 s21, s2  }
0x9d: {  	[timem:s6], [sflag:s22] =	dma.local [hbm:s4], s20  }
0x9e: {  	_ =	swait.ge [sflag:s22], s20  }
0x9f: {  	s3 =	ssub.s32 $0x0, s20;
	[sflag:s22] =	ssyncset.done $0x0  }
0xa0: {  	[sflag:s22] =	ssyncadd.s32 s3;
	_ =	sdelay $0x1  }
0xa1: {  	s23 =	simm.s32 $0x1B8B  }
0xa2: {  	_ =	swait.ge [sflag:s23], $0x1  }
0xa3: {  	[sflag:s23] =	ssyncset.done $0x0  }
0xa4: {  	s25 =	simm.s32 $0x1B8E;
	s24 =	sld [smem:$0x3FFE];
	[sflag:s23] =	ssyncadd.s32 $0xFFFFFFFF  }
0xa5: {  	s26 =	simm.s32 $execute0_lowered;
	[smem:$0x3FD2] =	sst s25  }
0xa6: {  	s4 =	sshll.u32 s26, $0x1;
	_ =	strace $0x80000049;
	[dreg:$0x1] =	wrdreg $0xFFFFFFFF  }
0xa7: {  	s28 =	simm.s32 $_size_execute0_lowered;
	s2 =	sadd.s32 s2, s4;
	[dreg:$0x0] =	wrdreg $0x0  }
0xa8: {  	s4 =	sshll.u32 s28, $0x1;
	[dreg:$0x2] =	wrdreg s2  }
0xa9: {  	[dreg:$0x3] =	wrdreg s4  }
0xaa: {  	[dreg:$0x4] =	wrdreg $0xC0  }
0xab: {  	_ =	task [dreg:s6], $0x5FFFF  }
0xac: {  	[dreg:$0x1] =	wrdreg $0xFFFFFFFF  }
0xad: {  	[dreg:$0x0] =	wrdreg $0x60  }
0xae: {  	[dreg:$0x2] =	wrdreg s24  }
0xaf: {  	[dreg:$0x3] =	wrdreg $0x10F000  }
0xb0: {  	[dreg:$0x4] =	wrdreg $0x9  }
0xb1: {  	_ =	task.clear_ibuf [dreg:s6], $0x5FFFF;
	_ =	strace $0x90000049  }
0xb2: {  	s29 =	simm.s32 $0x9;
	_ =	strace $0x8000004E  }
0xb3: {  	_ =	swait.ge [sflag:s29], $0x1  }
0xb4: {  	[sflag:s29] =	ssyncadd.s32 $0xFFFFFFFF  }
0xb5: {  	_ =	strace $0x9000004E  }
0xb6: {  	_ =	sfence  }
0xb7: {  	s30 =	sld [smem:$0x0];
	_ =	sdelay $0x2  }
0xb8: {  	s31 =	sshll.u32 s1, $0xD;
	s1 =	sshrl.u32 s1, $0x2  }
0xb9: {  	s3 =	sand.u32 $0x4000, s31;
	s1 =	sadd.s32 s1, s30  }
0xba: {  	s0 =	sor.u32 s3, s0;
	s1 =	sshll.u32 s1, $0x11  }
0xbb: {  	s0 =	sor.u32 s1, s0  }
0xbc: {  	s0 =	sadd.s32 $0x8F2B, s0  }
0xbd: {  	[sflag:s0] =	ssyncadd.remote.s32 $0x1  }
0xbe: {  	_ =	sfence.sel $0xFFFF  }
0xbf: {  	[dreg:$0x0] =	wrdreg $0xFFFFFFFF;
	(pc) =	sbr.abs _section_cstart, $3  }
0xc0: {  	[dreg:$0x1] =	wrdreg $0xFFFFFFFF  }
0xc1: {  	_ =	task.clear_ibuf [dreg:s6], $0x2FFFF;
	_ =	strace $0x9FFFFFFF  }
0xc2: {  	(tm) =	ssettm $0x7FFFFFFF  }
0xc3: {  	_ =	shalt  }
tec
execute0_lowered:
.L_overlay_start_1:
0x0: {  	(tag) =	ssettag $0x1  }
0x1: {  	s0 =	rddreg [dreg:$0x0]  }
0x2: {  	s2 =	rddreg [dreg:$0x1]  }
0x3: {  	s10 =	stileid.u32;
	s6 =	simm.s32 $0x0;
	s3 =	srdreg.scid  }
0x4: {  	s14 =	simm.s32 $0xE;
	s15 =	simm.s32 $0x1;
	s16 =	simm.s32 $0x80  }
0x5: {  	s17 =	simm.s32 $0x4F00;
	s28 =	simm.s32 $0x2;
	s29 =	simm.s32 $0x8  }
0x6: {  	s30 =	simm.s32 $0x3;
	s31 =	simm.s32 $0x9;
	s1 =	smul.u32 $0xA000, s10  }
0x7: {  	s11 =	simm.s32 $0x5;
	s3 =	sand.u32 $0x1, s3;
	s5 =	smul.u32 $0x1400, s10  }
0x8: {  	s4 =	sshll.u32 s10, $0x1;
	[smem:$0x7FF] =	sst s6;
	p0 =	sgt.u32 s10, $0xD  }
0x9: {  	s26 =	sshll.u32 s10, $0x6;
	s18 =	smul.u32 $0x14000, s3;
	s7 =	sor.u32 s3, s4  }
0xa: {  	_ =	strace $0x8000004A;
	s4 =	sadd.s32 $0x21600, s0;
	s3 =	ssub.s32 $0x2, s3  }
0xb: {  	s12 =	sor.u32 $0x1C0E, s26;
	s26 =	simm.s32 $0xEF00;
	s8 =	sshrl.u32 s1, $0x3  }
0xc: {  	s9 =	smul.u32 $0x4E, s7;
	s7 =	smax.u32 s7, $0x1C;
	s21 =	sshrl.u32 s3, $0x1  }
0xd: {  	s22 =	sadd.s32 s1, s2;
	s1 =	simm.s32 $0xA;
	[dreg:$0x8] =	wrdreg s12  }
0xe: {  	s8 =	sadd.s32 s8, s0;
	s5 =	sadd.s32 s5, s18;
	s3 =	ssub.s32 s3, s21  }
0xf: {  	s13 =	sshrl.u32 s22, $0x3;
	s18 =	simm.s32 $0x6F00;
	s22 =	simm.s32 $0xAF00  }
0x10: {  	s21 =	simm.s32 $0x6;
	s19 =	sadd.s32 s9, s7;
	s20 =	sadd.s32 s5, s0  }
0x11: {  	s5 =	simm.s32 $0x4F;
	s23 =	sadd.s32 $0x35600, s8;
	s25 =	smax.u32 s3, $0x1  }
0x12: {  	s7 =	simm.s32 $0x0;
	[dreg:$0x9] =	wrdreg s13;
	s6 =	sshll.u32 s19, $0x4  }
0x13: {  	s5 =	simm.s32 @!p0 $0x4E;
	[dreg:$0x5] =	wrdreg s23;
	s24 =	sadd.s32 $0x49600, s20  }
0x14: {  	[dreg:$0x7] =	wrdreg s25;
	s20 =	simm.s32 $0x8F00;
	p0 =	slt.u32 s10, $0xE  }
0x15: {  	s19 =	simm.s32 $0xB;
	s23 =	simm.s32 $0xC;
	s0 =	sadd.s32 s0, s6  }
0x16: {  	s25 =	simm.s32 $0x7;
	[dreg:$0x6] =	wrdreg s24;
	s6 =	sadd.s32 $0x3040, s0  }
0x17: {  	s24 =	simm.s32 $0xCF00;
	s0 =	sadd.s32 $0xCC80, s0;
	[dreg:$0x3] =	wrdreg s6  }
0x18: {  	[dreg:$0x4] =	wrdreg s0;
	s0 =	simm.s32 $0x4;
	s6 =	simm.s32 $0xD  }
.LBB2_1:
0x19: {  	s3 =	simm.s32 $0x0;
	s8 =	rddreg [dreg:$0x3]  }
0x1a: {  	[tilespmem:s3], [sflag:$0x1] =	stream.linear.gather [hbm4b:s8+s3], $0x2780, $0x38;
	[tilespmem:$0x1AF00] =	vst v63  }
0x1b: {  	s10 =	rddreg [dreg:$0x4];
	s9 =	simm.s32 $0x2780  }
0x1c: {  	[tilespmem:s9], [sflag:$0x1] =	stream.linear.gather [hbm4b:s10+s3], $0x2780, $0x38;
	[tilespmem:$0x1AF00] =	vst v63  }
0x1d: {  	_ =	strace $0x8000004B  }
0x1e: {  	s9 =	rddreg [dreg:$0x5]  }
0x1f: {  	[spmem:s13], [sflag:s12] =	dma.local [hbm:s9], $0x1400  }
0x20: {  	_ =	swait.ge [sflag:s14], $0x1400  }
0x21: {  	[sflag:s14] =	ssyncset.done $0x0  }
0x22: {  	[sflag:s14] =	ssyncadd.s32 $0xFFFFEC00  }
0x23: {  	[bflag:$0x0] =	sbarrier.arrive $0xFFFF  }
0x24: {  	_ =	swait.ge [sflag:s15], $0x2780  }
0x25: {  	[sflag:s15] =	ssyncset.done $0x0  }
0x26: {  	[sflag:s15] =	ssyncadd.s32 $0xFFFFD880  }
0x27: {  	_ =	swait.ge [sflag:s15], $0x2780  }
0x28: {  	[sflag:s15] =	ssyncset.done $0x0  }
0x29: {  	[sflag:s15] =	ssyncadd.s32 $0xFFFFD880  }
0x2a: {  	_ =	strace $0x9000004B  }
0x2b: {  	_ =	strace $0x8000004C  }
0x2c: {  	[tilespmem:s17], [sflag:$0x2] =	stream.indirect.gather [hbm4b:s4+s16], $0x40, s3, s16, $0x2000b8;
	[tilespmem:$0x1AF00] =	vst v63  }
0x2d: {  	_ = 	snop  }
0x2e: {  	[tilespmem:s18], [sflag:$0x3] =	stream.indirect.gather [hbm4b:s4+s16], $0x40, s16, s16, $0x2000b8;
	[tilespmem:$0x1AF00] =	vst v63  }
0x2f: {  	s10 =	simm.s32 $0x100  }
0x30: {  	[tilespmem:s20], [sflag:$0x4] =	stream.indirect.gather [hbm4b:s4+s16], $0x40, s10, s16, $0x2000b8;
	[tilespmem:$0x1AF00] =	vst v63  }
0x31: {  	s12 =	simm.s32 $0x180  }
0x32: {  	[tilespmem:s22], [sflag:$0x5] =	stream.indirect.gather [hbm4b:s4+s16], $0x40, s12, s16, $0x2000b8;
	[tilespmem:$0x1AF00] =	vst v63  }
0x33: {  	s13 =	simm.s32 $0x200  }
0x34: {  	[tilespmem:s24], [sflag:$0x6] =	stream.indirect.gather [hbm4b:s4+s16], $0x40, s13, s16, $0x2000b8;
	[tilespmem:$0x1AF00] =	vst v63  }
0x35: {  	s14 =	simm.s32 $0x280  }
0x36: {  	[tilespmem:s26], [sflag:$0x7] =	stream.indirect.gather [hbm4b:s4+s16], $0x40, s14, s16, $0x2000b8;
	[tilespmem:$0x1AF00] =	vst v63  }
0x37: {  	_ =	swait.ge [sflag:s28], $0x2000  }
0x38: {  	[sflag:s28] =	ssyncset.done $0x0  }
0x39: {  	s8 =	simm.s32 $0x2780;
	[sflag:s28] =	ssyncadd.s32 $0xFFFFE000  }
0x3a: {  	[spmem:s2] =	stream.indirect.scatter.add.f32 [tilespmem:s17], [sflag:$0x8], $0x40, s8, s16, $0x2000b8;
	[tilespmem:$0x1AF00] =	vst v63  }
0x3b: {  	p1 =	sle.u32 s5, $0x6;
	_ =	swait.ge [sflag:s29], $0x2000  }
0x3c: {  	s9 =	simm.s32 @!p1 $0x80;
	[sflag:s29] =	ssyncset.done $0x0  }
0x3d: {  	s3 =	simm.s32 @!p1 $0x4F00;
	s8 =	simm.s32 @!p1 $0x300;
	[sflag:s29] =	ssyncadd.s32 $0xFFFFE000  }
0x3e: {  	[tilespmem:s3], [sflag:$0x2] =	stream.indirect.gather @!p1 [hbm4b:s4+s9], $0x40, s8, s9, $0x2000b8;
	[tilespmem:$0x1AF00] =	vst v63  }
0x3f: {  	_ =	swait.ge [sflag:s30], $0x2000  }
0x40: {  	[sflag:s30] =	ssyncset.done $0x0  }
0x41: {  	s9 =	simm.s32 $0x2800;
	[sflag:s30] =	ssyncadd.s32 $0xFFFFE000  }
0x42: {  	[spmem:s2] =	stream.indirect.scatter.add.f32 [tilespmem:s18], [sflag:$0x9], $0x40, s9, s16, $0x2000b8;
	[tilespmem:$0x1AF00] =	vst v63  }
0x43: {  	p1 =	sle.u32 s5, $0x7;
	_ =	swait.ge [sflag:s31], $0x2000  }
0x44: {  	s3 =	simm.s32 @!p1 $0x6F00;
	[sflag:s31] =	ssyncset.done $0x0  }
0x45: {  	s8 =	simm.s32 @!p1 $0x380;
	s9 =	simm.s32 @!p1 $0x80;
	[sflag:s31] =	ssyncadd.s32 $0xFFFFE000  }
0x46: {  	[tilespmem:s3], [sflag:$0x3] =	stream.indirect.gather @!p1 [hbm4b:s4+s9], $0x40, s8, s9, $0x2000b8;
	[tilespmem:$0x1AF00] =	vst v63  }
0x47: {  	_ =	swait.ge [sflag:s0], $0x2000  }
0x48: {  	[sflag:s0] =	ssyncset.done $0x0  }
0x49: {  	s10 =	simm.s32 $0x2880;
	[sflag:s0] =	ssyncadd.s32 $0xFFFFE000  }
0x4a: {  	[spmem:s2] =	stream.indirect.scatter.add.f32 [tilespmem:s20], [sflag:$0xA], $0x40, s10, s16, $0x2000b8;
	[tilespmem:$0x1AF00] =	vst v63  }
0x4b: {  	p1 =	sle.u32 s5, $0x8;
	_ =	swait.ge [sflag:s1], $0x2000  }
0x4c: {  	s3 =	simm.s32 @!p1 $0x8F00;
	[sflag:s1] =	ssyncset.done $0x0  }
0x4d: {  	s8 =	simm.s32 @!p1 $0x400;
	s9 =	simm.s32 @!p1 $0x80;
	[sflag:s1] =	ssyncadd.s32 $0xFFFFE000  }
0x4e: {  	[tilespmem:s3], [sflag:$0x4] =	stream.indirect.gather @!p1 [hbm4b:s4+s9], $0x40, s8, s9, $0x2000b8;
	[tilespmem:$0x1AF00] =	vst v63  }
0x4f: {  	_ =	swait.ge [sflag:s11], $0x2000  }
0x50: {  	[sflag:s11] =	ssyncset.done $0x0  }
0x51: {  	s12 =	simm.s32 $0x2900;
	[sflag:s11] =	ssyncadd.s32 $0xFFFFE000  }
0x52: {  	[spmem:s2] =	stream.indirect.scatter.add.f32 [tilespmem:s22], [sflag:$0xB], $0x40, s12, s16, $0x2000b8;
	[tilespmem:$0x1AF00] =	vst v63  }
0x53: {  	p1 =	sle.u32 s5, $0x9;
	_ =	swait.ge [sflag:s19], $0x2000  }
0x54: {  	s3 =	simm.s32 @!p1 $0xAF00;
	[sflag:s19] =	ssyncset.done $0x0  }
0x55: {  	s8 =	simm.s32 @!p1 $0x480;
	s9 =	simm.s32 @!p1 $0x80;
	[sflag:s19] =	ssyncadd.s32 $0xFFFFE000  }
0x56: {  	[tilespmem:s3], [sflag:$0x5] =	stream.indirect.gather @!p1 [hbm4b:s4+s9], $0x40, s8, s9, $0x2000b8;
	[tilespmem:$0x1AF00] =	vst v63  }
0x57: {  	_ =	swait.ge [sflag:s21], $0x2000  }
0x58: {  	[sflag:s21] =	ssyncset.done $0x0  }
0x59: {  	s13 =	simm.s32 $0x2980;
	[sflag:s21] =	ssyncadd.s32 $0xFFFFE000  }
0x5a: {  	[spmem:s2] =	stream.indirect.scatter.add.f32 [tilespmem:s24], [sflag:$0xC], $0x40, s13, s16, $0x2000b8;
	[tilespmem:$0x1AF00] =	vst v63  }
0x5b: {  	p1 =	sle.u32 s5, $0xA;
	_ =	swait.ge [sflag:s23], $0x2000  }
0x5c: {  	s3 =	simm.s32 @!p1 $0xCF00;
	[sflag:s23] =	ssyncset.done $0x0  }
0x5d: {  	s8 =	simm.s32 @!p1 $0x500;
	s9 =	simm.s32 @!p1 $0x80;
	[sflag:s23] =	ssyncadd.s32 $0xFFFFE000  }
0x5e: {  	[tilespmem:s3], [sflag:$0x6] =	stream.indirect.gather @!p1 [hbm4b:s4+s9], $0x40, s8, s9, $0x2000b8;
	[tilespmem:$0x1AF00] =	vst v63  }
0x5f: {  	_ =	swait.ge [sflag:s25], $0x2000  }
0x60: {  	[sflag:s25] =	ssyncset.done $0x0  }
0x61: {  	p2 =	sle.u32 s5, $0xB;
	s14 =	simm.s32 $0x2A00;
	[sflag:s25] =	ssyncadd.s32 $0xFFFFE000  }
0x62: {  	[spmem:s2] =	stream.indirect.scatter.add.f32 [tilespmem:s26], [sflag:$0xD], $0x40, s14, s16, $0x2000b8;
	[tilespmem:$0x1AF00] =	vst v63  }
0x63: {  	s10 =	simm.s32 @!p2 $0x580;
	_ =	swait.ge [sflag:s6], $0x2000  }
0x64: {  	s12 =	simm.s32 @!p2 $0x80;
	s8 =	simm.s32 $0xC00;
	[sflag:s6] =	ssyncset.done $0x0  }
0x65: {  	s9 =	simm.s32 $0x11;
	s3 =	simm.s32 @!p2 $0xEF00;
	[sflag:s6] =	ssyncadd.s32 $0xFFFFE000  }
.LBB2_2:
0x66: {  	[tilespmem:s3], [sflag:$0x7] =	stream.indirect.gather @!p2 [hbm4b:s4+s12], $0x40, s10, s12, $0x2000b8;
	[tilespmem:$0x1AF00] =	vst v63  }
0x67: {  	s10 =	smov.u32 s8;
	s8 =	sadd.s32 $0xC00, s8;
	_ =	swait.ge [sflag:s28], $0x2000  }
0x68: {  	s3 =	sshra.s32 s10, $0x2;
	p1 =	sne.s32 s8, $0x9C00;
	[sflag:s28] =	ssyncset.done $0x0  }
0x69: {  	s13 =	sadd.s32 $0xFFFFFFFB, s9;
	s12 =	sadd.s32 $0x2780, s3;
	[sflag:s28] =	ssyncadd.s32 $0xFFFFE000  }
0x6a: {  	[spmem:s2] =	stream.indirect.scatter.add.f32 [tilespmem:s17], [sflag:$0x8], $0x40, s12, s16, $0x2000b8;
	[tilespmem:$0x1AF00] =	vst v63  }
0x6b: {  	p2 =	sge.u32 s13, s5;
	_ =	swait.ge [sflag:s29], $0x2000  }
0x6c: {  	s13 =	simm.s32 @!p2 $0x4F00;
	s12 =	sshra.s32 @!p2 s10, $0x2;
	[sflag:s29] =	ssyncset.done $0x0  }
0x6d: {  	s14 =	simm.s32 @!p2 $0x80;
	s12 =	sadd.s32 @!p2 $0x300, s12;
	[sflag:s29] =	ssyncadd.s32 $0xFFFFE000  }
0x6e: {  	[tilespmem:s13], [sflag:$0x2] =	stream.indirect.gather @!p2 [hbm4b:s4+s14], $0x40, s12, s14, $0x2000b8;
	[tilespmem:$0x1AF00] =	vst v63  }
0x6f: {  	_ =	swait.ge [sflag:s30], $0x2000  }
0x70: {  	[sflag:s30] =	ssyncset.done $0x0  }
0x71: {  	s12 =	sadd.s32 $0x2800, s3;
	s13 =	sadd.s32 $0xFFFFFFFC, s9;
	[sflag:s30] =	ssyncadd.s32 $0xFFFFE000  }
0x72: {  	[spmem:s2] =	stream.indirect.scatter.add.f32 [tilespmem:s18], [sflag:$0x9], $0x40, s12, s16, $0x2000b8;
	[tilespmem:$0x1AF00] =	vst v63  }
0x73: {  	p2 =	sge.u32 s13, s5;
	_ =	swait.ge [sflag:s31], $0x2000  }
0x74: {  	s13 =	simm.s32 @!p2 $0x6F00;
	s12 =	sshra.s32 @!p2 s10, $0x2;
	[sflag:s31] =	ssyncset.done $0x0  }
0x75: {  	s14 =	simm.s32 @!p2 $0x80;
	s12 =	sadd.s32 @!p2 $0x380, s12;
	[sflag:s31] =	ssyncadd.s32 $0xFFFFE000  }
0x76: {  	[tilespmem:s13], [sflag:$0x3] =	stream.indirect.gather @!p2 [hbm4b:s4+s14], $0x40, s12, s14, $0x2000b8;
	[tilespmem:$0x1AF00] =	vst v63  }
0x77: {  	_ =	swait.ge [sflag:s0], $0x2000  }
0x78: {  	[sflag:s0] =	ssyncset.done $0x0  }
0x79: {  	s12 =	sadd.s32 $0x2880, s3;
	s13 =	sadd.s32 $0xFFFFFFFD, s9;
	[sflag:s0] =	ssyncadd.s32 $0xFFFFE000  }
0x7a: {  	[spmem:s2] =	stream.indirect.scatter.add.f32 [tilespmem:s20], [sflag:$0xA], $0x40, s12, s16, $0x2000b8;
	[tilespmem:$0x1AF00] =	vst v63  }
0x7b: {  	p2 =	sge.u32 s13, s5;
	_ =	swait.ge [sflag:s1], $0x2000  }
0x7c: {  	s13 =	simm.s32 @!p2 $0x8F00;
	s12 =	sshra.s32 @!p2 s10, $0x2;
	[sflag:s1] =	ssyncset.done $0x0  }
0x7d: {  	s14 =	simm.s32 @!p2 $0x80;
	s12 =	sadd.s32 @!p2 $0x400, s12;
	[sflag:s1] =	ssyncadd.s32 $0xFFFFE000  }
0x7e: {  	[tilespmem:s13], [sflag:$0x4] =	stream.indirect.gather @!p2 [hbm4b:s4+s14], $0x40, s12, s14, $0x2000b8;
	[tilespmem:$0x1AF00] =	vst v63  }
0x7f: {  	_ =	swait.ge [sflag:s11], $0x2000  }
0x80: {  	[sflag:s11] =	ssyncset.done $0x0  }
0x81: {  	s12 =	sadd.s32 $0x2900, s3;
	s13 =	sadd.s32 $0xFFFFFFFE, s9;
	[sflag:s11] =	ssyncadd.s32 $0xFFFFE000  }
0x82: {  	[spmem:s2] =	stream.indirect.scatter.add.f32 [tilespmem:s22], [sflag:$0xB], $0x40, s12, s16, $0x2000b8;
	[tilespmem:$0x1AF00] =	vst v63  }
0x83: {  	p2 =	sge.u32 s13, s5;
	_ =	swait.ge [sflag:s19], $0x2000  }
0x84: {  	s13 =	simm.s32 @!p2 $0xAF00;
	s12 =	sshra.s32 @!p2 s10, $0x2;
	[sflag:s19] =	ssyncset.done $0x0  }
0x85: {  	s14 =	simm.s32 @!p2 $0x80;
	s12 =	sadd.s32 @!p2 $0x480, s12;
	[sflag:s19] =	ssyncadd.s32 $0xFFFFE000  }
0x86: {  	[tilespmem:s13], [sflag:$0x5] =	stream.indirect.gather @!p2 [hbm4b:s4+s14], $0x40, s12, s14, $0x2000b8;
	[tilespmem:$0x1AF00] =	vst v63  }
0x87: {  	_ =	swait.ge [sflag:s21], $0x2000  }
0x88: {  	[sflag:s21] =	ssyncset.done $0x0  }
0x89: {  	s12 =	sadd.s32 $0x2980, s3;
	s13 =	sadd.s32 $0xFFFFFFFF, s9;
	[sflag:s21] =	ssyncadd.s32 $0xFFFFE000  }
0x8a: {  	[spmem:s2] =	stream.indirect.scatter.add.f32 [tilespmem:s24], [sflag:$0xC], $0x40, s12, s16, $0x2000b8;
	[tilespmem:$0x1AF00] =	vst v63  }
0x8b: {  	p2 =	sge.u32 s13, s5;
	_ =	swait.ge [sflag:s23], $0x2000  }
0x8c: {  	s13 =	simm.s32 @!p2 $0xCF00;
	s12 =	sshra.s32 @!p2 s10, $0x2;
	[sflag:s23] =	ssyncset.done $0x0  }
0x8d: {  	s14 =	simm.s32 @!p2 $0x80;
	s12 =	sadd.s32 @!p2 $0x500, s12;
	[sflag:s23] =	ssyncadd.s32 $0xFFFFE000  }
0x8e: {  	[tilespmem:s13], [sflag:$0x6] =	stream.indirect.gather @!p2 [hbm4b:s4+s14], $0x40, s12, s14, $0x2000b8;
	[tilespmem:$0x1AF00] =	vst v63  }
0x8f: {  	_ =	swait.ge [sflag:s25], $0x2000  }
0x90: {  	[sflag:s25] =	ssyncset.done $0x0  }
.Ltmp0:
0x91: {  	s3 =	sadd.s32 $0x2A00, s3;
	[sflag:s25] =	ssyncadd.s32 $0xFFFFE000;
	(pc) =	sbr.rel @p1 .LBB2_2-.Ltmp0, $4  }
0x92: {  	[spmem:s2] =	stream.indirect.scatter.add.f32 [tilespmem:s26], [sflag:$0xD], $0x40, s3, s16, $0x2000b8;
	[tilespmem:$0x1AF00] =	vst v63  }
0x93: {  	p2 =	sge.u32 s9, s5;
	s9 =	sadd.s32 $0x6, s9;
	_ =	swait.ge [sflag:s6], $0x2000  }
0x94: {  	s10 =	sshra.s32 @!p2 s10, $0x2;
	s3 =	simm.s32 @!p2 $0xEF00;
	[sflag:s6] =	ssyncset.done $0x0  }
0x95: {  	s12 =	simm.s32 @!p2 $0x80;
	s10 =	sadd.s32 @!p2 $0x580, s10;
	[sflag:s6] =	ssyncadd.s32 $0xFFFFE000  }
0x96: {  	[tilespmem:s3], [sflag:$0x7] =	stream.indirect.gather @!p2 [hbm4b:s4+s12], $0x40, s10, s12, $0x2000b8;
	[tilespmem:$0x1AF00] =	vst v63  }
0x97: {  	s3 =	simm.s32 @!p0 $0x2  }
0x98: {  	_ =	swait.ge @!p0 [sflag:s3], $0x2000  }
0x99: {  	s8 =	simm.s32 @!p0 $0x4E80;
	[sflag:s3] =	ssyncset.done @!p0 $0x0  }
0x9a: {  	s9 =	simm.s32 @!p0 $0x4F00;
	[sflag:s3] =	ssyncadd.s32 @!p0 $0xFFFFE000;
	s3 =	simm.s32 @!p0 $0x80  }
0x9b: {  	[spmem:s2] =	stream.indirect.scatter.add.f32 @!p0 [tilespmem:s9], [sflag:$0x8], $0x40, s8, s3, $0x2000b8;
	[tilespmem:$0x1AF00] =	vst v63  }
0x9c: {  	s3 =	simm.s32 @!p0 $0x8  }
0x9d: {  	_ =	swait.ge @!p0 [sflag:s3], $0x2000  }
0x9e: {  	[sflag:s3] =	ssyncset.done @!p0 $0x0  }
0x9f: {  	[sflag:s3] =	ssyncadd.s32 @!p0 $0xFFFFE000  }
0xa0: {  	_ =	strace $0x9000004C  }
0xa1: {  	_ =	strace $0x8000004D  }
0xa2: {  	[bflag:$0x0] =	sbarrier.arrive $0xFFFF  }
0xa3: {  	s9 =	rddreg [dreg:$0x6]  }
0xa4: {  	s12 =	rddreg [dreg:$0x8]  }
0xa5: {  	s14 =	simm.s32 $0xE;
	s13 =	rddreg [dreg:$0x9]  }
0xa6: {  	[hbm:s9], [sflag:s12] =	dma.local [spmem:s13], $0x1400  }
0xa7: {  	_ =	swait.ge [sflag:s14], $0x1400  }
0xa8: {  	s7 =	sadd.s32 $0x1, s7;
	s10 =	rddreg [dreg:$0x7]  }
0xa9: {  	p1 =	sne.s32 s7, s10  }
.Ltmp1:
0xaa: {  	_ = 	snop;
	(pc) =	sbr.rel @p1 .LBB2_1-.Ltmp1, $4  }
0xab: {  	_ = 	snop  }
0xac: {  	[sflag:s14] =	ssyncset.done $0x0  }
0xad: {  	[sflag:s14] =	ssyncadd.s32 $0xFFFFEC00  }
0xae: {  	_ =	strace $0x9000004D  }
0xaf: {  	_ =	sfence.sel $0x180000  }
0xb0: {  	[bflag:$0x0] =	sbarrier.arrive $0xFFFF  }
0xb1: {  	_ =	strace $0x9000004A  }
0xb2: {  	s0 =	stileid.u32;
	[bflag:$0x2] =	sbarrier.arrive $0xFFFF  }
0xb3: {  	p0 =	sne.s32 s0, $0x0;
	s0 =	rddreg [dreg:$0x2]  }
0xb4: {  	s0 =	sadd.s32 @!p0 $0x100000, s0  }
0xb5: {  	[sflag:s0] =	ssyncadd.tile.s32 @!p0 $0x1;
	_ =	shalt  }
.Lfunc_end2:
_tile_overlayer_lowered:
.L_overlay_start_2:
0xb6: {  	(tag) =	ssettag $0x2  }
0xb7: {  	s0 =	rddreg [dreg:$0x0];
	s2 =	stileid.u32  }
0xb8: {  	s1 =	rddreg [dreg:$0x1];
	p0 =	sne.s32 s2, $0x0  }
0xb9: {  	s3 =	rddreg [dreg:$0x2];
	[bflag:$0x3] =	sbarrier.arrive $0xFFFF;
	s2 =	simm.s32 @!p0 $0x1C0E  }
0xba: {  	[timem:s3], [sflag:s2] =	dma.local @!p0 [hbm:s0], s1  }
0xbb: {  	s0 =	simm.s32 @!p0 $0xE  }
0xbc: {  	_ =	swait.ge @!p0 [sflag:s0], s1  }
0xbd: {  	s1 =	ssub.s32 @!p0 $0x0, s1;
	[sflag:s0] =	ssyncset.done @!p0 $0x0  }
0xbe: {  	[sflag:s0] =	ssyncadd.s32 @!p0 s1  }
0xbf: {  	[bflag:$0x3] =	sbarrier.arrive $0xFFFF  }
0xc0: {  	_ =	shalt  }

// kernel: kernel.8.cloned.1.call-start
scs
__scs_entry_jumppad:
0x0: {  	(pc) =	sbr.rel $0x88, $3  }
0x1: {  	(tag) =	ssettag $0x0;
	lr =	simm.s32 $0x1  }
0x2: {  	[smem:$0x3F94] =	sst lr;
	_ =	strace $0xD0000000  }
0x3: {  	_ = 	snop  }
0x4: {  	_ = 	snop  }
0x5: {  	_ = 	snop  }
0x6: {  	_ = 	snop  }
0x7: {  	_ = 	snop  }
__scs_overlays_trampoline_lowered:
0x8: {  	[smem:$0x3FA3] =	sst s0  }
0x9: {  	[smem:$0x3FA4] =	sst s1  }
0xa: {  	[smem:$0x3FA5] =	sst s2  }
0xb: {  	[smem:$0x3FA6] =	sst s3  }
0xc: {  	[smem:$0x3FA7] =	sst s4  }
0xd: {  	[smem:$0x3FA8] =	sst s5  }
0xe: {  	[smem:$0x3FA9] =	sst s6  }
0xf: {  	[smem:$0x3FAA] =	sst s7  }
0x10: {  	[smem:$0x3FAB] =	sst s8  }
0x11: {  	[smem:$0x3FAC] =	sst s9;
	s0 =	simm.s32 @!p0 $0x0  }
0x12: {  	s1 =	sld [smem:$0x3F92];
	s0 =	simm.s32 @p0 $0x1  }
0x13: {  	[smem:$0x3FAD] =	sst s0;
	s0 =	simm.s32 @!p1 $0x0  }
0x14: {  	s2 =	sld [smem:$0x3F91];
	s0 =	simm.s32 @p1 $0x1  }
0x15: {  	[smem:$0x3FAE] =	sst s0;
	s0 =	simm.s32 @!p2 $0x0  }
0x16: {  	s3 =	sld [smem:$0x3FDB];
	s0 =	simm.s32 @p2 $0x1  }
0x17: {  	s4 =	simm.s32 $0x1BF5;
	[smem:$0x3FB0] =	sst s0  }
0x18: {  	s0 =	sld [smem:$0x3F93];
	_ =	swait.ge [sflag:s4], $0x0  }
0x19: {  	s7 =	sld [smem:$0x3F94]  }
0x1a: {  	s8 =	sadd.s32 $0xFFFFE003, lr  }
0x1b: {  	s9 =	sadd.s32 $0xFFFFFEF7, lr;
	s5 =	simm.s32 $0xFFFFFFFF;
	p2 =	slt.u32 s8, $0xFFFFF086  }
0x1c: {  	p1 =	slt.u32 s9, $0xF7A;
	s5 =	simm.s32 @!p2 $0x0  }
0x1d: {  	s5 =	simm.s32 @p1 $0x1;
	p0 =	seq.s32 s7, s2  }
0x1e: {  	s7 =	smul.u32 @!p0 $0xF7A, s2;
	p2 =	seq.s32 @!p0 s5, $0x0  }
0x1f: {  	s9 =	smul.u32 $0xF7A, s1;
	s8 =	simm.s32 @!p0 $0x1BF5;
	p2 =	por !p2, p0  }
0x20: {  	[sflag:s8] =	ssyncset.s32 @!p0 $0xFFFFF086;
	s6 =	sadd.s32 @!p0 s3, s7;
	s7 =	simm.s32 @!p0 $0x108  }
0x21: {  	s3 =	sadd.s32 s3, s9;
	s6 =	sadd.s32 @!p0 $0x88, s6;
	s7 =	simm.s32 @p2 $0x1082  }
0x22: {  	[simem:s7], [sflag:s8] =	dma.local @!p0 [hbm:s6], $0xF7A  }
0x23: {  	s9 =	sor.u32 $0xD0000000, s2;
	s6 =	simm.s32 $0x108;
	_ =	swait.ge @!p0 [sflag:s8], $0x0  }
0x24: {  	s3 =	sadd.s32 $0x88, s3;
	s6 =	simm.s32 @!p1 $0x1082;
	[sflag:s4] =	ssyncset.s32 $0xFFFFF086  }
0x25: {  	[simem:s6], [sflag:s4] =	dma.local [hbm:s3], $0xF7A  }
0x26: {  	[smem:$0x3F94] =	sst s1;
	(tag) =	ssettag s2;
	_ =	strace s9  }
0x27: {  	s1 =	sld [smem:$0x3FA4]  }
0x28: {  	s2 =	sld [smem:$0x3FA5]  }
0x29: {  	s4 =	sld [smem:$0x3FA7]  }
0x2a: {  	p0 =	seq.s32 s5, $0x0;
	s5 =	sld [smem:$0x3FA8]  }
0x2b: {  	s6 =	sld [smem:$0x3FA9]  }
0x2c: {  	s7 =	sld [smem:$0x3FAA]  }
0x2d: {  	s3 =	simm.s32 $0x108;
	s8 =	sld [smem:$0x3FAB]  }
0x2e: {  	s3 =	simm.s32 @!p0 $0x1082;
	s9 =	sld [smem:$0x3FAC]  }
0x2f: {  	lr =	sadd.s32 s0, s3;
	s0 =	sld [smem:$0x3FA3]  }
0x30: {  	s3 =	sld [smem:$0x3FA6]  }
0x31: {  	[smem:$0x3FAF] =	sst s10  }
0x32: {  	s10 =	sld [smem:$0x3FAD];
	_ =	sdelay $0x3  }
0x33: {  	p0 =	seq.s32 s10, $0x1;
	s10 =	sld [smem:$0x3FAF];
	_ =	sdelay $0x3  }
0x34: {  	[smem:$0x3FAF] =	sst s10  }
0x35: {  	s10 =	sld [smem:$0x3FAE];
	_ =	sdelay $0x3  }
0x36: {  	p1 =	seq.s32 s10, $0x1;
	s10 =	sld [smem:$0x3FAF];
	_ =	sdelay $0x3  }
0x37: {  	[smem:$0x3FAF] =	sst s10  }
0x38: {  	s10 =	sld [smem:$0x3FB0]  }
0x39: {  	_ = 	snop;
	(pc) =	sbr.ind lr, $3  }
0x3a: {  	_ = 	snop  }
0x3b: {  	_ = 	snop  }
0x3c: {  	p2 =	seq.s32 s10, $0x1;
	s10 =	sld [smem:$0x3FAF]  }
0x3d: {  	_ =	shalt  }
0x3e: {  	_ =	shalt  }
0x3f: {  	_ =	shalt  }
0x40: {  	_ =	shalt  }
0x41: {  	_ =	shalt  }
0x42: {  	_ =	shalt  }
0x43: {  	_ =	shalt  }
0x44: {  	_ =	shalt  }
0x45: {  	_ =	shalt  }
0x46: {  	_ =	shalt  }
0x47: {  	_ =	shalt  }
0x48: {  	_ =	shalt  }
0x49: {  	_ =	shalt  }
0x4a: {  	_ =	shalt  }
0x4b: {  	_ =	shalt  }
0x4c: {  	_ =	shalt  }
0x4d: {  	_ =	shalt  }
0x4e: {  	_ =	shalt  }
0x4f: {  	_ =	shalt  }
0x50: {  	_ =	shalt  }
0x51: {  	_ =	shalt  }
0x52: {  	_ =	shalt  }
0x53: {  	_ =	shalt  }
0x54: {  	_ =	shalt  }
0x55: {  	_ =	shalt  }
0x56: {  	_ =	shalt  }
0x57: {  	_ =	shalt  }
0x58: {  	_ =	shalt  }
0x59: {  	_ =	shalt  }
0x5a: {  	_ =	shalt  }
0x5b: {  	_ =	shalt  }
0x5c: {  	_ =	shalt  }
0x5d: {  	_ =	shalt  }
0x5e: {  	_ =	shalt  }
0x5f: {  	_ =	shalt  }
0x60: {  	_ =	shalt  }
0x61: {  	_ =	shalt  }
0x62: {  	_ =	shalt  }
0x63: {  	_ =	shalt  }
0x64: {  	_ =	shalt  }
0x65: {  	_ =	shalt  }
0x66: {  	_ =	shalt  }
0x67: {  	_ =	shalt  }
0x68: {  	_ =	shalt  }
0x69: {  	_ =	shalt  }
0x6a: {  	_ =	shalt  }
0x6b: {  	_ =	shalt  }
0x6c: {  	_ =	shalt  }
0x6d: {  	_ =	shalt  }
0x6e: {  	_ =	shalt  }
0x6f: {  	_ =	shalt  }
0x70: {  	_ =	shalt  }
0x71: {  	_ =	shalt  }
0x72: {  	_ =	shalt  }
0x73: {  	_ =	shalt  }
0x74: {  	_ =	shalt  }
0x75: {  	_ =	shalt  }
0x76: {  	_ =	shalt  }
0x77: {  	_ =	shalt  }
0x78: {  	_ =	shalt  }
0x79: {  	_ =	shalt  }
0x7a: {  	_ =	shalt  }
0x7b: {  	_ =	shalt  }
0x7c: {  	_ =	shalt  }
0x7d: {  	_ =	shalt  }
0x7e: {  	_ =	shalt  }
0x7f: {  	_ =	shalt  }
0x80: {  	_ =	shalt  }
0x81: {  	_ =	shalt  }
0x82: {  	_ =	shalt  }
0x83: {  	_ =	shalt  }
0x84: {  	_ =	shalt  }
0x85: {  	_ =	shalt  }
0x86: {  	_ =	shalt  }
0x87: {  	_ =	shalt  }
.Lfunc_end0:
.L_simem_size_0:
called_computation_lowered:
.L_overlay_start_0:
0x88: {  	s2 =	sld [smem:$0x3FD9]  }
0x89: {  	s3 =	sld [smem:$0x3FFE];
	_ =	sdelay $0x1  }
0x8a: {  	s1 =	srdreg.scid  }
0x8b: {  	s0 =	sand.u32 $0x1, s1  }
0x8c: {  	s16 =	sshll.u32 s0, $0xA;
	s2 =	sadd.s32 s3, s2  }
0x8d: {  	s2 =	sadd.s32 s2, s16  }
0x8e: {  	[smem:$0x3FBB] =	sst s2  }
0x8f: {  	_ = 	snop  }
0x90: {  	(tm) =	ssettm $0x1  }
0x91: {  	s17 =	sld [smem:$0x3FFB];
	_ =	sdelay $0x3  }
0x92: {  	_ =	strace s17  }
0x93: {  	s2 =	sld [smem:$0x3FFC];
	_ =	sdelay $0x3  }
0x94: {  	_ =	strace s2  }
0x95: {  	s2 =	sld [smem:$0x3FFD];
	_ =	sdelay $0x3  }
0x96: {  	_ =	strace s2  }
0x97: {  	_ =	strace $0x8FFFFFFF  }
0x98: {  	s18 =	sld [smem:$0x3FDB];
	_ =	sdelay $0x1  }
0x99: {  	s19 =	simm.s32 $_scs_section_size  }
0x9a: {  	s4 =	simm.s32 $_size__tile_overlayer_lowered;
	s5 =	simm.s32 $_tile_overlayer_lowered  }
0x9b: {  	s22 =	simm.s32 $0x1BFF;
	s21 =	sshll.u32 s5, $0x1;
	s2 =	sadd.s32 s19, s18  }
0x9c: {  	s6 =	simm.s32 $0x0;
	s20 =	sshll.u32 s4, $0x1;
	s4 =	sadd.s32 s21, s2  }
0x9d: {  	[timem:s6], [sflag:s22] =	dma.local [hbm:s4], s20  }
0x9e: {  	_ =	swait.ge [sflag:s22], s20  }
0x9f: {  	s3 =	ssub.s32 $0x0, s20;
	[sflag:s22] =	ssyncset.done $0x0  }
0xa0: {  	[sflag:s22] =	ssyncadd.s32 s3;
	_ =	sdelay $0x1  }
0xa1: {  	s23 =	simm.s32 $0x1B8B  }
0xa2: {  	_ =	swait.ge [sflag:s23], $0x1  }
0xa3: {  	[sflag:s23] =	ssyncset.done $0x0  }
0xa4: {  	s25 =	simm.s32 $0x1B8E;
	s24 =	sld [smem:$0x3FFE];
	[sflag:s23] =	ssyncadd.s32 $0xFFFFFFFF  }
0xa5: {  	s26 =	simm.s32 $execute0_lowered;
	[smem:$0x3FD2] =	sst s25  }
0xa6: {  	s4 =	sshll.u32 s26, $0x1;
	_ =	strace $0x80000046;
	[dreg:$0x1] =	wrdreg $0xFFFFFFFF  }
0xa7: {  	s28 =	simm.s32 $_size_execute0_lowered;
	s2 =	sadd.s32 s2, s4;
	[dreg:$0x0] =	wrdreg $0x0  }
0xa8: {  	s4 =	sshll.u32 s28, $0x1;
	[dreg:$0x2] =	wrdreg s2  }
0xa9: {  	[dreg:$0x3] =	wrdreg s4  }
0xaa: {  	[dreg:$0x4] =	wrdreg $0xC0  }
0xab: {  	_ =	task [dreg:s6], $0x5FFFF  }
0xac: {  	[dreg:$0x1] =	wrdreg $0xFFFFFFFF  }
0xad: {  	[dreg:$0x0] =	wrdreg $0x60  }
0xae: {  	[dreg:$0x2] =	wrdreg s24  }
0xaf: {  	[dreg:$0x3] =	wrdreg $0x9  }
0xb0: {  	_ =	task.clear_ibuf [dreg:s6], $0x4FFFF;
	_ =	strace $0x90000046  }
0xb1: {  	s29 =	simm.s32 $0x9;
	_ =	strace $0x80000048  }
0xb2: {  	_ =	swait.ge [sflag:s29], $0x1  }
0xb3: {  	[sflag:s29] =	ssyncadd.s32 $0xFFFFFFFF  }
0xb4: {  	_ =	strace $0x90000048  }
0xb5: {  	_ =	sfence  }
0xb6: {  	s30 =	sld [smem:$0x0];
	_ =	sdelay $0x2  }
0xb7: {  	s31 =	sshll.u32 s1, $0xD;
	s1 =	sshrl.u32 s1, $0x2  }
0xb8: {  	s3 =	sand.u32 $0x4000, s31;
	s1 =	sadd.s32 s1, s30  }
0xb9: {  	s0 =	sor.u32 s3, s0;
	s1 =	sshll.u32 s1, $0x11  }
0xba: {  	s0 =	sor.u32 s1, s0  }
0xbb: {  	s0 =	sadd.s32 $0x8F2B, s0  }
0xbc: {  	[sflag:s0] =	ssyncadd.remote.s32 $0x1  }
0xbd: {  	_ =	sfence.sel $0xFFFF  }
0xbe: {  	[dreg:$0x0] =	wrdreg $0xFFFFFFFF;
	(pc) =	sbr.abs _section_cstart, $3  }
0xbf: {  	[dreg:$0x1] =	wrdreg $0xFFFFFFFF  }
0xc0: {  	_ =	task.clear_ibuf [dreg:s6], $0x2FFFF;
	_ =	strace $0x9FFFFFFF  }
0xc1: {  	(tm) =	ssettm $0x7FFFFFFF  }
tec
execute0_lowered:
.L_overlay_start_1:
0x0: {  	(tag) =	ssettag $0x1  }
0x1: {  	s1 =	srdreg.scid;
	s0 =	stileid.u32  }
0x2: {  	s4 =	rddreg [dreg:$0x0];
	s2 =	simm.s32 $0x0;
	s11 =	simm.s32 $0x28C0  }
0x3: {  	s12 =	simm.s32 $0x50C0;
	s3 =	sand.u32 $0x1, s1;
	s28 =	sshll.u32 s0, $0x1  }
0x4: {  	s13 =	simm.s32 $0x2;
	s1 =	rddreg [dreg:$0x1];
	s5 =	sor.u32 s3, s28  }
0x5: {  	s14 =	simm.s32 $0x0;
	[smem:$0x7FF] =	sst s2;
	s6 =	smul.u32 $0x28, s5  }
0x6: {  	p0 =	sgt.u32 s0, $0xD;
	s3 =	ssub.s32 $0x2, s3;
	s7 =	smul.u32 $0x500, s5  }
0x7: {  	_ =	strace $0x80000047;
	s8 =	smul.u32 $0x4E, s5;
	s10 =	sshrl.u32 s3, $0x1  }
0x8: {  	s9 =	smul.u32 $0x12, s5;
	s5 =	smax.u32 s5, $0x1C;
	s30 =	ssub.s32 s3, s10  }
0x9: {  	s3 =	simm.s32 $0x278;
	s10 =	simm.s32 $0x1;
	s6 =	sadd.s32 s6, s4  }
0xa: {  	s7 =	sadd.s32 s7, s4;
	s5 =	sadd.s32 s8, s5;
	s29 =	sadd.s32 s9, s4  }
0xb: {  	s3 =	simm.s32 @!p0 $0x270;
	s8 =	smax.u32 s30, $0x1;
	s31 =	sshll.u32 s5, $0x4  }
0xc: {  	s9 =	simm.s32 $0x2780;
	s5 =	sadd.s32 $0x16C00, s6;
	s4 =	sadd.s32 s4, s31  }
0xd: {  	v0 =	vimm.f32 $0.0e+00;
	v1 =	vimm.f32 $1.000000000e+00;
	s6 =	sadd.s32 $0x17200, s7;
	s7 =	sadd.s32 $0x21200, s29;
	s4 =	sadd.s32 $0xCC80, s4  }
.LBB2_1:
0xe: {  	[tilespmem:s2], [sflag:$0x1] =	stream.linear.gather [hbm4b:s4+s2], $0x2780, $0x38;
	[tilespmem:$0x5150] =	vst v63  }
0xf: {  	s15 =	simm.s32 $0x40;
	s16 =	simm.s32 $0x0  }
0x10: {  	[tilespmem:s9], [sflag:$0x1] =	stream.linear.gather [hbm4b:s5+s2], $0x140, $0x38;
	[tilespmem:$0x5150] =	vst v63  }
.LBB2_2:
0x11: {  	p0 =	sne.s32 s15, $0x9FC0;
	[tilespmem:s16+$0x28C0] =	vst v0;
	s16 =	smov.u32 s15;
	s15 =	sadd.s32 $0x40, s15  }
.Ltmp0:
0x12: {  	(pc) =	sbr.rel @p0 .LBB2_2-.Ltmp0, $2  }
0x13: {  	_ =	sdelay $0x2  }
0x14: {  	s16 =	sshra.s32 s16, $0x2  }
0x15: {  	[tilespmem:s16+$0x28C0] =	vst v0  }
0x16: {  	[tilespmem:$0x50C0] =	vst v0  }
0x17: {  	[tilespmem:$0x50D0] =	vst v0  }
0x18: {  	[tilespmem:$0x50E0] =	vst v0  }
0x19: {  	[tilespmem:$0x50F0] =	vst v0  }
0x1a: {  	[tilespmem:$0x5100] =	vst v0  }
0x1b: {  	[tilespmem:$0x5110] =	vst v0  }
0x1c: {  	[tilespmem:$0x5120] =	vst v0  }
0x1d: {  	[tilespmem:$0x5130] =	vst v0  }
0x1e: {  	[tilespmem:$0x5140] =	vst v0  }
0x1f: {  	_ =	swait.ge [sflag:s10], $0x2780  }
0x20: {  	p0 =	sne.s32 s3, $0x1;
	[sflag:s10] =	ssyncset.done $0x0  }
.Ltmp1:
0x21: {  	[sflag:s10] =	ssyncadd.s32 $0xFFFFD880;
	(pc) =	sbr.rel @!p0 .LBB2_5-.Ltmp1, $4  }
0x22: {  	_ =	swait.ge [sflag:s10], $0x140  }
0x23: {  	[sflag:s10] =	ssyncset.done $0x0  }
0x24: {  	s15 =	simm.s32 $0x0;
	[sflag:s10] =	ssyncadd.s32 $0xFFFFFEC0  }
0x25: {  	s16 =	simm.s32 $0x1;
	v2 =	vld [tilespmem:s15+$0x0]  }
.LBB2_4:
0x26: {  	_ =	sdelay $0x1  }
0x27: {  	s16 =	sadd.s32 $0x1, s16  }
0x28: {  	p0 =	sne.s32 s3, s16  }
.Ltmp2:
0x29: {  	_ = 	snop;
	(pc) =	sbr.rel @p0 .LBB2_4-.Ltmp2, $3  }
0x2a: {  	_ =	sdelay $0x1  }
0x2b: {  	s15 =	sadd.s32 $0x10, s15;
	[tilespmem:v2+s11+$0x0] =	vst.idx.add.f32.msk $0xffff, v1  }
0x2c: {  	v2 =	vld [tilespmem:s15+$0x0]  }
.LBB2_5:
0x2d: {  	_ =	sdelay $0x7  }
0x2e: {  	[tilespmem:v2+s11+$0x0] =	vst.idx.add.f32.msk $0xffff, v1  }
0x2f: {  	v2 =	vld [tilespmem:$0x2780];
	_ =	sdelay $0x7  }
0x30: {  	[tilespmem:v2+s12+$0x0] =	vst.idx.add.f32.msk $0xffff, v1  }
0x31: {  	v2 =	vld [tilespmem:$0x2790];
	_ =	sdelay $0x7  }
0x32: {  	[tilespmem:v2+s12+$0x0] =	vst.idx.add.f32.msk $0xffff, v1  }
0x33: {  	v2 =	vld [tilespmem:$0x27A0];
	_ =	sdelay $0x7  }
0x34: {  	[tilespmem:v2+s12+$0x0] =	vst.idx.add.f32.msk $0xffff, v1  }
0x35: {  	v2 =	vld [tilespmem:$0x27B0];
	_ =	sdelay $0x7  }
0x36: {  	[tilespmem:v2+s12+$0x0] =	vst.idx.add.f32.msk $0xffff, v1  }
0x37: {  	v2 =	vld [tilespmem:$0x27C0];
	_ =	sdelay $0x7  }
0x38: {  	[tilespmem:v2+s12+$0x0] =	vst.idx.add.f32.msk $0xffff, v1  }
0x39: {  	v2 =	vld [tilespmem:$0x27D0];
	_ =	sdelay $0x7  }
0x3a: {  	[tilespmem:v2+s12+$0x0] =	vst.idx.add.f32.msk $0xffff, v1  }
0x3b: {  	v2 =	vld [tilespmem:$0x27E0];
	_ =	sdelay $0x7  }
0x3c: {  	[tilespmem:v2+s12+$0x0] =	vst.idx.add.f32.msk $0xffff, v1  }
0x3d: {  	v2 =	vld [tilespmem:$0x27F0];
	_ =	sdelay $0x7  }
0x3e: {  	[tilespmem:v2+s12+$0x0] =	vst.idx.add.f32.msk $0xffff, v1  }
0x3f: {  	v2 =	vld [tilespmem:$0x2800];
	_ =	sdelay $0x7  }
0x40: {  	[tilespmem:v2+s12+$0x0] =	vst.idx.add.f32.msk $0xffff, v1  }
0x41: {  	v2 =	vld [tilespmem:$0x2810];
	_ =	sdelay $0x7  }
0x42: {  	[tilespmem:v2+s12+$0x0] =	vst.idx.add.f32.msk $0xffff, v1  }
0x43: {  	v2 =	vld [tilespmem:$0x2820];
	_ =	sdelay $0x7  }
0x44: {  	[tilespmem:v2+s12+$0x0] =	vst.idx.add.f32.msk $0xffff, v1  }
0x45: {  	v2 =	vld [tilespmem:$0x2830];
	_ =	sdelay $0x7  }
0x46: {  	[tilespmem:v2+s12+$0x0] =	vst.idx.add.f32.msk $0xffff, v1  }
0x47: {  	v2 =	vld [tilespmem:$0x2840];
	_ =	sdelay $0x7  }
0x48: {  	[tilespmem:v2+s12+$0x0] =	vst.idx.add.f32.msk $0xffff, v1  }
0x49: {  	v2 =	vld [tilespmem:$0x2850];
	_ =	sdelay $0x7  }
0x4a: {  	[tilespmem:v2+s12+$0x0] =	vst.idx.add.f32.msk $0xffff, v1  }
0x4b: {  	v2 =	vld [tilespmem:$0x2860];
	_ =	sdelay $0x7  }
0x4c: {  	[tilespmem:v2+s12+$0x0] =	vst.idx.add.f32.msk $0xffff, v1  }
0x4d: {  	v2 =	vld [tilespmem:$0x2870];
	_ =	sdelay $0x7  }
0x4e: {  	[tilespmem:v2+s12+$0x0] =	vst.idx.add.f32.msk $0xffff, v1  }
0x4f: {  	v2 =	vld [tilespmem:$0x2880];
	_ =	sdelay $0x7  }
0x50: {  	[tilespmem:v2+s12+$0x0] =	vst.idx.add.f32.msk $0xffff, v1  }
0x51: {  	v2 =	vld [tilespmem:$0x2890];
	_ =	sdelay $0x7  }
0x52: {  	[tilespmem:v2+s12+$0x0] =	vst.idx.add.f32.msk $0xffff, v1  }
0x53: {  	v2 =	vld [tilespmem:$0x28A0];
	_ =	sdelay $0x7  }
0x54: {  	[tilespmem:v2+s12+$0x0] =	vst.idx.add.f32.msk $0xffff, v1  }
0x55: {  	v2 =	vld [tilespmem:$0x28B0];
	_ =	sdelay $0x7  }
0x56: {  	[tilespmem:v2+s12+$0x0] =	vst.idx.add.f32.msk $0xffff, v1  }
0x57: {  	[hbm4b:s6+s2] =	stream.linear.scatter [tilespmem:s11], [sflag:$0x2], $0x2800, $0x38;
	[tilespmem:$0x5150] =	vst v63  }
0x58: {  	s14 =	sadd.s32 $0x1, s14;
	_ =	swait.ge [sflag:s13], $0x2800  }
0x59: {  	p0 =	sne.s32 s14, s8;
	[sflag:s13] =	ssyncset.done $0x0  }
.Ltmp3:
0x5a: {  	[sflag:s13] =	ssyncadd.s32 $0xFFFFD800;
	(pc) =	sbr.rel @p0 .LBB2_1-.Ltmp3, $4  }
0x5b: {  	[hbm4b:s7+s2] =	stream.linear.scatter [tilespmem:s12], [sflag:$0x2], $0x90, $0x38;
	[tilespmem:$0x5150] =	vst v63  }
0x5c: {  	_ =	swait.ge [sflag:s13], $0x90  }
0x5d: {  	[sflag:s13] =	ssyncset.done $0x0  }
0x5e: {  	[sflag:s13] =	ssyncadd.s32 $0xFFFFFF70  }
0x5f: {  	_ =	sfence.sel $0x180000  }
0x60: {  	[bflag:$0x0] =	sbarrier.arrive $0xFFFF  }
0x61: {  	p0 =	sne.s32 s0, $0x0;
	_ =	strace $0x90000047  }
0x62: {  	s0 =	sadd.s32 @!p0 $0x100000, s1;
	[bflag:$0x2] =	sbarrier.arrive $0xFFFF  }
0x63: {  	[sflag:s0] =	ssyncadd.tile.s32 @!p0 $0x1;
	_ =	shalt  }
.Lfunc_end2:
_tile_overlayer_lowered:
.L_overlay_start_2:
0x64: {  	(tag) =	ssettag $0x2  }
0x65: {  	s0 =	rddreg [dreg:$0x0];
	s2 =	stileid.u32  }
0x66: {  	s1 =	rddreg [dreg:$0x1];
	p0 =	sne.s32 s2, $0x0  }
0x67: {  	s3 =	rddreg [dreg:$0x2];
	[bflag:$0x3] =	sbarrier.arrive $0xFFFF;
	s2 =	simm.s32 @!p0 $0x1C02  }
0x68: {  	[timem:s3], [sflag:s2] =	dma.local @!p0 [hbm:s0], s1  }
0x69: {  	s0 =	simm.s32 @!p0 $0x2  }
0x6a: {  	_ =	swait.ge @!p0 [sflag:s0], s1  }
0x6b: {  	s1 =	ssub.s32 @!p0 $0x0, s1;
	[sflag:s0] =	ssyncset.done @!p0 $0x0  }
0x6c: {  	[sflag:s0] =	ssyncadd.s32 @!p0 s1  }
0x6d: {  	[bflag:$0x3] =	sbarrier.arrive $0xFFFF  }
0x6e: {  	_ =	shalt  }

</sc_bundles>
